<compile_context>
chip_gen: v7x
topology: tpu7x:2x2x1
jax: 0.10.2.dev20260603
libtpu: 0.0.44.dev20260713+nightly
codegen_flags: <defaults>
</compile_context>

<pallas_src>
import functools

import numpy as np
import jax
import jax.numpy as jnp
from jax import lax
from jax.experimental import pallas as pl
from jax.experimental.pallas import tpu as pltpu
from jax.experimental.pallas import tpu_sc as plsc

_COMPOSED = (0, 14, 15, 16, 17, 5, 2, 6, 3, 7, 4, 11, 8, 12, 9, 13, 10)

_C = 3
_T = 32768
_K = 18
_M = 8
_J = 17
_NW = 32
_TT = _T // _NW
_NB = 5
_AHEAD = 3

_TASKS = list(range(_J))

_mesh = plsc.VectorSubcoreMesh(core_axis_name="c", subcore_axis_name="s")


@functools.partial(
    pl.kernel,
    mesh=_mesh,
    compiler_params=pltpu.CompilerParams(needs_layout_passes=False),
    out_type=jax.ShapeDtypeStruct((_J, _C, _M, _T), jnp.float32),
    scratch_types=[
        pltpu.VMEM((_NB, _C, _M, _TT), jnp.float32),
    ] + [pltpu.SemaphoreType.DMA] * (2 * _NB),
)
def _sc_plane_copy(x_hbm, out_hbm, buf, *sems):
    in_sem = sems[:_NB]
    out_sem = sems[_NB:]
    wid = lax.axis_index("s") * 2 + lax.axis_index("c")
    t0 = wid * _TT

    def in_copy(p):
        k = _COMPOSED[_TASKS[p]]
        return pltpu.async_copy(
            x_hbm.at[:, k, :, pl.ds(t0, _TT)], buf.at[p % _NB],
            in_sem[p % _NB])

    def out_copy(p):
        j = _TASKS[p]
        return pltpu.async_copy(
            buf.at[p % _NB], out_hbm.at[j, :, :, pl.ds(t0, _TT)],
            out_sem[p % _NB])

    n = len(_TASKS)
    in_flight = {}
    out_flight = {}
    for p in range(_AHEAD):
        in_flight[p] = in_copy(p)
    for p in range(n):
        in_flight.pop(p).wait()
        out_flight[p] = out_copy(p)
        q = p + _AHEAD
        if q < n:
            if q - _NB >= 0:
                out_flight.pop(q - _NB).wait()
            in_flight[q] = in_copy(q)
    for p in sorted(out_flight):
        out_flight.pop(p).wait()


def kernel(openpose_keypoints):
    x_phys = jnp.transpose(openpose_keypoints, (0, 2, 3, 1))
    out_phys = _sc_plane_copy(x_phys)
    return jnp.transpose(out_phys, (3, 2, 0, 1))

# --- scband reference (transcript-rebuilt; emitter-appended) ---
"""Pipeline reference for scband-openpose-to-coco-keypoints-30588757082687 (READ-ONLY COPY).

The authoritative reference and input builder live on the scoring server;
editing this copy changes nothing except your own understanding.
"""

import jax, jax.numpy as jnp
import numpy as np

# OpenposeToCocoKeypoints with reconvert_from_stgcn_input=True.
# Input is ST-GCN layout (C=3, T, K=18, M); permute(1,3,2,0) -> (T, M, K=18, V=3).
# Then drop joint 1 (neck) and reorder remaining 17 joints via ordered_indices.
# Composed mapping into the original 18-joint axis:
#   after-drop index i -> original index (i if i == 0 else i + 1)
#   ordered_indices = [0,13,14,15,16,4,1,5,2,6,3,10,7,11,8,12,9]
#   composed       = [0,14,15,16,17,5,2,6,3,7,4,11,8,12,9,13,10]
_COMPOSED_IDX = jnp.array([0, 14, 15, 16, 17, 5, 2, 6, 3, 7, 4, 11, 8, 12, 9, 13, 10], dtype=jnp.int32)


def setup_inputs(seed: int = 0) -> dict:
    key = jax.random.key(seed)
    openpose_keypoints = jax.random.normal(key, (3, 32768, 18, 8), dtype=jnp.float32)
    return {"openpose_keypoints": openpose_keypoints}


def reference(openpose_keypoints) -> jnp.ndarray:
    # reconvert_from_stgcn_input=True path
    x = jnp.transpose(openpose_keypoints, (1, 3, 2, 0))  # (T, M, 18, 3)
    T, M, K, V = x.shape
    assert K == 18
    assert V == 3
    # Gather along the joint axis reproduces the drop + reorder exactly.
    coco_keypoints = jnp.take(x, _COMPOSED_IDX, axis=2)  # (T, M, 17, 3)
    return coco_keypoints

if __name__ == "__main__":
    import jax
    _d = setup_inputs()
    print(jax.jit(kernel)(*tuple(_d.values())))

</pallas_src>

<mosaic_0001>
#map = affine_map<(d0, d1) -> (0, 0, 0, 0)>
module attributes {stable_mosaic.version = 14 : i64} {
  func.func @_sc_plane_copy(%arg0: i32, %arg1: i32, %arg2: memref<3x18x8x32768xf32, #tpu.memory_space<hbm>>, %arg3: memref<17x3x8x32768xf32, #tpu.memory_space<hbm>>, %arg4: memref<5x3x8x1024xf32, #tpu.memory_space<vmem>>, %arg5: memref<!tpu.dma_semaphore, #tpu.memory_space<semaphore_mem>>, %arg6: memref<!tpu.dma_semaphore, #tpu.memory_space<semaphore_mem>>, %arg7: memref<!tpu.dma_semaphore, #tpu.memory_space<semaphore_mem>>, %arg8: memref<!tpu.dma_semaphore, #tpu.memory_space<semaphore_mem>>, %arg9: memref<!tpu.dma_semaphore, #tpu.memory_space<semaphore_mem>>, %arg10: memref<!tpu.dma_semaphore, #tpu.memory_space<semaphore_mem>>, %arg11: memref<!tpu.dma_semaphore, #tpu.memory_space<semaphore_mem>>, %arg12: memref<!tpu.dma_semaphore, #tpu.memory_space<semaphore_mem>>, %arg13: memref<!tpu.dma_semaphore, #tpu.memory_space<semaphore_mem>>, %arg14: memref<!tpu.dma_semaphore, #tpu.memory_space<semaphore_mem>>) attributes {dimension_semantics = [#tpu.dimension_semantics<core_parallel>, #tpu.dimension_semantics<subcore_parallel>], iteration_bounds = array<i64: 2, 16>, scalar_prefetch = 0 : i64, scratch_operands = 11 : i64, tpu.core_type = #tpu.core_type<sc_vector_subcore>, window_params = [{transform_indices = #map}, {transform_indices = #map}]} {
    %mul3A = arith.constant 2 : i32
    %mul3A_0 = arith.muli %arg1, %mul3A : i32
    %add3A = arith.addi %mul3A_0, %arg0 : i32
    %mul3A_1 = arith.constant 1024 : i32
    %mul3A_2 = arith.muli %add3A, %mul3A_1 : i32
    %dma_start3A = arith.constant 0 : i32
    %dma_start3A_3 = arith.constant 0 : i32
    %dma_start3A_4 = arith.constant 0 : i32
    %dma_start3A_5 = arith.constant 0 : i32
    %dma_start3A_6 = arith.constant 0 : i32
    %dma_start3A_7 = tpu.memref_slice %arg4[%dma_start3A_3, %dma_start3A_4, %dma_start3A_5, %dma_start3A_6] : memref<5x3x8x1024xf32, #tpu.memory_space<vmem>> -> memref<1x3x8x1024xf32, #tpu.memory_space<vmem>>
    %dma_start3A_8 = tpu.memref_squeeze %dma_start3A_7 : memref<1x3x8x1024xf32, #tpu.memory_space<vmem>> -> memref<3x8x1024xf32, #tpu.memory_space<vmem>>
    %dma_start3A_9 = arith.constant 0 : i32
    %dma_start3A_10 = arith.constant 0 : i32
    %dma_start3A_11 = tpu.memref_slice %arg2[%dma_start3A_9, %dma_start3A, %dma_start3A_10, %mul3A_2] : memref<3x18x8x32768xf32, #tpu.memory_space<hbm>> -> memref<3x1x8x1024xf32, #tpu.memory_space<hbm>>
    %dma_start3A_12 = tpu.memref_squeeze %dma_start3A_11 : memref<3x1x8x1024xf32, #tpu.memory_space<hbm>> -> memref<3x8x1024xf32, #tpu.memory_space<hbm>>
    %dma_start3A_13 = arith.constant 0 : i32
    %dma_start3A_14 = arith.constant 0 : i32
    %dma_start3A_15 = arith.constant 0 : i32
    %dma_start3A_16 = tpu.memref_slice %arg4[%dma_start3A_3, %dma_start3A_13, %dma_start3A_14, %dma_start3A_15] : memref<5x3x8x1024xf32, #tpu.memory_space<vmem>> -> memref<1x3x8x1024xf32, #tpu.memory_space<vmem>>
    %dma_start3A_17 = tpu.memref_squeeze %dma_start3A_16 : memref<1x3x8x1024xf32, #tpu.memory_space<vmem>> -> memref<3x8x1024xf32, #tpu.memory_space<vmem>>
    %dma_start3A_18 = arith.constant 0 : i32
    %dma_start3A_19 = arith.constant 0 : i32
    %dma_start3A_20 = tpu.memref_slice %arg2[%dma_start3A_18, %dma_start3A, %dma_start3A_19, %mul3A_2] : memref<3x18x8x32768xf32, #tpu.memory_space<hbm>> -> memref<3x1x8x1024xf32, #tpu.memory_space<hbm>>
    %dma_start3A_21 = tpu.memref_squeeze %dma_start3A_20 : memref<3x1x8x1024xf32, #tpu.memory_space<hbm>> -> memref<3x8x1024xf32, #tpu.memory_space<hbm>>
    tpu.enqueue_dma source(%dma_start3A_21 : memref<3x8x1024xf32, #tpu.memory_space<hbm>>) target(%dma_start3A_17 : memref<3x8x1024xf32, #tpu.memory_space<vmem>>) target_semaphore(%arg5 : memref<!tpu.dma_semaphore, #tpu.memory_space<semaphore_mem>>)
    %dma_start3A_22 = arith.constant 14 : i32
    %dma_start3A_23 = arith.constant 1 : i32
    %dma_start3A_24 = arith.constant 0 : i32
    %dma_start3A_25 = arith.constant 0 : i32
    %dma_start3A_26 = arith.constant 0 : i32
    %dma_start3A_27 = tpu.memref_slice %arg4[%dma_start3A_23, %dma_start3A_24, %dma_start3A_25, %dma_start3A_26] : memref<5x3x8x1024xf32, #tpu.memory_space<vmem>> -> memref<1x3x8x1024xf32, #tpu.memory_space<vmem>>
    %dma_start3A_28 = tpu.memref_squeeze %dma_start3A_27 : memref<1x3x8x1024xf32, #tpu.memory_space<vmem>> -> memref<3x8x1024xf32, #tpu.memory_space<vmem>>
    %dma_start3A_29 = arith.constant 0 : i32
    %dma_start3A_30 = arith.constant 0 : i32
    %dma_start3A_31 = tpu.memref_slice %arg2[%dma_start3A_29, %dma_start3A_22, %dma_start3A_30, %mul3A_2] : memref<3x18x8x32768xf32, #tpu.memory_space<hbm>> -> memref<3x1x8x1024xf32, #tpu.memory_space<hbm>>
    %dma_start3A_32 = tpu.memref_squeeze %dma_start3A_31 : memref<3x1x8x1024xf32, #tpu.memory_space<hbm>> -> memref<3x8x1024xf32, #tpu.memory_space<hbm>>
    %dma_start3A_33 = arith.constant 0 : i32
    %dma_start3A_34 = arith.constant 0 : i32
    %dma_start3A_35 = arith.constant 0 : i32
    %dma_start3A_36 = tpu.memref_slice %arg4[%dma_start3A_23, %dma_start3A_33, %dma_start3A_34, %dma_start3A_35] : memref<5x3x8x1024xf32, #tpu.memory_space<vmem>> -> memref<1x3x8x1024xf32, #tpu.memory_space<vmem>>
    %dma_start3A_37 = tpu.memref_squeeze %dma_start3A_36 : memref<1x3x8x1024xf32, #tpu.memory_space<vmem>> -> memref<3x8x1024xf32, #tpu.memory_space<vmem>>
    %dma_start3A_38 = arith.constant 0 : i32
    %dma_start3A_39 = arith.constant 0 : i32
    %dma_start3A_40 = tpu.memref_slice %arg2[%dma_start3A_38, %dma_start3A_22, %dma_start3A_39, %mul3A_2] : memref<3x18x8x32768xf32, #tpu.memory_space<hbm>> -> memref<3x1x8x1024xf32, #tpu.memory_space<hbm>>
    %dma_start3A_41 = tpu.memref_squeeze %dma_start3A_40 : memref<3x1x8x1024xf32, #tpu.memory_space<hbm>> -> memref<3x8x1024xf32, #tpu.memory_space<hbm>>
    tpu.enqueue_dma source(%dma_start3A_41 : memref<3x8x1024xf32, #tpu.memory_space<hbm>>) target(%dma_start3A_37 : memref<3x8x1024xf32, #tpu.memory_space<vmem>>) target_semaphore(%arg6 : memref<!tpu.dma_semaphore, #tpu.memory_space<semaphore_mem>>)
    %dma_start3A_42 = arith.constant 15 : i32
    %dma_start3A_43 = arith.constant 2 : i32
    %dma_start3A_44 = arith.constant 0 : i32
    %dma_start3A_45 = arith.constant 0 : i32
    %dma_start3A_46 = arith.constant 0 : i32
    %dma_start3A_47 = tpu.memref_slice %arg4[%dma_start3A_43, %dma_start3A_44, %dma_start3A_45, %dma_start3A_46] : memref<5x3x8x1024xf32, #tpu.memory_space<vmem>> -> memref<1x3x8x1024xf32, #tpu.memory_space<vmem>>
    %dma_start3A_48 = tpu.memref_squeeze %dma_start3A_47 : memref<1x3x8x1024xf32, #tpu.memory_space<vmem>> -> memref<3x8x1024xf32, #tpu.memory_space<vmem>>
    %dma_start3A_49 = arith.constant 0 : i32
    %dma_start3A_50 = arith.constant 0 : i32
    %dma_start3A_51 = tpu.memref_slice %arg2[%dma_start3A_49, %dma_start3A_42, %dma_start3A_50, %mul3A_2] : memref<3x18x8x32768xf32, #tpu.memory_space<hbm>> -> memref<3x1x8x1024xf32, #tpu.memory_space<hbm>>
    %dma_start3A_52 = tpu.memref_squeeze %dma_start3A_51 : memref<3x1x8x1024xf32, #tpu.memory_space<hbm>> -> memref<3x8x1024xf32, #tpu.memory_space<hbm>>
    %dma_start3A_53 = arith.constant 0 : i32
    %dma_start3A_54 = arith.constant 0 : i32
    %dma_start3A_55 = arith.constant 0 : i32
    %dma_start3A_56 = tpu.memref_slice %arg4[%dma_start3A_43, %dma_start3A_53, %dma_start3A_54, %dma_start3A_55] : memref<5x3x8x1024xf32, #tpu.memory_space<vmem>> -> memref<1x3x8x1024xf32, #tpu.memory_space<vmem>>
    %dma_start3A_57 = tpu.memref_squeeze %dma_start3A_56 : memref<1x3x8x1024xf32, #tpu.memory_space<vmem>> -> memref<3x8x1024xf32, #tpu.memory_space<vmem>>
    %dma_start3A_58 = arith.constant 0 : i32
    %dma_start3A_59 = arith.constant 0 : i32
    %dma_start3A_60 = tpu.memref_slice %arg2[%dma_start3A_58, %dma_start3A_42, %dma_start3A_59, %mul3A_2] : memref<3x18x8x32768xf32, #tpu.memory_space<hbm>> -> memref<3x1x8x1024xf32, #tpu.memory_space<hbm>>
    %dma_start3A_61 = tpu.memref_squeeze %dma_start3A_60 : memref<3x1x8x1024xf32, #tpu.memory_space<hbm>> -> memref<3x8x1024xf32, #tpu.memory_space<hbm>>
    tpu.enqueue_dma source(%dma_start3A_61 : memref<3x8x1024xf32, #tpu.memory_space<hbm>>) target(%dma_start3A_57 : memref<3x8x1024xf32, #tpu.memory_space<vmem>>) target_semaphore(%arg7 : memref<!tpu.dma_semaphore, #tpu.memory_space<semaphore_mem>>)
    %dma_wait3A = arith.constant 0 : i32
    %dma_wait3A_62 = arith.constant 0 : i32
    %dma_wait3A_63 = arith.constant 0 : i32
    %dma_wait3A_64 = arith.constant 0 : i32
    %dma_wait3A_65 = arith.constant 0 : i32
    %dma_wait3A_66 = tpu.memref_slice %arg4[%dma_wait3A_62, %dma_wait3A_63, %dma_wait3A_64, %dma_wait3A_65] : memref<5x3x8x1024xf32, #tpu.memory_space<vmem>> -> memref<1x3x8x1024xf32, #tpu.memory_space<vmem>>
    %dma_wait3A_67 = tpu.memref_squeeze %dma_wait3A_66 : memref<1x3x8x1024xf32, #tpu.memory_space<vmem>> -> memref<3x8x1024xf32, #tpu.memory_space<vmem>>
    %dma_wait3A_68 = arith.constant 0 : i32
    %dma_wait3A_69 = arith.constant 0 : i32
    %dma_wait3A_70 = tpu.memref_slice %arg2[%dma_wait3A_68, %dma_wait3A, %dma_wait3A_69, %mul3A_2] : memref<3x18x8x32768xf32, #tpu.memory_space<hbm>> -> memref<3x1x8x1024xf32, #tpu.memory_space<hbm>>
    %dma_wait3A_71 = tpu.memref_squeeze %dma_wait3A_70 : memref<3x1x8x1024xf32, #tpu.memory_space<hbm>> -> memref<3x8x1024xf32, #tpu.memory_space<hbm>>
    %dma_wait3A_72 = arith.constant 0 : i32
    %dma_wait3A_73 = arith.constant 0 : i32
    %dma_wait3A_74 = arith.constant 0 : i32
    %dma_wait3A_75 = tpu.memref_slice %arg4[%dma_wait3A_62, %dma_wait3A_72, %dma_wait3A_73, %dma_wait3A_74] : memref<5x3x8x1024xf32, #tpu.memory_space<vmem>> -> memref<1x3x8x1024xf32, #tpu.memory_space<vmem>>
    %dma_wait3A_76 = tpu.memref_squeeze %dma_wait3A_75 : memref<1x3x8x1024xf32, #tpu.memory_space<vmem>> -> memref<3x8x1024xf32, #tpu.memory_space<vmem>>
    %dma_wait3A_77 = arith.constant 0 : i32
    %dma_wait3A_78 = arith.constant 0 : i32
    %dma_wait3A_79 = tpu.memref_slice %arg2[%dma_wait3A_77, %dma_wait3A, %dma_wait3A_78, %mul3A_2] : memref<3x18x8x32768xf32, #tpu.memory_space<hbm>> -> memref<3x1x8x1024xf32, #tpu.memory_space<hbm>>
    %dma_wait3A_80 = tpu.memref_squeeze %dma_wait3A_79 : memref<3x1x8x1024xf32, #tpu.memory_space<hbm>> -> memref<3x8x1024xf32, #tpu.memory_space<hbm>>
    tpu.wait_dma2 semaphore(%arg5 : memref<!tpu.dma_semaphore, #tpu.memory_space<semaphore_mem>>) src(%dma_wait3A_80 : memref<3x8x1024xf32, #tpu.memory_space<hbm>>) dst(%dma_wait3A_76 : memref<3x8x1024xf32, #tpu.memory_space<vmem>>)
    %dma_start3A_81 = arith.constant 0 : i32
    %dma_start3A_82 = arith.constant 0 : i32
    %dma_start3A_83 = arith.constant 0 : i32
    %dma_start3A_84 = arith.constant 0 : i32
    %dma_start3A_85 = arith.constant 0 : i32
    %dma_start3A_86 = tpu.memref_slice %arg4[%dma_start3A_81, %dma_start3A_83, %dma_start3A_84, %dma_start3A_85] : memref<5x3x8x1024xf32, #tpu.memory_space<vmem>> -> memref<1x3x8x1024xf32, #tpu.memory_space<vmem>>
    %dma_start3A_87 = tpu.memref_squeeze %dma_start3A_86 : memref<1x3x8x1024xf32, #tpu.memory_space<vmem>> -> memref<3x8x1024xf32, #tpu.memory_space<vmem>>
    %dma_start3A_88 = arith.constant 0 : i32
    %dma_start3A_89 = arith.constant 0 : i32
    %dma_start3A_90 = tpu.memref_slice %arg3[%dma_start3A_82, %dma_start3A_88, %dma_start3A_89, %mul3A_2] : memref<17x3x8x32768xf32, #tpu.memory_space<hbm>> -> memref<1x3x8x1024xf32, #tpu.memory_space<hbm>>
    %dma_start3A_91 = tpu.memref_squeeze %dma_start3A_90 : memref<1x3x8x1024xf32, #tpu.memory_space<hbm>> -> memref<3x8x1024xf32, #tpu.memory_space<hbm>>
    %dma_start3A_92 = arith.constant 0 : i32
    %dma_start3A_93 = arith.constant 0 : i32
    %dma_start3A_94 = tpu.memref_slice %arg3[%dma_start3A_82, %dma_start3A_92, %dma_start3A_93, %mul3A_2] : memref<17x3x8x32768xf32, #tpu.memory_space<hbm>> -> memref<1x3x8x1024xf32, #tpu.memory_space<hbm>>
    %dma_start3A_95 = tpu.memref_squeeze %dma_start3A_94 : memref<1x3x8x1024xf32, #tpu.memory_space<hbm>> -> memref<3x8x1024xf32, #tpu.memory_space<hbm>>
    %dma_start3A_96 = arith.constant 0 : i32
    %dma_start3A_97 = arith.constant 0 : i32
    %dma_start3A_98 = arith.constant 0 : i32
    %dma_start3A_99 = tpu.memref_slice %arg4[%dma_start3A_81, %dma_start3A_96, %dma_start3A_97, %dma_start3A_98] : memref<5x3x8x1024xf32, #tpu.memory_space<vmem>> -> memref<1x3x8x1024xf32, #tpu.memory_space<vmem>>
    %dma_start3A_100 = tpu.memref_squeeze %dma_start3A_99 : memref<1x3x8x1024xf32, #tpu.memory_space<vmem>> -> memref<3x8x1024xf32, #tpu.memory_space<vmem>>
    tpu.enqueue_dma source(%dma_start3A_100 : memref<3x8x1024xf32, #tpu.memory_space<vmem>>) target(%dma_start3A_95 : memref<3x8x1024xf32, #tpu.memory_space<hbm>>) target_semaphore(%arg10 : memref<!tpu.dma_semaphore, #tpu.memory_space<semaphore_mem>>)
    %dma_start3A_101 = arith.constant 16 : i32
    %dma_start3A_102 = arith.constant 3 : i32
    %dma_start3A_103 = arith.constant 0 : i32
    %dma_start3A_104 = arith.constant 0 : i32
    %dma_start3A_105 = arith.constant 0 : i32
    %dma_start3A_106 = tpu.memref_slice %arg4[%dma_start3A_102, %dma_start3A_103, %dma_start3A_104, %dma_start3A_105] : memref<5x3x8x1024xf32, #tpu.memory_space<vmem>> -> memref<1x3x8x1024xf32, #tpu.memory_space<vmem>>
    %dma_start3A_107 = tpu.memref_squeeze %dma_start3A_106 : memref<1x3x8x1024xf32, #tpu.memory_space<vmem>> -> memref<3x8x1024xf32, #tpu.memory_space<vmem>>
    %dma_start3A_108 = arith.constant 0 : i32
    %dma_start3A_109 = arith.constant 0 : i32
    %dma_start3A_110 = tpu.memref_slice %arg2[%dma_start3A_108, %dma_start3A_101, %dma_start3A_109, %mul3A_2] : memref<3x18x8x32768xf32, #tpu.memory_space<hbm>> -> memref<3x1x8x1024xf32, #tpu.memory_space<hbm>>
    %dma_start3A_111 = tpu.memref_squeeze %dma_start3A_110 : memref<3x1x8x1024xf32, #tpu.memory_space<hbm>> -> memref<3x8x1024xf32, #tpu.memory_space<hbm>>
    %dma_start3A_112 = arith.constant 0 : i32
    %dma_start3A_113 = arith.constant 0 : i32
    %dma_start3A_114 = arith.constant 0 : i32
    %dma_start3A_115 = tpu.memref_slice %arg4[%dma_start3A_102, %dma_start3A_112, %dma_start3A_113, %dma_start3A_114] : memref<5x3x8x1024xf32, #tpu.memory_space<vmem>> -> memref<1x3x8x1024xf32, #tpu.memory_space<vmem>>
    %dma_start3A_116 = tpu.memref_squeeze %dma_start3A_115 : memref<1x3x8x1024xf32, #tpu.memory_space<vmem>> -> memref<3x8x1024xf32, #tpu.memory_space<vmem>>
    %dma_start3A_117 = arith.constant 0 : i32
    %dma_start3A_118 = arith.constant 0 : i32
    %dma_start3A_119 = tpu.memref_slice %arg2[%dma_start3A_117, %dma_start3A_101, %dma_start3A_118, %mul3A_2] : memref<3x18x8x32768xf32, #tpu.memory_space<hbm>> -> memref<3x1x8x1024xf32, #tpu.memory_space<hbm>>
    %dma_start3A_120 = tpu.memref_squeeze %dma_start3A_119 : memref<3x1x8x1024xf32, #tpu.memory_space<hbm>> -> memref<3x8x1024xf32, #tpu.memory_space<hbm>>
    tpu.enqueue_dma source(%dma_start3A_120 : memref<3x8x1024xf32, #tpu.memory_space<hbm>>) target(%dma_start3A_116 : memref<3x8x1024xf32, #tpu.memory_space<vmem>>) target_semaphore(%arg8 : memref<!tpu.dma_semaphore, #tpu.memory_space<semaphore_mem>>)
    %dma_wait3A_121 = arith.constant 14 : i32
    %dma_wait3A_122 = arith.constant 1 : i32
    %dma_wait3A_123 = arith.constant 0 : i32
    %dma_wait3A_124 = arith.constant 0 : i32
    %dma_wait3A_125 = arith.constant 0 : i32
    %dma_wait3A_126 = tpu.memref_slice %arg4[%dma_wait3A_122, %dma_wait3A_123, %dma_wait3A_124, %dma_wait3A_125] : memref<5x3x8x1024xf32, #tpu.memory_space<vmem>> -> memref<1x3x8x1024xf32, #tpu.memory_space<vmem>>
    %dma_wait3A_127 = tpu.memref_squeeze %dma_wait3A_126 : memref<1x3x8x1024xf32, #tpu.memory_space<vmem>> -> memref<3x8x1024xf32, #tpu.memory_space<vmem>>
    %dma_wait3A_128 = arith.constant 0 : i32
    %dma_wait3A_129 = arith.constant 0 : i32
    %dma_wait3A_130 = tpu.memref_slice %arg2[%dma_wait3A_128, %dma_wait3A_121, %dma_wait3A_129, %mul3A_2] : memref<3x18x8x32768xf32, #tpu.memory_space<hbm>> -> memref<3x1x8x1024xf32, #tpu.memory_space<hbm>>
    %dma_wait3A_131 = tpu.memref_squeeze %dma_wait3A_130 : memref<3x1x8x1024xf32, #tpu.memory_space<hbm>> -> memref<3x8x1024xf32, #tpu.memory_space<hbm>>
    %dma_wait3A_132 = arith.constant 0 : i32
    %dma_wait3A_133 = arith.constant 0 : i32
    %dma_wait3A_134 = arith.constant 0 : i32
    %dma_wait3A_135 = tpu.memref_slice %arg4[%dma_wait3A_122, %dma_wait3A_132, %dma_wait3A_133, %dma_wait3A_134] : memref<5x3x8x1024xf32, #tpu.memory_space<vmem>> -> memref<1x3x8x1024xf32, #tpu.memory_space<vmem>>
    %dma_wait3A_136 = tpu.memref_squeeze %dma_wait3A_135 : memref<1x3x8x1024xf32, #tpu.memory_space<vmem>> -> memref<3x8x1024xf32, #tpu.memory_space<vmem>>
    %dma_wait3A_137 = arith.constant 0 : i32
    %dma_wait3A_138 = arith.constant 0 : i32
    %dma_wait3A_139 = tpu.memref_slice %arg2[%dma_wait3A_137, %dma_wait3A_121, %dma_wait3A_138, %mul3A_2] : memref<3x18x8x32768xf32, #tpu.memory_space<hbm>> -> memref<3x1x8x1024xf32, #tpu.memory_space<hbm>>
    %dma_wait3A_140 = tpu.memref_squeeze %dma_wait3A_139 : memref<3x1x8x1024xf32, #tpu.memory_space<hbm>> -> memref<3x8x1024xf32, #tpu.memory_space<hbm>>
    tpu.wait_dma2 semaphore(%arg6 : memref<!tpu.dma_semaphore, #tpu.memory_space<semaphore_mem>>) src(%dma_wait3A_140 : memref<3x8x1024xf32, #tpu.memory_space<hbm>>) dst(%dma_wait3A_136 : memref<3x8x1024xf32, #tpu.memory_space<vmem>>)
    %dma_start3A_141 = arith.constant 1 : i32
    %dma_start3A_142 = arith.constant 1 : i32
    %dma_start3A_143 = arith.constant 0 : i32
    %dma_start3A_144 = arith.constant 0 : i32
    %dma_start3A_145 = arith.constant 0 : i32
    %dma_start3A_146 = tpu.memref_slice %arg4[%dma_start3A_141, %dma_start3A_143, %dma_start3A_144, %dma_start3A_145] : memref<5x3x8x1024xf32, #tpu.memory_space<vmem>> -> memref<1x3x8x1024xf32, #tpu.memory_space<vmem>>
    %dma_start3A_147 = tpu.memref_squeeze %dma_start3A_146 : memref<1x3x8x1024xf32, #tpu.memory_space<vmem>> -> memref<3x8x1024xf32, #tpu.memory_space<vmem>>
    %dma_start3A_148 = arith.constant 0 : i32
    %dma_start3A_149 = arith.constant 0 : i32
    %dma_start3A_150 = tpu.memref_slice %arg3[%dma_start3A_142, %dma_start3A_148, %dma_start3A_149, %mul3A_2] : memref<17x3x8x32768xf32, #tpu.memory_space<hbm>> -> memref<1x3x8x1024xf32, #tpu.memory_space<hbm>>
    %dma_start3A_151 = tpu.memref_squeeze %dma_start3A_150 : memref<1x3x8x1024xf32, #tpu.memory_space<hbm>> -> memref<3x8x1024xf32, #tpu.memory_space<hbm>>
    %dma_start3A_152 = arith.constant 0 : i32
    %dma_start3A_153 = arith.constant 0 : i32
    %dma_start3A_154 = tpu.memref_slice %arg3[%dma_start3A_142, %dma_start3A_152, %dma_start3A_153, %mul3A_2] : memref<17x3x8x32768xf32, #tpu.memory_space<hbm>> -> memref<1x3x8x1024xf32, #tpu.memory_space<hbm>>
    %dma_start3A_155 = tpu.memref_squeeze %dma_start3A_154 : memref<1x3x8x1024xf32, #tpu.memory_space<hbm>> -> memref<3x8x1024xf32, #tpu.memory_space<hbm>>
    %dma_start3A_156 = arith.constant 0 : i32
    %dma_start3A_157 = arith.constant 0 : i32
    %dma_start3A_158 = arith.constant 0 : i32
    %dma_start3A_159 = tpu.memref_slice %arg4[%dma_start3A_141, %dma_start3A_156, %dma_start3A_157, %dma_start3A_158] : memref<5x3x8x1024xf32, #tpu.memory_space<vmem>> -> memref<1x3x8x1024xf32, #tpu.memory_space<vmem>>
    %dma_start3A_160 = tpu.memref_squeeze %dma_start3A_159 : memref<1x3x8x1024xf32, #tpu.memory_space<vmem>> -> memref<3x8x1024xf32, #tpu.memory_space<vmem>>
    tpu.enqueue_dma source(%dma_start3A_160 : memref<3x8x1024xf32, #tpu.memory_space<vmem>>) target(%dma_start3A_155 : memref<3x8x1024xf32, #tpu.memory_space<hbm>>) target_semaphore(%arg11 : memref<!tpu.dma_semaphore, #tpu.memory_space<semaphore_mem>>)
    %dma_start3A_161 = arith.constant 17 : i32
    %dma_start3A_162 = arith.constant 4 : i32
    %dma_start3A_163 = arith.constant 0 : i32
    %dma_start3A_164 = arith.constant 0 : i32
    %dma_start3A_165 = arith.constant 0 : i32
    %dma_start3A_166 = tpu.memref_slice %arg4[%dma_start3A_162, %dma_start3A_163, %dma_start3A_164, %dma_start3A_165] : memref<5x3x8x1024xf32, #tpu.memory_space<vmem>> -> memref<1x3x8x1024xf32, #tpu.memory_space<vmem>>
    %dma_start3A_167 = tpu.memref_squeeze %dma_start3A_166 : memref<1x3x8x1024xf32, #tpu.memory_space<vmem>> -> memref<3x8x1024xf32, #tpu.memory_space<vmem>>
    %dma_start3A_168 = arith.constant 0 : i32
    %dma_start3A_169 = arith.constant 0 : i32
    %dma_start3A_170 = tpu.memref_slice %arg2[%dma_start3A_168, %dma_start3A_161, %dma_start3A_169, %mul3A_2] : memref<3x18x8x32768xf32, #tpu.memory_space<hbm>> -> memref<3x1x8x1024xf32, #tpu.memory_space<hbm>>
    %dma_start3A_171 = tpu.memref_squeeze %dma_start3A_170 : memref<3x1x8x1024xf32, #tpu.memory_space<hbm>> -> memref<3x8x1024xf32, #tpu.memory_space<hbm>>
    %dma_start3A_172 = arith.constant 0 : i32
    %dma_start3A_173 = arith.constant 0 : i32
    %dma_start3A_174 = arith.constant 0 : i32
    %dma_start3A_175 = tpu.memref_slice %arg4[%dma_start3A_162, %dma_start3A_172, %dma_start3A_173, %dma_start3A_174] : memref<5x3x8x1024xf32, #tpu.memory_space<vmem>> -> memref<1x3x8x1024xf32, #tpu.memory_space<vmem>>
    %dma_start3A_176 = tpu.memref_squeeze %dma_start3A_175 : memref<1x3x8x1024xf32, #tpu.memory_space<vmem>> -> memref<3x8x1024xf32, #tpu.memory_space<vmem>>
    %dma_start3A_177 = arith.constant 0 : i32
    %dma_start3A_178 = arith.constant 0 : i32
    %dma_start3A_179 = tpu.memref_slice %arg2[%dma_start3A_177, %dma_start3A_161, %dma_start3A_178, %mul3A_2] : memref<3x18x8x32768xf32, #tpu.memory_space<hbm>> -> memref<3x1x8x1024xf32, #tpu.memory_space<hbm>>
    %dma_start3A_180 = tpu.memref_squeeze %dma_start3A_179 : memref<3x1x8x1024xf32, #tpu.memory_space<hbm>> -> memref<3x8x1024xf32, #tpu.memory_space<hbm>>
    tpu.enqueue_dma source(%dma_start3A_180 : memref<3x8x1024xf32, #tpu.memory_space<hbm>>) target(%dma_start3A_176 : memref<3x8x1024xf32, #tpu.memory_space<vmem>>) target_semaphore(%arg9 : memref<!tpu.dma_semaphore, #tpu.memory_space<semaphore_mem>>)
    %dma_wait3A_181 = arith.constant 15 : i32
    %dma_wait3A_182 = arith.constant 2 : i32
    %dma_wait3A_183 = arith.constant 0 : i32
    %dma_wait3A_184 = arith.constant 0 : i32
    %dma_wait3A_185 = arith.constant 0 : i32
    %dma_wait3A_186 = tpu.memref_slice %arg4[%dma_wait3A_182, %dma_wait3A_183, %dma_wait3A_184, %dma_wait3A_185] : memref<5x3x8x1024xf32, #tpu.memory_space<vmem>> -> memref<1x3x8x1024xf32, #tpu.memory_space<vmem>>
    %dma_wait3A_187 = tpu.memref_squeeze %dma_wait3A_186 : memref<1x3x8x1024xf32, #tpu.memory_space<vmem>> -> memref<3x8x1024xf32, #tpu.memory_space<vmem>>
    %dma_wait3A_188 = arith.constant 0 : i32
    %dma_wait3A_189 = arith.constant 0 : i32
    %dma_wait3A_190 = tpu.memref_slice %arg2[%dma_wait3A_188, %dma_wait3A_181, %dma_wait3A_189, %mul3A_2] : memref<3x18x8x32768xf32, #tpu.memory_space<hbm>> -> memref<3x1x8x1024xf32, #tpu.memory_space<hbm>>
    %dma_wait3A_191 = tpu.memref_squeeze %dma_wait3A_190 : memref<3x1x8x1024xf32, #tpu.memory_space<hbm>> -> memref<3x8x1024xf32, #tpu.memory_space<hbm>>
    %dma_wait3A_192 = arith.constant 0 : i32
    %dma_wait3A_193 = arith.constant 0 : i32
    %dma_wait3A_194 = arith.constant 0 : i32
    %dma_wait3A_195 = tpu.memref_slice %arg4[%dma_wait3A_182, %dma_wait3A_192, %dma_wait3A_193, %dma_wait3A_194] : memref<5x3x8x1024xf32, #tpu.memory_space<vmem>> -> memref<1x3x8x1024xf32, #tpu.memory_space<vmem>>
    %dma_wait3A_196 = tpu.memref_squeeze %dma_wait3A_195 : memref<1x3x8x1024xf32, #tpu.memory_space<vmem>> -> memref<3x8x1024xf32, #tpu.memory_space<vmem>>
    %dma_wait3A_197 = arith.constant 0 : i32
    %dma_wait3A_198 = arith.constant 0 : i32
    %dma_wait3A_199 = tpu.memref_slice %arg2[%dma_wait3A_197, %dma_wait3A_181, %dma_wait3A_198, %mul3A_2] : memref<3x18x8x32768xf32, #tpu.memory_space<hbm>> -> memref<3x1x8x1024xf32, #tpu.memory_space<hbm>>
    %dma_wait3A_200 = tpu.memref_squeeze %dma_wait3A_199 : memref<3x1x8x1024xf32, #tpu.memory_space<hbm>> -> memref<3x8x1024xf32, #tpu.memory_space<hbm>>
    tpu.wait_dma2 semaphore(%arg7 : memref<!tpu.dma_semaphore, #tpu.memory_space<semaphore_mem>>) src(%dma_wait3A_200 : memref<3x8x1024xf32, #tpu.memory_space<hbm>>) dst(%dma_wait3A_196 : memref<3x8x1024xf32, #tpu.memory_space<vmem>>)
    %dma_start3A_201 = arith.constant 2 : i32
    %dma_start3A_202 = arith.constant 2 : i32
    %dma_start3A_203 = arith.constant 0 : i32
    %dma_start3A_204 = arith.constant 0 : i32
    %dma_start3A_205 = arith.constant 0 : i32
    %dma_start3A_206 = tpu.memref_slice %arg4[%dma_start3A_201, %dma_start3A_203, %dma_start3A_204, %dma_start3A_205] : memref<5x3x8x1024xf32, #tpu.memory_space<vmem>> -> memref<1x3x8x1024xf32, #tpu.memory_space<vmem>>
    %dma_start3A_207 = tpu.memref_squeeze %dma_start3A_206 : memref<1x3x8x1024xf32, #tpu.memory_space<vmem>> -> memref<3x8x1024xf32, #tpu.memory_space<vmem>>
    %dma_start3A_208 = arith.constant 0 : i32
    %dma_start3A_209 = arith.constant 0 : i32
    %dma_start3A_210 = tpu.memref_slice %arg3[%dma_start3A_202, %dma_start3A_208, %dma_start3A_209, %mul3A_2] : memref<17x3x8x32768xf32, #tpu.memory_space<hbm>> -> memref<1x3x8x1024xf32, #tpu.memory_space<hbm>>
    %dma_start3A_211 = tpu.memref_squeeze %dma_start3A_210 : memref<1x3x8x1024xf32, #tpu.memory_space<hbm>> -> memref<3x8x1024xf32, #tpu.memory_space<hbm>>
    %dma_start3A_212 = arith.constant 0 : i32
    %dma_start3A_213 = arith.constant 0 : i32
    %dma_start3A_214 = tpu.memref_slice %arg3[%dma_start3A_202, %dma_start3A_212, %dma_start3A_213, %mul3A_2] : memref<17x3x8x32768xf32, #tpu.memory_space<hbm>> -> memref<1x3x8x1024xf32, #tpu.memory_space<hbm>>
    %dma_start3A_215 = tpu.memref_squeeze %dma_start3A_214 : memref<1x3x8x1024xf32, #tpu.memory_space<hbm>> -> memref<3x8x1024xf32, #tpu.memory_space<hbm>>
    %dma_start3A_216 = arith.constant 0 : i32
    %dma_start3A_217 = arith.constant 0 : i32
    %dma_start3A_218 = arith.constant 0 : i32
    %dma_start3A_219 = tpu.memref_slice %arg4[%dma_start3A_201, %dma_start3A_216, %dma_start3A_217, %dma_start3A_218] : memref<5x3x8x1024xf32, #tpu.memory_space<vmem>> -> memref<1x3x8x1024xf32, #tpu.memory_space<vmem>>
    %dma_start3A_220 = tpu.memref_squeeze %dma_start3A_219 : memref<1x3x8x1024xf32, #tpu.memory_space<vmem>> -> memref<3x8x1024xf32, #tpu.memory_space<vmem>>
    tpu.enqueue_dma source(%dma_start3A_220 : memref<3x8x1024xf32, #tpu.memory_space<vmem>>) target(%dma_start3A_215 : memref<3x8x1024xf32, #tpu.memory_space<hbm>>) target_semaphore(%arg12 : memref<!tpu.dma_semaphore, #tpu.memory_space<semaphore_mem>>)
    %dma_wait3A_221 = arith.constant 0 : i32
    %dma_wait3A_222 = arith.constant 0 : i32
    %dma_wait3A_223 = arith.constant 0 : i32
    %dma_wait3A_224 = arith.constant 0 : i32
    %dma_wait3A_225 = arith.constant 0 : i32
    %dma_wait3A_226 = tpu.memref_slice %arg4[%dma_wait3A_221, %dma_wait3A_223, %dma_wait3A_224, %dma_wait3A_225] : memref<5x3x8x1024xf32, #tpu.memory_space<vmem>> -> memref<1x3x8x1024xf32, #tpu.memory_space<vmem>>
    %dma_wait3A_227 = tpu.memref_squeeze %dma_wait3A_226 : memref<1x3x8x1024xf32, #tpu.memory_space<vmem>> -> memref<3x8x1024xf32, #tpu.memory_space<vmem>>
    %dma_wait3A_228 = arith.constant 0 : i32
    %dma_wait3A_229 = arith.constant 0 : i32
    %dma_wait3A_230 = tpu.memref_slice %arg3[%dma_wait3A_222, %dma_wait3A_228, %dma_wait3A_229, %mul3A_2] : memref<17x3x8x32768xf32, #tpu.memory_space<hbm>> -> memref<1x3x8x1024xf32, #tpu.memory_space<hbm>>
    %dma_wait3A_231 = tpu.memref_squeeze %dma_wait3A_230 : memref<1x3x8x1024xf32, #tpu.memory_space<hbm>> -> memref<3x8x1024xf32, #tpu.memory_space<hbm>>
    %dma_wait3A_232 = arith.constant 0 : i32
    %dma_wait3A_233 = arith.constant 0 : i32
    %dma_wait3A_234 = tpu.memref_slice %arg3[%dma_wait3A_222, %dma_wait3A_232, %dma_wait3A_233, %mul3A_2] : memref<17x3x8x32768xf32, #tpu.memory_space<hbm>> -> memref<1x3x8x1024xf32, #tpu.memory_space<hbm>>
    %dma_wait3A_235 = tpu.memref_squeeze %dma_wait3A_234 : memref<1x3x8x1024xf32, #tpu.memory_space<hbm>> -> memref<3x8x1024xf32, #tpu.memory_space<hbm>>
    %dma_wait3A_236 = arith.constant 0 : i32
    %dma_wait3A_237 = arith.constant 0 : i32
    %dma_wait3A_238 = arith.constant 0 : i32
    %dma_wait3A_239 = tpu.memref_slice %arg4[%dma_wait3A_221, %dma_wait3A_236, %dma_wait3A_237, %dma_wait3A_238] : memref<5x3x8x1024xf32, #tpu.memory_space<vmem>> -> memref<1x3x8x1024xf32, #tpu.memory_space<vmem>>
    %dma_wait3A_240 = tpu.memref_squeeze %dma_wait3A_239 : memref<1x3x8x1024xf32, #tpu.memory_space<vmem>> -> memref<3x8x1024xf32, #tpu.memory_space<vmem>>
    tpu.wait_dma2 semaphore(%arg10 : memref<!tpu.dma_semaphore, #tpu.memory_space<semaphore_mem>>) src(%dma_wait3A_240 : memref<3x8x1024xf32, #tpu.memory_space<vmem>>) dst(%dma_wait3A_235 : memref<3x8x1024xf32, #tpu.memory_space<hbm>>)
    %dma_start3A_241 = arith.constant 5 : i32
    %dma_start3A_242 = arith.constant 0 : i32
    %dma_start3A_243 = arith.constant 0 : i32
    %dma_start3A_244 = arith.constant 0 : i32
    %dma_start3A_245 = arith.constant 0 : i32
    %dma_start3A_246 = tpu.memref_slice %arg4[%dma_start3A_242, %dma_start3A_243, %dma_start3A_244, %dma_start3A_245] : memref<5x3x8x1024xf32, #tpu.memory_space<vmem>> -> memref<1x3x8x1024xf32, #tpu.memory_space<vmem>>
    %dma_start3A_247 = tpu.memref_squeeze %dma_start3A_246 : memref<1x3x8x1024xf32, #tpu.memory_space<vmem>> -> memref<3x8x1024xf32, #tpu.memory_space<vmem>>
    %dma_start3A_248 = arith.constant 0 : i32
    %dma_start3A_249 = arith.constant 0 : i32
    %dma_start3A_250 = tpu.memref_slice %arg2[%dma_start3A_248, %dma_start3A_241, %dma_start3A_249, %mul3A_2] : memref<3x18x8x32768xf32, #tpu.memory_space<hbm>> -> memref<3x1x8x1024xf32, #tpu.memory_space<hbm>>
    %dma_start3A_251 = tpu.memref_squeeze %dma_start3A_250 : memref<3x1x8x1024xf32, #tpu.memory_space<hbm>> -> memref<3x8x1024xf32, #tpu.memory_space<hbm>>
    %dma_start3A_252 = arith.constant 0 : i32
    %dma_start3A_253 = arith.constant 0 : i32
    %dma_start3A_254 = arith.constant 0 : i32
    %dma_start3A_255 = tpu.memref_slice %arg4[%dma_start3A_242, %dma_start3A_252, %dma_start3A_253, %dma_start3A_254] : memref<5x3x8x1024xf32, #tpu.memory_space<vmem>> -> memref<1x3x8x1024xf32, #tpu.memory_space<vmem>>
    %dma_start3A_256 = tpu.memref_squeeze %dma_start3A_255 : memref<1x3x8x1024xf32, #tpu.memory_space<vmem>> -> memref<3x8x1024xf32, #tpu.memory_space<vmem>>
    %dma_start3A_257 = arith.constant 0 : i32
    %dma_start3A_258 = arith.constant 0 : i32
    %dma_start3A_259 = tpu.memref_slice %arg2[%dma_start3A_257, %dma_start3A_241, %dma_start3A_258, %mul3A_2] : memref<3x18x8x32768xf32, #tpu.memory_space<hbm>> -> memref<3x1x8x1024xf32, #tpu.memory_space<hbm>>
    %dma_start3A_260 = tpu.memref_squeeze %dma_start3A_259 : memref<3x1x8x1024xf32, #tpu.memory_space<hbm>> -> memref<3x8x1024xf32, #tpu.memory_space<hbm>>
    tpu.enqueue_dma source(%dma_start3A_260 : memref<3x8x1024xf32, #tpu.memory_space<hbm>>) target(%dma_start3A_256 : memref<3x8x1024xf32, #tpu.memory_space<vmem>>) target_semaphore(%arg5 : memref<!tpu.dma_semaphore, #tpu.memory_space<semaphore_mem>>)
    %dma_wait3A_261 = arith.constant 16 : i32
    %dma_wait3A_262 = arith.constant 3 : i32
    %dma_wait3A_263 = arith.constant 0 : i32
    %dma_wait3A_264 = arith.constant 0 : i32
    %dma_wait3A_265 = arith.constant 0 : i32
    %dma_wait3A_266 = tpu.memref_slice %arg4[%dma_wait3A_262, %dma_wait3A_263, %dma_wait3A_264, %dma_wait3A_265] : memref<5x3x8x1024xf32, #tpu.memory_space<vmem>> -> memref<1x3x8x1024xf32, #tpu.memory_space<vmem>>
    %dma_wait3A_267 = tpu.memref_squeeze %dma_wait3A_266 : memref<1x3x8x1024xf32, #tpu.memory_space<vmem>> -> memref<3x8x1024xf32, #tpu.memory_space<vmem>>
    %dma_wait3A_268 = arith.constant 0 : i32
    %dma_wait3A_269 = arith.constant 0 : i32
    %dma_wait3A_270 = tpu.memref_slice %arg2[%dma_wait3A_268, %dma_wait3A_261, %dma_wait3A_269, %mul3A_2] : memref<3x18x8x32768xf32, #tpu.memory_space<hbm>> -> memref<3x1x8x1024xf32, #tpu.memory_space<hbm>>
    %dma_wait3A_271 = tpu.memref_squeeze %dma_wait3A_270 : memref<3x1x8x1024xf32, #tpu.memory_space<hbm>> -> memref<3x8x1024xf32, #tpu.memory_space<hbm>>
    %dma_wait3A_272 = arith.constant 0 : i32
    %dma_wait3A_273 = arith.constant 0 : i32
    %dma_wait3A_274 = arith.constant 0 : i32
    %dma_wait3A_275 = tpu.memref_slice %arg4[%dma_wait3A_262, %dma_wait3A_272, %dma_wait3A_273, %dma_wait3A_274] : memref<5x3x8x1024xf32, #tpu.memory_space<vmem>> -> memref<1x3x8x1024xf32, #tpu.memory_space<vmem>>
    %dma_wait3A_276 = tpu.memref_squeeze %dma_wait3A_275 : memref<1x3x8x1024xf32, #tpu.memory_space<vmem>> -> memref<3x8x1024xf32, #tpu.memory_space<vmem>>
    %dma_wait3A_277 = arith.constant 0 : i32
    %dma_wait3A_278 = arith.constant 0 : i32
    %dma_wait3A_279 = tpu.memref_slice %arg2[%dma_wait3A_277, %dma_wait3A_261, %dma_wait3A_278, %mul3A_2] : memref<3x18x8x32768xf32, #tpu.memory_space<hbm>> -> memref<3x1x8x1024xf32, #tpu.memory_space<hbm>>
    %dma_wait3A_280 = tpu.memref_squeeze %dma_wait3A_279 : memref<3x1x8x1024xf32, #tpu.memory_space<hbm>> -> memref<3x8x1024xf32, #tpu.memory_space<hbm>>
    tpu.wait_dma2 semaphore(%arg8 : memref<!tpu.dma_semaphore, #tpu.memory_space<semaphore_mem>>) src(%dma_wait3A_280 : memref<3x8x1024xf32, #tpu.memory_space<hbm>>) dst(%dma_wait3A_276 : memref<3x8x1024xf32, #tpu.memory_space<vmem>>)
    %dma_start3A_281 = arith.constant 3 : i32
    %dma_start3A_282 = arith.constant 3 : i32
    %dma_start3A_283 = arith.constant 0 : i32
    %dma_start3A_284 = arith.constant 0 : i32
    %dma_start3A_285 = arith.constant 0 : i32
    %dma_start3A_286 = tpu.memref_slice %arg4[%dma_start3A_281, %dma_start3A_283, %dma_start3A_284, %dma_start3A_285] : memref<5x3x8x1024xf32, #tpu.memory_space<vmem>> -> memref<1x3x8x1024xf32, #tpu.memory_space<vmem>>
    %dma_start3A_287 = tpu.memref_squeeze %dma_start3A_286 : memref<1x3x8x1024xf32, #tpu.memory_space<vmem>> -> memref<3x8x1024xf32, #tpu.memory_space<vmem>>
    %dma_start3A_288 = arith.constant 0 : i32
    %dma_start3A_289 = arith.constant 0 : i32
    %dma_start3A_290 = tpu.memref_slice %arg3[%dma_start3A_282, %dma_start3A_288, %dma_start3A_289, %mul3A_2] : memref<17x3x8x32768xf32, #tpu.memory_space<hbm>> -> memref<1x3x8x1024xf32, #tpu.memory_space<hbm>>
    %dma_start3A_291 = tpu.memref_squeeze %dma_start3A_290 : memref<1x3x8x1024xf32, #tpu.memory_space<hbm>> -> memref<3x8x1024xf32, #tpu.memory_space<hbm>>
    %dma_start3A_292 = arith.constant 0 : i32
    %dma_start3A_293 = arith.constant 0 : i32
    %dma_start3A_294 = tpu.memref_slice %arg3[%dma_start3A_282, %dma_start3A_292, %dma_start3A_293, %mul3A_2] : memref<17x3x8x32768xf32, #tpu.memory_space<hbm>> -> memref<1x3x8x1024xf32, #tpu.memory_space<hbm>>
    %dma_start3A_295 = tpu.memref_squeeze %dma_start3A_294 : memref<1x3x8x1024xf32, #tpu.memory_space<hbm>> -> memref<3x8x1024xf32, #tpu.memory_space<hbm>>
    %dma_start3A_296 = arith.constant 0 : i32
    %dma_start3A_297 = arith.constant 0 : i32
    %dma_start3A_298 = arith.constant 0 : i32
    %dma_start3A_299 = tpu.memref_slice %arg4[%dma_start3A_281, %dma_start3A_296, %dma_start3A_297, %dma_start3A_298] : memref<5x3x8x1024xf32, #tpu.memory_space<vmem>> -> memref<1x3x8x1024xf32, #tpu.memory_space<vmem>>
    %dma_start3A_300 = tpu.memref_squeeze %dma_start3A_299 : memref<1x3x8x1024xf32, #tpu.memory_space<vmem>> -> memref<3x8x1024xf32, #tpu.memory_space<vmem>>
    tpu.enqueue_dma source(%dma_start3A_300 : memref<3x8x1024xf32, #tpu.memory_space<vmem>>) target(%dma_start3A_295 : memref<3x8x1024xf32, #tpu.memory_space<hbm>>) target_semaphore(%arg13 : memref<!tpu.dma_semaphore, #tpu.memory_space<semaphore_mem>>)
    %dma_wait3A_301 = arith.constant 1 : i32
    %dma_wait3A_302 = arith.constant 1 : i32
    %dma_wait3A_303 = arith.constant 0 : i32
    %dma_wait3A_304 = arith.constant 0 : i32
    %dma_wait3A_305 = arith.constant 0 : i32
    %dma_wait3A_306 = tpu.memref_slice %arg4[%dma_wait3A_301, %dma_wait3A_303, %dma_wait3A_304, %dma_wait3A_305] : memref<5x3x8x1024xf32, #tpu.memory_space<vmem>> -> memref<1x3x8x1024xf32, #tpu.memory_space<vmem>>
    %dma_wait3A_307 = tpu.memref_squeeze %dma_wait3A_306 : memref<1x3x8x1024xf32, #tpu.memory_space<vmem>> -> memref<3x8x1024xf32, #tpu.memory_space<vmem>>
    %dma_wait3A_308 = arith.constant 0 : i32
    %dma_wait3A_309 = arith.constant 0 : i32
    %dma_wait3A_310 = tpu.memref_slice %arg3[%dma_wait3A_302, %dma_wait3A_308, %dma_wait3A_309, %mul3A_2] : memref<17x3x8x32768xf32, #tpu.memory_space<hbm>> -> memref<1x3x8x1024xf32, #tpu.memory_space<hbm>>
    %dma_wait3A_311 = tpu.memref_squeeze %dma_wait3A_310 : memref<1x3x8x1024xf32, #tpu.memory_space<hbm>> -> memref<3x8x1024xf32, #tpu.memory_space<hbm>>
    %dma_wait3A_312 = arith.constant 0 : i32
    %dma_wait3A_313 = arith.constant 0 : i32
    %dma_wait3A_314 = tpu.memref_slice %arg3[%dma_wait3A_302, %dma_wait3A_312, %dma_wait3A_313, %mul3A_2] : memref<17x3x8x32768xf32, #tpu.memory_space<hbm>> -> memref<1x3x8x1024xf32, #tpu.memory_space<hbm>>
    %dma_wait3A_315 = tpu.memref_squeeze %dma_wait3A_314 : memref<1x3x8x1024xf32, #tpu.memory_space<hbm>> -> memref<3x8x1024xf32, #tpu.memory_space<hbm>>
    %dma_wait3A_316 = arith.constant 0 : i32
    %dma_wait3A_317 = arith.constant 0 : i32
    %dma_wait3A_318 = arith.constant 0 : i32
    %dma_wait3A_319 = tpu.memref_slice %arg4[%dma_wait3A_301, %dma_wait3A_316, %dma_wait3A_317, %dma_wait3A_318] : memref<5x3x8x1024xf32, #tpu.memory_space<vmem>> -> memref<1x3x8x1024xf32, #tpu.memory_space<vmem>>
    %dma_wait3A_320 = tpu.memref_squeeze %dma_wait3A_319 : memref<1x3x8x1024xf32, #tpu.memory_space<vmem>> -> memref<3x8x1024xf32, #tpu.memory_space<vmem>>
    tpu.wait_dma2 semaphore(%arg11 : memref<!tpu.dma_semaphore, #tpu.memory_space<semaphore_mem>>) src(%dma_wait3A_320 : memref<3x8x1024xf32, #tpu.memory_space<vmem>>) dst(%dma_wait3A_315 : memref<3x8x1024xf32, #tpu.memory_space<hbm>>)
    %dma_start3A_321 = arith.constant 2 : i32
    %dma_start3A_322 = arith.constant 1 : i32
    %dma_start3A_323 = arith.constant 0 : i32
    %dma_start3A_324 = arith.constant 0 : i32
    %dma_start3A_325 = arith.constant 0 : i32
    %dma_start3A_326 = tpu.memref_slice %arg4[%dma_start3A_322, %dma_start3A_323, %dma_start3A_324, %dma_start3A_325] : memref<5x3x8x1024xf32, #tpu.memory_space<vmem>> -> memref<1x3x8x1024xf32, #tpu.memory_space<vmem>>
    %dma_start3A_327 = tpu.memref_squeeze %dma_start3A_326 : memref<1x3x8x1024xf32, #tpu.memory_space<vmem>> -> memref<3x8x1024xf32, #tpu.memory_space<vmem>>
    %dma_start3A_328 = arith.constant 0 : i32
    %dma_start3A_329 = arith.constant 0 : i32
    %dma_start3A_330 = tpu.memref_slice %arg2[%dma_start3A_328, %dma_start3A_321, %dma_start3A_329, %mul3A_2] : memref<3x18x8x32768xf32, #tpu.memory_space<hbm>> -> memref<3x1x8x1024xf32, #tpu.memory_space<hbm>>
    %dma_start3A_331 = tpu.memref_squeeze %dma_start3A_330 : memref<3x1x8x1024xf32, #tpu.memory_space<hbm>> -> memref<3x8x1024xf32, #tpu.memory_space<hbm>>
    %dma_start3A_332 = arith.constant 0 : i32
    %dma_start3A_333 = arith.constant 0 : i32
    %dma_start3A_334 = arith.constant 0 : i32
    %dma_start3A_335 = tpu.memref_slice %arg4[%dma_start3A_322, %dma_start3A_332, %dma_start3A_333, %dma_start3A_334] : memref<5x3x8x1024xf32, #tpu.memory_space<vmem>> -> memref<1x3x8x1024xf32, #tpu.memory_space<vmem>>
    %dma_start3A_336 = tpu.memref_squeeze %dma_start3A_335 : memref<1x3x8x1024xf32, #tpu.memory_space<vmem>> -> memref<3x8x1024xf32, #tpu.memory_space<vmem>>
    %dma_start3A_337 = arith.constant 0 : i32
    %dma_start3A_338 = arith.constant 0 : i32
    %dma_start3A_339 = tpu.memref_slice %arg2[%dma_start3A_337, %dma_start3A_321, %dma_start3A_338, %mul3A_2] : memref<3x18x8x32768xf32, #tpu.memory_space<hbm>> -> memref<3x1x8x1024xf32, #tpu.memory_space<hbm>>
    %dma_start3A_340 = tpu.memref_squeeze %dma_start3A_339 : memref<3x1x8x1024xf32, #tpu.memory_space<hbm>> -> memref<3x8x1024xf32, #tpu.memory_space<hbm>>
    tpu.enqueue_dma source(%dma_start3A_340 : memref<3x8x1024xf32, #tpu.memory_space<hbm>>) target(%dma_start3A_336 : memref<3x8x1024xf32, #tpu.memory_space<vmem>>) target_semaphore(%arg6 : memref<!tpu.dma_semaphore, #tpu.memory_space<semaphore_mem>>)
    %dma_wait3A_341 = arith.constant 17 : i32
    %dma_wait3A_342 = arith.constant 4 : i32
    %dma_wait3A_343 = arith.constant 0 : i32
    %dma_wait3A_344 = arith.constant 0 : i32
    %dma_wait3A_345 = arith.constant 0 : i32
    %dma_wait3A_346 = tpu.memref_slice %arg4[%dma_wait3A_342, %dma_wait3A_343, %dma_wait3A_344, %dma_wait3A_345] : memref<5x3x8x1024xf32, #tpu.memory_space<vmem>> -> memref<1x3x8x1024xf32, #tpu.memory_space<vmem>>
    %dma_wait3A_347 = tpu.memref_squeeze %dma_wait3A_346 : memref<1x3x8x1024xf32, #tpu.memory_space<vmem>> -> memref<3x8x1024xf32, #tpu.memory_space<vmem>>
    %dma_wait3A_348 = arith.constant 0 : i32
    %dma_wait3A_349 = arith.constant 0 : i32
    %dma_wait3A_350 = tpu.memref_slice %arg2[%dma_wait3A_348, %dma_wait3A_341, %dma_wait3A_349, %mul3A_2] : memref<3x18x8x32768xf32, #tpu.memory_space<hbm>> -> memref<3x1x8x1024xf32, #tpu.memory_space<hbm>>
    %dma_wait3A_351 = tpu.memref_squeeze %dma_wait3A_350 : memref<3x1x8x1024xf32, #tpu.memory_space<hbm>> -> memref<3x8x1024xf32, #tpu.memory_space<hbm>>
    %dma_wait3A_352 = arith.constant 0 : i32
    %dma_wait3A_353 = arith.constant 0 : i32
    %dma_wait3A_354 = arith.constant 0 : i32
    %dma_wait3A_355 = tpu.memref_slice %arg4[%dma_wait3A_342, %dma_wait3A_352, %dma_wait3A_353, %dma_wait3A_354] : memref<5x3x8x1024xf32, #tpu.memory_space<vmem>> -> memref<1x3x8x1024xf32, #tpu.memory_space<vmem>>
    %dma_wait3A_356 = tpu.memref_squeeze %dma_wait3A_355 : memref<1x3x8x1024xf32, #tpu.memory_space<vmem>> -> memref<3x8x1024xf32, #tpu.memory_space<vmem>>
    %dma_wait3A_357 = arith.constant 0 : i32
    %dma_wait3A_358 = arith.constant 0 : i32
    %dma_wait3A_359 = tpu.memref_slice %arg2[%dma_wait3A_357, %dma_wait3A_341, %dma_wait3A_358, %mul3A_2] : memref<3x18x8x32768xf32, #tpu.memory_space<hbm>> -> memref<3x1x8x1024xf32, #tpu.memory_space<hbm>>
    %dma_wait3A_360 = tpu.memref_squeeze %dma_wait3A_359 : memref<3x1x8x1024xf32, #tpu.memory_space<hbm>> -> memref<3x8x1024xf32, #tpu.memory_space<hbm>>
    tpu.wait_dma2 semaphore(%arg9 : memref<!tpu.dma_semaphore, #tpu.memory_space<semaphore_mem>>) src(%dma_wait3A_360 : memref<3x8x1024xf32, #tpu.memory_space<hbm>>) dst(%dma_wait3A_356 : memref<3x8x1024xf32, #tpu.memory_space<vmem>>)
    %dma_start3A_361 = arith.constant 4 : i32
    %dma_start3A_362 = arith.constant 4 : i32
    %dma_start3A_363 = arith.constant 0 : i32
    %dma_start3A_364 = arith.constant 0 : i32
    %dma_start3A_365 = arith.constant 0 : i32
    %dma_start3A_366 = tpu.memref_slice %arg4[%dma_start3A_361, %dma_start3A_363, %dma_start3A_364, %dma_start3A_365] : memref<5x3x8x1024xf32, #tpu.memory_space<vmem>> -> memref<1x3x8x1024xf32, #tpu.memory_space<vmem>>
    %dma_start3A_367 = tpu.memref_squeeze %dma_start3A_366 : memref<1x3x8x1024xf32, #tpu.memory_space<vmem>> -> memref<3x8x1024xf32, #tpu.memory_space<vmem>>
    %dma_start3A_368 = arith.constant 0 : i32
    %dma_start3A_369 = arith.constant 0 : i32
    %dma_start3A_370 = tpu.memref_slice %arg3[%dma_start3A_362, %dma_start3A_368, %dma_start3A_369, %mul3A_2] : memref<17x3x8x32768xf32, #tpu.memory_space<hbm>> -> memref<1x3x8x1024xf32, #tpu.memory_space<hbm>>
    %dma_start3A_371 = tpu.memref_squeeze %dma_start3A_370 : memref<1x3x8x1024xf32, #tpu.memory_space<hbm>> -> memref<3x8x1024xf32, #tpu.memory_space<hbm>>
    %dma_start3A_372 = arith.constant 0 : i32
    %dma_start3A_373 = arith.constant 0 : i32
    %dma_start3A_374 = tpu.memref_slice %arg3[%dma_start3A_362, %dma_start3A_372, %dma_start3A_373, %mul3A_2] : memref<17x3x8x32768xf32, #tpu.memory_space<hbm>> -> memref<1x3x8x1024xf32, #tpu.memory_space<hbm>>
    %dma_start3A_375 = tpu.memref_squeeze %dma_start3A_374 : memref<1x3x8x1024xf32, #tpu.memory_space<hbm>> -> memref<3x8x1024xf32, #tpu.memory_space<hbm>>
    %dma_start3A_376 = arith.constant 0 : i32
    %dma_start3A_377 = arith.constant 0 : i32
    %dma_start3A_378 = arith.constant 0 : i32
    %dma_start3A_379 = tpu.memref_slice %arg4[%dma_start3A_361, %dma_start3A_376, %dma_start3A_377, %dma_start3A_378] : memref<5x3x8x1024xf32, #tpu.memory_space<vmem>> -> memref<1x3x8x1024xf32, #tpu.memory_space<vmem>>
    %dma_start3A_380 = tpu.memref_squeeze %dma_start3A_379 : memref<1x3x8x1024xf32, #tpu.memory_space<vmem>> -> memref<3x8x1024xf32, #tpu.memory_space<vmem>>
    tpu.enqueue_dma source(%dma_start3A_380 : memref<3x8x1024xf32, #tpu.memory_space<vmem>>) target(%dma_start3A_375 : memref<3x8x1024xf32, #tpu.memory_space<hbm>>) target_semaphore(%arg14 : memref<!tpu.dma_semaphore, #tpu.memory_space<semaphore_mem>>)
    %dma_wait3A_381 = arith.constant 2 : i32
    %dma_wait3A_382 = arith.constant 2 : i32
    %dma_wait3A_383 = arith.constant 0 : i32
    %dma_wait3A_384 = arith.constant 0 : i32
    %dma_wait3A_385 = arith.constant 0 : i32
    %dma_wait3A_386 = tpu.memref_slice %arg4[%dma_wait3A_381, %dma_wait3A_383, %dma_wait3A_384, %dma_wait3A_385] : memref<5x3x8x1024xf32, #tpu.memory_space<vmem>> -> memref<1x3x8x1024xf32, #tpu.memory_space<vmem>>
    %dma_wait3A_387 = tpu.memref_squeeze %dma_wait3A_386 : memref<1x3x8x1024xf32, #tpu.memory_space<vmem>> -> memref<3x8x1024xf32, #tpu.memory_space<vmem>>
    %dma_wait3A_388 = arith.constant 0 : i32
    %dma_wait3A_389 = arith.constant 0 : i32
    %dma_wait3A_390 = tpu.memref_slice %arg3[%dma_wait3A_382, %dma_wait3A_388, %dma_wait3A_389, %mul3A_2] : memref<17x3x8x32768xf32, #tpu.memory_space<hbm>> -> memref<1x3x8x1024xf32, #tpu.memory_space<hbm>>
    %dma_wait3A_391 = tpu.memref_squeeze %dma_wait3A_390 : memref<1x3x8x1024xf32, #tpu.memory_space<hbm>> -> memref<3x8x1024xf32, #tpu.memory_space<hbm>>
    %dma_wait3A_392 = arith.constant 0 : i32
    %dma_wait3A_393 = arith.constant 0 : i32
    %dma_wait3A_394 = tpu.memref_slice %arg3[%dma_wait3A_382, %dma_wait3A_392, %dma_wait3A_393, %mul3A_2] : memref<17x3x8x32768xf32, #tpu.memory_space<hbm>> -> memref<1x3x8x1024xf32, #tpu.memory_space<hbm>>
    %dma_wait3A_395 = tpu.memref_squeeze %dma_wait3A_394 : memref<1x3x8x1024xf32, #tpu.memory_space<hbm>> -> memref<3x8x1024xf32, #tpu.memory_space<hbm>>
    %dma_wait3A_396 = arith.constant 0 : i32
    %dma_wait3A_397 = arith.constant 0 : i32
    %dma_wait3A_398 = arith.constant 0 : i32
    %dma_wait3A_399 = tpu.memref_slice %arg4[%dma_wait3A_381, %dma_wait3A_396, %dma_wait3A_397, %dma_wait3A_398] : memref<5x3x8x1024xf32, #tpu.memory_space<vmem>> -> memref<1x3x8x1024xf32, #tpu.memory_space<vmem>>
    %dma_wait3A_400 = tpu.memref_squeeze %dma_wait3A_399 : memref<1x3x8x1024xf32, #tpu.memory_space<vmem>> -> memref<3x8x1024xf32, #tpu.memory_space<vmem>>
    tpu.wait_dma2 semaphore(%arg12 : memref<!tpu.dma_semaphore, #tpu.memory_space<semaphore_mem>>) src(%dma_wait3A_400 : memref<3x8x1024xf32, #tpu.memory_space<vmem>>) dst(%dma_wait3A_395 : memref<3x8x1024xf32, #tpu.memory_space<hbm>>)
    %dma_start3A_401 = arith.constant 6 : i32
    %dma_start3A_402 = arith.constant 2 : i32
    %dma_start3A_403 = arith.constant 0 : i32
    %dma_start3A_404 = arith.constant 0 : i32
    %dma_start3A_405 = arith.constant 0 : i32
    %dma_start3A_406 = tpu.memref_slice %arg4[%dma_start3A_402, %dma_start3A_403, %dma_start3A_404, %dma_start3A_405] : memref<5x3x8x1024xf32, #tpu.memory_space<vmem>> -> memref<1x3x8x1024xf32, #tpu.memory_space<vmem>>
    %dma_start3A_407 = tpu.memref_squeeze %dma_start3A_406 : memref<1x3x8x1024xf32, #tpu.memory_space<vmem>> -> memref<3x8x1024xf32, #tpu.memory_space<vmem>>
    %dma_start3A_408 = arith.constant 0 : i32
    %dma_start3A_409 = arith.constant 0 : i32
    %dma_start3A_410 = tpu.memref_slice %arg2[%dma_start3A_408, %dma_start3A_401, %dma_start3A_409, %mul3A_2] : memref<3x18x8x32768xf32, #tpu.memory_space<hbm>> -> memref<3x1x8x1024xf32, #tpu.memory_space<hbm>>
    %dma_start3A_411 = tpu.memref_squeeze %dma_start3A_410 : memref<3x1x8x1024xf32, #tpu.memory_space<hbm>> -> memref<3x8x1024xf32, #tpu.memory_space<hbm>>
    %dma_start3A_412 = arith.constant 0 : i32
    %dma_start3A_413 = arith.constant 0 : i32
    %dma_start3A_414 = arith.constant 0 : i32
    %dma_start3A_415 = tpu.memref_slice %arg4[%dma_start3A_402, %dma_start3A_412, %dma_start3A_413, %dma_start3A_414] : memref<5x3x8x1024xf32, #tpu.memory_space<vmem>> -> memref<1x3x8x1024xf32, #tpu.memory_space<vmem>>
    %dma_start3A_416 = tpu.memref_squeeze %dma_start3A_415 : memref<1x3x8x1024xf32, #tpu.memory_space<vmem>> -> memref<3x8x1024xf32, #tpu.memory_space<vmem>>
    %dma_start3A_417 = arith.constant 0 : i32
    %dma_start3A_418 = arith.constant 0 : i32
    %dma_start3A_419 = tpu.memref_slice %arg2[%dma_start3A_417, %dma_start3A_401, %dma_start3A_418, %mul3A_2] : memref<3x18x8x32768xf32, #tpu.memory_space<hbm>> -> memref<3x1x8x1024xf32, #tpu.memory_space<hbm>>
    %dma_start3A_420 = tpu.memref_squeeze %dma_start3A_419 : memref<3x1x8x1024xf32, #tpu.memory_space<hbm>> -> memref<3x8x1024xf32, #tpu.memory_space<hbm>>
    tpu.enqueue_dma source(%dma_start3A_420 : memref<3x8x1024xf32, #tpu.memory_space<hbm>>) target(%dma_start3A_416 : memref<3x8x1024xf32, #tpu.memory_space<vmem>>) target_semaphore(%arg7 : memref<!tpu.dma_semaphore, #tpu.memory_space<semaphore_mem>>)
    %dma_wait3A_421 = arith.constant 5 : i32
    %dma_wait3A_422 = arith.constant 0 : i32
    %dma_wait3A_423 = arith.constant 0 : i32
    %dma_wait3A_424 = arith.constant 0 : i32
    %dma_wait3A_425 = arith.constant 0 : i32
    %dma_wait3A_426 = tpu.memref_slice %arg4[%dma_wait3A_422, %dma_wait3A_423, %dma_wait3A_424, %dma_wait3A_425] : memref<5x3x8x1024xf32, #tpu.memory_space<vmem>> -> memref<1x3x8x1024xf32, #tpu.memory_space<vmem>>
    %dma_wait3A_427 = tpu.memref_squeeze %dma_wait3A_426 : memref<1x3x8x1024xf32, #tpu.memory_space<vmem>> -> memref<3x8x1024xf32, #tpu.memory_space<vmem>>
    %dma_wait3A_428 = arith.constant 0 : i32
    %dma_wait3A_429 = arith.constant 0 : i32
    %dma_wait3A_430 = tpu.memref_slice %arg2[%dma_wait3A_428, %dma_wait3A_421, %dma_wait3A_429, %mul3A_2] : memref<3x18x8x32768xf32, #tpu.memory_space<hbm>> -> memref<3x1x8x1024xf32, #tpu.memory_space<hbm>>
    %dma_wait3A_431 = tpu.memref_squeeze %dma_wait3A_430 : memref<3x1x8x1024xf32, #tpu.memory_space<hbm>> -> memref<3x8x1024xf32, #tpu.memory_space<hbm>>
    %dma_wait3A_432 = arith.constant 0 : i32
    %dma_wait3A_433 = arith.constant 0 : i32
    %dma_wait3A_434 = arith.constant 0 : i32
    %dma_wait3A_435 = tpu.memref_slice %arg4[%dma_wait3A_422, %dma_wait3A_432, %dma_wait3A_433, %dma_wait3A_434] : memref<5x3x8x1024xf32, #tpu.memory_space<vmem>> -> memref<1x3x8x1024xf32, #tpu.memory_space<vmem>>
    %dma_wait3A_436 = tpu.memref_squeeze %dma_wait3A_435 : memref<1x3x8x1024xf32, #tpu.memory_space<vmem>> -> memref<3x8x1024xf32, #tpu.memory_space<vmem>>
    %dma_wait3A_437 = arith.constant 0 : i32
    %dma_wait3A_438 = arith.constant 0 : i32
    %dma_wait3A_439 = tpu.memref_slice %arg2[%dma_wait3A_437, %dma_wait3A_421, %dma_wait3A_438, %mul3A_2] : memref<3x18x8x32768xf32, #tpu.memory_space<hbm>> -> memref<3x1x8x1024xf32, #tpu.memory_space<hbm>>
    %dma_wait3A_440 = tpu.memref_squeeze %dma_wait3A_439 : memref<3x1x8x1024xf32, #tpu.memory_space<hbm>> -> memref<3x8x1024xf32, #tpu.memory_space<hbm>>
    tpu.wait_dma2 semaphore(%arg5 : memref<!tpu.dma_semaphore, #tpu.memory_space<semaphore_mem>>) src(%dma_wait3A_440 : memref<3x8x1024xf32, #tpu.memory_space<hbm>>) dst(%dma_wait3A_436 : memref<3x8x1024xf32, #tpu.memory_space<vmem>>)
    %dma_start3A_441 = arith.constant 0 : i32
    %dma_start3A_442 = arith.constant 5 : i32
    %dma_start3A_443 = arith.constant 0 : i32
    %dma_start3A_444 = arith.constant 0 : i32
    %dma_start3A_445 = arith.constant 0 : i32
    %dma_start3A_446 = tpu.memref_slice %arg4[%dma_start3A_441, %dma_start3A_443, %dma_start3A_444, %dma_start3A_445] : memref<5x3x8x1024xf32, #tpu.memory_space<vmem>> -> memref<1x3x8x1024xf32, #tpu.memory_space<vmem>>
    %dma_start3A_447 = tpu.memref_squeeze %dma_start3A_446 : memref<1x3x8x1024xf32, #tpu.memory_space<vmem>> -> memref<3x8x1024xf32, #tpu.memory_space<vmem>>
    %dma_start3A_448 = arith.constant 0 : i32
    %dma_start3A_449 = arith.constant 0 : i32
    %dma_start3A_450 = tpu.memref_slice %arg3[%dma_start3A_442, %dma_start3A_448, %dma_start3A_449, %mul3A_2] : memref<17x3x8x32768xf32, #tpu.memory_space<hbm>> -> memref<1x3x8x1024xf32, #tpu.memory_space<hbm>>
    %dma_start3A_451 = tpu.memref_squeeze %dma_start3A_450 : memref<1x3x8x1024xf32, #tpu.memory_space<hbm>> -> memref<3x8x1024xf32, #tpu.memory_space<hbm>>
    %dma_start3A_452 = arith.constant 0 : i32
    %dma_start3A_453 = arith.constant 0 : i32
    %dma_start3A_454 = tpu.memref_slice %arg3[%dma_start3A_442, %dma_start3A_452, %dma_start3A_453, %mul3A_2] : memref<17x3x8x32768xf32, #tpu.memory_space<hbm>> -> memref<1x3x8x1024xf32, #tpu.memory_space<hbm>>
    %dma_start3A_455 = tpu.memref_squeeze %dma_start3A_454 : memref<1x3x8x1024xf32, #tpu.memory_space<hbm>> -> memref<3x8x1024xf32, #tpu.memory_space<hbm>>
    %dma_start3A_456 = arith.constant 0 : i32
    %dma_start3A_457 = arith.constant 0 : i32
    %dma_start3A_458 = arith.constant 0 : i32
    %dma_start3A_459 = tpu.memref_slice %arg4[%dma_start3A_441, %dma_start3A_456, %dma_start3A_457, %dma_start3A_458] : memref<5x3x8x1024xf32, #tpu.memory_space<vmem>> -> memref<1x3x8x1024xf32, #tpu.memory_space<vmem>>
    %dma_start3A_460 = tpu.memref_squeeze %dma_start3A_459 : memref<1x3x8x1024xf32, #tpu.memory_space<vmem>> -> memref<3x8x1024xf32, #tpu.memory_space<vmem>>
    tpu.enqueue_dma source(%dma_start3A_460 : memref<3x8x1024xf32, #tpu.memory_space<vmem>>) target(%dma_start3A_455 : memref<3x8x1024xf32, #tpu.memory_space<hbm>>) target_semaphore(%arg10 : memref<!tpu.dma_semaphore, #tpu.memory_space<semaphore_mem>>)
    %dma_wait3A_461 = arith.constant 3 : i32
    %dma_wait3A_462 = arith.constant 3 : i32
    %dma_wait3A_463 = arith.constant 0 : i32
    %dma_wait3A_464 = arith.constant 0 : i32
    %dma_wait3A_465 = arith.constant 0 : i32
    %dma_wait3A_466 = tpu.memref_slice %arg4[%dma_wait3A_461, %dma_wait3A_463, %dma_wait3A_464, %dma_wait3A_465] : memref<5x3x8x1024xf32, #tpu.memory_space<vmem>> -> memref<1x3x8x1024xf32, #tpu.memory_space<vmem>>
    %dma_wait3A_467 = tpu.memref_squeeze %dma_wait3A_466 : memref<1x3x8x1024xf32, #tpu.memory_space<vmem>> -> memref<3x8x1024xf32, #tpu.memory_space<vmem>>
    %dma_wait3A_468 = arith.constant 0 : i32
    %dma_wait3A_469 = arith.constant 0 : i32
    %dma_wait3A_470 = tpu.memref_slice %arg3[%dma_wait3A_462, %dma_wait3A_468, %dma_wait3A_469, %mul3A_2] : memref<17x3x8x32768xf32, #tpu.memory_space<hbm>> -> memref<1x3x8x1024xf32, #tpu.memory_space<hbm>>
    %dma_wait3A_471 = tpu.memref_squeeze %dma_wait3A_470 : memref<1x3x8x1024xf32, #tpu.memory_space<hbm>> -> memref<3x8x1024xf32, #tpu.memory_space<hbm>>
    %dma_wait3A_472 = arith.constant 0 : i32
    %dma_wait3A_473 = arith.constant 0 : i32
    %dma_wait3A_474 = tpu.memref_slice %arg3[%dma_wait3A_462, %dma_wait3A_472, %dma_wait3A_473, %mul3A_2] : memref<17x3x8x32768xf32, #tpu.memory_space<hbm>> -> memref<1x3x8x1024xf32, #tpu.memory_space<hbm>>
    %dma_wait3A_475 = tpu.memref_squeeze %dma_wait3A_474 : memref<1x3x8x1024xf32, #tpu.memory_space<hbm>> -> memref<3x8x1024xf32, #tpu.memory_space<hbm>>
    %dma_wait3A_476 = arith.constant 0 : i32
    %dma_wait3A_477 = arith.constant 0 : i32
    %dma_wait3A_478 = arith.constant 0 : i32
    %dma_wait3A_479 = tpu.memref_slice %arg4[%dma_wait3A_461, %dma_wait3A_476, %dma_wait3A_477, %dma_wait3A_478] : memref<5x3x8x1024xf32, #tpu.memory_space<vmem>> -> memref<1x3x8x1024xf32, #tpu.memory_space<vmem>>
    %dma_wait3A_480 = tpu.memref_squeeze %dma_wait3A_479 : memref<1x3x8x1024xf32, #tpu.memory_space<vmem>> -> memref<3x8x1024xf32, #tpu.memory_space<vmem>>
    tpu.wait_dma2 semaphore(%arg13 : memref<!tpu.dma_semaphore, #tpu.memory_space<semaphore_mem>>) src(%dma_wait3A_480 : memref<3x8x1024xf32, #tpu.memory_space<vmem>>) dst(%dma_wait3A_475 : memref<3x8x1024xf32, #tpu.memory_space<hbm>>)
    %dma_start3A_481 = arith.constant 3 : i32
    %dma_start3A_482 = arith.constant 3 : i32
    %dma_start3A_483 = arith.constant 0 : i32
    %dma_start3A_484 = arith.constant 0 : i32
    %dma_start3A_485 = arith.constant 0 : i32
    %dma_start3A_486 = tpu.memref_slice %arg4[%dma_start3A_482, %dma_start3A_483, %dma_start3A_484, %dma_start3A_485] : memref<5x3x8x1024xf32, #tpu.memory_space<vmem>> -> memref<1x3x8x1024xf32, #tpu.memory_space<vmem>>
    %dma_start3A_487 = tpu.memref_squeeze %dma_start3A_486 : memref<1x3x8x1024xf32, #tpu.memory_space<vmem>> -> memref<3x8x1024xf32, #tpu.memory_space<vmem>>
    %dma_start3A_488 = arith.constant 0 : i32
    %dma_start3A_489 = arith.constant 0 : i32
    %dma_start3A_490 = tpu.memref_slice %arg2[%dma_start3A_488, %dma_start3A_481, %dma_start3A_489, %mul3A_2] : memref<3x18x8x32768xf32, #tpu.memory_space<hbm>> -> memref<3x1x8x1024xf32, #tpu.memory_space<hbm>>
    %dma_start3A_491 = tpu.memref_squeeze %dma_start3A_490 : memref<3x1x8x1024xf32, #tpu.memory_space<hbm>> -> memref<3x8x1024xf32, #tpu.memory_space<hbm>>
    %dma_start3A_492 = arith.constant 0 : i32
    %dma_start3A_493 = arith.constant 0 : i32
    %dma_start3A_494 = arith.constant 0 : i32
    %dma_start3A_495 = tpu.memref_slice %arg4[%dma_start3A_482, %dma_start3A_492, %dma_start3A_493, %dma_start3A_494] : memref<5x3x8x1024xf32, #tpu.memory_space<vmem>> -> memref<1x3x8x1024xf32, #tpu.memory_space<vmem>>
    %dma_start3A_496 = tpu.memref_squeeze %dma_start3A_495 : memref<1x3x8x1024xf32, #tpu.memory_space<vmem>> -> memref<3x8x1024xf32, #tpu.memory_space<vmem>>
    %dma_start3A_497 = arith.constant 0 : i32
    %dma_start3A_498 = arith.constant 0 : i32
    %dma_start3A_499 = tpu.memref_slice %arg2[%dma_start3A_497, %dma_start3A_481, %dma_start3A_498, %mul3A_2] : memref<3x18x8x32768xf32, #tpu.memory_space<hbm>> -> memref<3x1x8x1024xf32, #tpu.memory_space<hbm>>
    %dma_start3A_500 = tpu.memref_squeeze %dma_start3A_499 : memref<3x1x8x1024xf32, #tpu.memory_space<hbm>> -> memref<3x8x1024xf32, #tpu.memory_space<hbm>>
    tpu.enqueue_dma source(%dma_start3A_500 : memref<3x8x1024xf32, #tpu.memory_space<hbm>>) target(%dma_start3A_496 : memref<3x8x1024xf32, #tpu.memory_space<vmem>>) target_semaphore(%arg8 : memref<!tpu.dma_semaphore, #tpu.memory_space<semaphore_mem>>)
    %dma_wait3A_501 = arith.constant 2 : i32
    %dma_wait3A_502 = arith.constant 1 : i32
    %dma_wait3A_503 = arith.constant 0 : i32
    %dma_wait3A_504 = arith.constant 0 : i32
    %dma_wait3A_505 = arith.constant 0 : i32
    %dma_wait3A_506 = tpu.memref_slice %arg4[%dma_wait3A_502, %dma_wait3A_503, %dma_wait3A_504, %dma_wait3A_505] : memref<5x3x8x1024xf32, #tpu.memory_space<vmem>> -> memref<1x3x8x1024xf32, #tpu.memory_space<vmem>>
    %dma_wait3A_507 = tpu.memref_squeeze %dma_wait3A_506 : memref<1x3x8x1024xf32, #tpu.memory_space<vmem>> -> memref<3x8x1024xf32, #tpu.memory_space<vmem>>
    %dma_wait3A_508 = arith.constant 0 : i32
    %dma_wait3A_509 = arith.constant 0 : i32
    %dma_wait3A_510 = tpu.memref_slice %arg2[%dma_wait3A_508, %dma_wait3A_501, %dma_wait3A_509, %mul3A_2] : memref<3x18x8x32768xf32, #tpu.memory_space<hbm>> -> memref<3x1x8x1024xf32, #tpu.memory_space<hbm>>
    %dma_wait3A_511 = tpu.memref_squeeze %dma_wait3A_510 : memref<3x1x8x1024xf32, #tpu.memory_space<hbm>> -> memref<3x8x1024xf32, #tpu.memory_space<hbm>>
    %dma_wait3A_512 = arith.constant 0 : i32
    %dma_wait3A_513 = arith.constant 0 : i32
    %dma_wait3A_514 = arith.constant 0 : i32
    %dma_wait3A_515 = tpu.memref_slice %arg4[%dma_wait3A_502, %dma_wait3A_512, %dma_wait3A_513, %dma_wait3A_514] : memref<5x3x8x1024xf32, #tpu.memory_space<vmem>> -> memref<1x3x8x1024xf32, #tpu.memory_space<vmem>>
    %dma_wait3A_516 = tpu.memref_squeeze %dma_wait3A_515 : memref<1x3x8x1024xf32, #tpu.memory_space<vmem>> -> memref<3x8x1024xf32, #tpu.memory_space<vmem>>
    %dma_wait3A_517 = arith.constant 0 : i32
    %dma_wait3A_518 = arith.constant 0 : i32
    %dma_wait3A_519 = tpu.memref_slice %arg2[%dma_wait3A_517, %dma_wait3A_501, %dma_wait3A_518, %mul3A_2] : memref<3x18x8x32768xf32, #tpu.memory_space<hbm>> -> memref<3x1x8x1024xf32, #tpu.memory_space<hbm>>
    %dma_wait3A_520 = tpu.memref_squeeze %dma_wait3A_519 : memref<3x1x8x1024xf32, #tpu.memory_space<hbm>> -> memref<3x8x1024xf32, #tpu.memory_space<hbm>>
    tpu.wait_dma2 semaphore(%arg6 : memref<!tpu.dma_semaphore, #tpu.memory_space<semaphore_mem>>) src(%dma_wait3A_520 : memref<3x8x1024xf32, #tpu.memory_space<hbm>>) dst(%dma_wait3A_516 : memref<3x8x1024xf32, #tpu.memory_space<vmem>>)
    %dma_start3A_521 = arith.constant 1 : i32
    %dma_start3A_522 = arith.constant 6 : i32
    %dma_start3A_523 = arith.constant 0 : i32
    %dma_start3A_524 = arith.constant 0 : i32
    %dma_start3A_525 = arith.constant 0 : i32
    %dma_start3A_526 = tpu.memref_slice %arg4[%dma_start3A_521, %dma_start3A_523, %dma_start3A_524, %dma_start3A_525] : memref<5x3x8x1024xf32, #tpu.memory_space<vmem>> -> memref<1x3x8x1024xf32, #tpu.memory_space<vmem>>
    %dma_start3A_527 = tpu.memref_squeeze %dma_start3A_526 : memref<1x3x8x1024xf32, #tpu.memory_space<vmem>> -> memref<3x8x1024xf32, #tpu.memory_space<vmem>>
    %dma_start3A_528 = arith.constant 0 : i32
    %dma_start3A_529 = arith.constant 0 : i32
    %dma_start3A_530 = tpu.memref_slice %arg3[%dma_start3A_522, %dma_start3A_528, %dma_start3A_529, %mul3A_2] : memref<17x3x8x32768xf32, #tpu.memory_space<hbm>> -> memref<1x3x8x1024xf32, #tpu.memory_space<hbm>>
    %dma_start3A_531 = tpu.memref_squeeze %dma_start3A_530 : memref<1x3x8x1024xf32, #tpu.memory_space<hbm>> -> memref<3x8x1024xf32, #tpu.memory_space<hbm>>
    %dma_start3A_532 = arith.constant 0 : i32
    %dma_start3A_533 = arith.constant 0 : i32
    %dma_start3A_534 = tpu.memref_slice %arg3[%dma_start3A_522, %dma_start3A_532, %dma_start3A_533, %mul3A_2] : memref<17x3x8x32768xf32, #tpu.memory_space<hbm>> -> memref<1x3x8x1024xf32, #tpu.memory_space<hbm>>
    %dma_start3A_535 = tpu.memref_squeeze %dma_start3A_534 : memref<1x3x8x1024xf32, #tpu.memory_space<hbm>> -> memref<3x8x1024xf32, #tpu.memory_space<hbm>>
    %dma_start3A_536 = arith.constant 0 : i32
    %dma_start3A_537 = arith.constant 0 : i32
    %dma_start3A_538 = arith.constant 0 : i32
    %dma_start3A_539 = tpu.memref_slice %arg4[%dma_start3A_521, %dma_start3A_536, %dma_start3A_537, %dma_start3A_538] : memref<5x3x8x1024xf32, #tpu.memory_space<vmem>> -> memref<1x3x8x1024xf32, #tpu.memory_space<vmem>>
    %dma_start3A_540 = tpu.memref_squeeze %dma_start3A_539 : memref<1x3x8x1024xf32, #tpu.memory_space<vmem>> -> memref<3x8x1024xf32, #tpu.memory_space<vmem>>
    tpu.enqueue_dma source(%dma_start3A_540 : memref<3x8x1024xf32, #tpu.memory_space<vmem>>) target(%dma_start3A_535 : memref<3x8x1024xf32, #tpu.memory_space<hbm>>) target_semaphore(%arg11 : memref<!tpu.dma_semaphore, #tpu.memory_space<semaphore_mem>>)
    %dma_wait3A_541 = arith.constant 4 : i32
    %dma_wait3A_542 = arith.constant 4 : i32
    %dma_wait3A_543 = arith.constant 0 : i32
    %dma_wait3A_544 = arith.constant 0 : i32
    %dma_wait3A_545 = arith.constant 0 : i32
    %dma_wait3A_546 = tpu.memref_slice %arg4[%dma_wait3A_541, %dma_wait3A_543, %dma_wait3A_544, %dma_wait3A_545] : memref<5x3x8x1024xf32, #tpu.memory_space<vmem>> -> memref<1x3x8x1024xf32, #tpu.memory_space<vmem>>
    %dma_wait3A_547 = tpu.memref_squeeze %dma_wait3A_546 : memref<1x3x8x1024xf32, #tpu.memory_space<vmem>> -> memref<3x8x1024xf32, #tpu.memory_space<vmem>>
    %dma_wait3A_548 = arith.constant 0 : i32
    %dma_wait3A_549 = arith.constant 0 : i32
    %dma_wait3A_550 = tpu.memref_slice %arg3[%dma_wait3A_542, %dma_wait3A_548, %dma_wait3A_549, %mul3A_2] : memref<17x3x8x32768xf32, #tpu.memory_space<hbm>> -> memref<1x3x8x1024xf32, #tpu.memory_space<hbm>>
    %dma_wait3A_551 = tpu.memref_squeeze %dma_wait3A_550 : memref<1x3x8x1024xf32, #tpu.memory_space<hbm>> -> memref<3x8x1024xf32, #tpu.memory_space<hbm>>
    %dma_wait3A_552 = arith.constant 0 : i32
    %dma_wait3A_553 = arith.constant 0 : i32
    %dma_wait3A_554 = tpu.memref_slice %arg3[%dma_wait3A_542, %dma_wait3A_552, %dma_wait3A_553, %mul3A_2] : memref<17x3x8x32768xf32, #tpu.memory_space<hbm>> -> memref<1x3x8x1024xf32, #tpu.memory_space<hbm>>
    %dma_wait3A_555 = tpu.memref_squeeze %dma_wait3A_554 : memref<1x3x8x1024xf32, #tpu.memory_space<hbm>> -> memref<3x8x1024xf32, #tpu.memory_space<hbm>>
    %dma_wait3A_556 = arith.constant 0 : i32
    %dma_wait3A_557 = arith.constant 0 : i32
    %dma_wait3A_558 = arith.constant 0 : i32
    %dma_wait3A_559 = tpu.memref_slice %arg4[%dma_wait3A_541, %dma_wait3A_556, %dma_wait3A_557, %dma_wait3A_558] : memref<5x3x8x1024xf32, #tpu.memory_space<vmem>> -> memref<1x3x8x1024xf32, #tpu.memory_space<vmem>>
    %dma_wait3A_560 = tpu.memref_squeeze %dma_wait3A_559 : memref<1x3x8x1024xf32, #tpu.memory_space<vmem>> -> memref<3x8x1024xf32, #tpu.memory_space<vmem>>
    tpu.wait_dma2 semaphore(%arg14 : memref<!tpu.dma_semaphore, #tpu.memory_space<semaphore_mem>>) src(%dma_wait3A_560 : memref<3x8x1024xf32, #tpu.memory_space<vmem>>) dst(%dma_wait3A_555 : memref<3x8x1024xf32, #tpu.memory_space<hbm>>)
    %dma_start3A_561 = arith.constant 7 : i32
    %dma_start3A_562 = arith.constant 4 : i32
    %dma_start3A_563 = arith.constant 0 : i32
    %dma_start3A_564 = arith.constant 0 : i32
    %dma_start3A_565 = arith.constant 0 : i32
    %dma_start3A_566 = tpu.memref_slice %arg4[%dma_start3A_562, %dma_start3A_563, %dma_start3A_564, %dma_start3A_565] : memref<5x3x8x1024xf32, #tpu.memory_space<vmem>> -> memref<1x3x8x1024xf32, #tpu.memory_space<vmem>>
    %dma_start3A_567 = tpu.memref_squeeze %dma_start3A_566 : memref<1x3x8x1024xf32, #tpu.memory_space<vmem>> -> memref<3x8x1024xf32, #tpu.memory_space<vmem>>
    %dma_start3A_568 = arith.constant 0 : i32
    %dma_start3A_569 = arith.constant 0 : i32
    %dma_start3A_570 = tpu.memref_slice %arg2[%dma_start3A_568, %dma_start3A_561, %dma_start3A_569, %mul3A_2] : memref<3x18x8x32768xf32, #tpu.memory_space<hbm>> -> memref<3x1x8x1024xf32, #tpu.memory_space<hbm>>
    %dma_start3A_571 = tpu.memref_squeeze %dma_start3A_570 : memref<3x1x8x1024xf32, #tpu.memory_space<hbm>> -> memref<3x8x1024xf32, #tpu.memory_space<hbm>>
    %dma_start3A_572 = arith.constant 0 : i32
    %dma_start3A_573 = arith.constant 0 : i32
    %dma_start3A_574 = arith.constant 0 : i32
    %dma_start3A_575 = tpu.memref_slice %arg4[%dma_start3A_562, %dma_start3A_572, %dma_start3A_573, %dma_start3A_574] : memref<5x3x8x1024xf32, #tpu.memory_space<vmem>> -> memref<1x3x8x1024xf32, #tpu.memory_space<vmem>>
    %dma_start3A_576 = tpu.memref_squeeze %dma_start3A_575 : memref<1x3x8x1024xf32, #tpu.memory_space<vmem>> -> memref<3x8x1024xf32, #tpu.memory_space<vmem>>
    %dma_start3A_577 = arith.constant 0 : i32
    %dma_start3A_578 = arith.constant 0 : i32
    %dma_start3A_579 = tpu.memref_slice %arg2[%dma_start3A_577, %dma_start3A_561, %dma_start3A_578, %mul3A_2] : memref<3x18x8x32768xf32, #tpu.memory_space<hbm>> -> memref<3x1x8x1024xf32, #tpu.memory_space<hbm>>
    %dma_start3A_580 = tpu.memref_squeeze %dma_start3A_579 : memref<3x1x8x1024xf32, #tpu.memory_space<hbm>> -> memref<3x8x1024xf32, #tpu.memory_space<hbm>>
    tpu.enqueue_dma source(%dma_start3A_580 : memref<3x8x1024xf32, #tpu.memory_space<hbm>>) target(%dma_start3A_576 : memref<3x8x1024xf32, #tpu.memory_space<vmem>>) target_semaphore(%arg9 : memref<!tpu.dma_semaphore, #tpu.memory_space<semaphore_mem>>)
    %dma_wait3A_581 = arith.constant 6 : i32
    %dma_wait3A_582 = arith.constant 2 : i32
    %dma_wait3A_583 = arith.constant 0 : i32
    %dma_wait3A_584 = arith.constant 0 : i32
    %dma_wait3A_585 = arith.constant 0 : i32
    %dma_wait3A_586 = tpu.memref_slice %arg4[%dma_wait3A_582, %dma_wait3A_583, %dma_wait3A_584, %dma_wait3A_585] : memref<5x3x8x1024xf32, #tpu.memory_space<vmem>> -> memref<1x3x8x1024xf32, #tpu.memory_space<vmem>>
    %dma_wait3A_587 = tpu.memref_squeeze %dma_wait3A_586 : memref<1x3x8x1024xf32, #tpu.memory_space<vmem>> -> memref<3x8x1024xf32, #tpu.memory_space<vmem>>
    %dma_wait3A_588 = arith.constant 0 : i32
    %dma_wait3A_589 = arith.constant 0 : i32
    %dma_wait3A_590 = tpu.memref_slice %arg2[%dma_wait3A_588, %dma_wait3A_581, %dma_wait3A_589, %mul3A_2] : memref<3x18x8x32768xf32, #tpu.memory_space<hbm>> -> memref<3x1x8x1024xf32, #tpu.memory_space<hbm>>
    %dma_wait3A_591 = tpu.memref_squeeze %dma_wait3A_590 : memref<3x1x8x1024xf32, #tpu.memory_space<hbm>> -> memref<3x8x1024xf32, #tpu.memory_space<hbm>>
    %dma_wait3A_592 = arith.constant 0 : i32
    %dma_wait3A_593 = arith.constant 0 : i32
    %dma_wait3A_594 = arith.constant 0 : i32
    %dma_wait3A_595 = tpu.memref_slice %arg4[%dma_wait3A_582, %dma_wait3A_592, %dma_wait3A_593, %dma_wait3A_594] : memref<5x3x8x1024xf32, #tpu.memory_space<vmem>> -> memref<1x3x8x1024xf32, #tpu.memory_space<vmem>>
    %dma_wait3A_596 = tpu.memref_squeeze %dma_wait3A_595 : memref<1x3x8x1024xf32, #tpu.memory_space<vmem>> -> memref<3x8x1024xf32, #tpu.memory_space<vmem>>
    %dma_wait3A_597 = arith.constant 0 : i32
    %dma_wait3A_598 = arith.constant 0 : i32
    %dma_wait3A_599 = tpu.memref_slice %arg2[%dma_wait3A_597, %dma_wait3A_581, %dma_wait3A_598, %mul3A_2] : memref<3x18x8x32768xf32, #tpu.memory_space<hbm>> -> memref<3x1x8x1024xf32, #tpu.memory_space<hbm>>
    %dma_wait3A_600 = tpu.memref_squeeze %dma_wait3A_599 : memref<3x1x8x1024xf32, #tpu.memory_space<hbm>> -> memref<3x8x1024xf32, #tpu.memory_space<hbm>>
    tpu.wait_dma2 semaphore(%arg7 : memref<!tpu.dma_semaphore, #tpu.memory_space<semaphore_mem>>) src(%dma_wait3A_600 : memref<3x8x1024xf32, #tpu.memory_space<hbm>>) dst(%dma_wait3A_596 : memref<3x8x1024xf32, #tpu.memory_space<vmem>>)
    %dma_start3A_601 = arith.constant 2 : i32
    %dma_start3A_602 = arith.constant 7 : i32
    %dma_start3A_603 = arith.constant 0 : i32
    %dma_start3A_604 = arith.constant 0 : i32
    %dma_start3A_605 = arith.constant 0 : i32
    %dma_start3A_606 = tpu.memref_slice %arg4[%dma_start3A_601, %dma_start3A_603, %dma_start3A_604, %dma_start3A_605] : memref<5x3x8x1024xf32, #tpu.memory_space<vmem>> -> memref<1x3x8x1024xf32, #tpu.memory_space<vmem>>
    %dma_start3A_607 = tpu.memref_squeeze %dma_start3A_606 : memref<1x3x8x1024xf32, #tpu.memory_space<vmem>> -> memref<3x8x1024xf32, #tpu.memory_space<vmem>>
    %dma_start3A_608 = arith.constant 0 : i32
    %dma_start3A_609 = arith.constant 0 : i32
    %dma_start3A_610 = tpu.memref_slice %arg3[%dma_start3A_602, %dma_start3A_608, %dma_start3A_609, %mul3A_2] : memref<17x3x8x32768xf32, #tpu.memory_space<hbm>> -> memref<1x3x8x1024xf32, #tpu.memory_space<hbm>>
    %dma_start3A_611 = tpu.memref_squeeze %dma_start3A_610 : memref<1x3x8x1024xf32, #tpu.memory_space<hbm>> -> memref<3x8x1024xf32, #tpu.memory_space<hbm>>
    %dma_start3A_612 = arith.constant 0 : i32
    %dma_start3A_613 = arith.constant 0 : i32
    %dma_start3A_614 = tpu.memref_slice %arg3[%dma_start3A_602, %dma_start3A_612, %dma_start3A_613, %mul3A_2] : memref<17x3x8x32768xf32, #tpu.memory_space<hbm>> -> memref<1x3x8x1024xf32, #tpu.memory_space<hbm>>
    %dma_start3A_615 = tpu.memref_squeeze %dma_start3A_614 : memref<1x3x8x1024xf32, #tpu.memory_space<hbm>> -> memref<3x8x1024xf32, #tpu.memory_space<hbm>>
    %dma_start3A_616 = arith.constant 0 : i32
    %dma_start3A_617 = arith.constant 0 : i32
    %dma_start3A_618 = arith.constant 0 : i32
    %dma_start3A_619 = tpu.memref_slice %arg4[%dma_start3A_601, %dma_start3A_616, %dma_start3A_617, %dma_start3A_618] : memref<5x3x8x1024xf32, #tpu.memory_space<vmem>> -> memref<1x3x8x1024xf32, #tpu.memory_space<vmem>>
    %dma_start3A_620 = tpu.memref_squeeze %dma_start3A_619 : memref<1x3x8x1024xf32, #tpu.memory_space<vmem>> -> memref<3x8x1024xf32, #tpu.memory_space<vmem>>
    tpu.enqueue_dma source(%dma_start3A_620 : memref<3x8x1024xf32, #tpu.memory_space<vmem>>) target(%dma_start3A_615 : memref<3x8x1024xf32, #tpu.memory_space<hbm>>) target_semaphore(%arg12 : memref<!tpu.dma_semaphore, #tpu.memory_space<semaphore_mem>>)
    %dma_wait3A_621 = arith.constant 0 : i32
    %dma_wait3A_622 = arith.constant 5 : i32
    %dma_wait3A_623 = arith.constant 0 : i32
    %dma_wait3A_624 = arith.constant 0 : i32
    %dma_wait3A_625 = arith.constant 0 : i32
    %dma_wait3A_626 = tpu.memref_slice %arg4[%dma_wait3A_621, %dma_wait3A_623, %dma_wait3A_624, %dma_wait3A_625] : memref<5x3x8x1024xf32, #tpu.memory_space<vmem>> -> memref<1x3x8x1024xf32, #tpu.memory_space<vmem>>
    %dma_wait3A_627 = tpu.memref_squeeze %dma_wait3A_626 : memref<1x3x8x1024xf32, #tpu.memory_space<vmem>> -> memref<3x8x1024xf32, #tpu.memory_space<vmem>>
    %dma_wait3A_628 = arith.constant 0 : i32
    %dma_wait3A_629 = arith.constant 0 : i32
    %dma_wait3A_630 = tpu.memref_slice %arg3[%dma_wait3A_622, %dma_wait3A_628, %dma_wait3A_629, %mul3A_2] : memref<17x3x8x32768xf32, #tpu.memory_space<hbm>> -> memref<1x3x8x1024xf32, #tpu.memory_space<hbm>>
    %dma_wait3A_631 = tpu.memref_squeeze %dma_wait3A_630 : memref<1x3x8x1024xf32, #tpu.memory_space<hbm>> -> memref<3x8x1024xf32, #tpu.memory_space<hbm>>
    %dma_wait3A_632 = arith.constant 0 : i32
    %dma_wait3A_633 = arith.constant 0 : i32
    %dma_wait3A_634 = tpu.memref_slice %arg3[%dma_wait3A_622, %dma_wait3A_632, %dma_wait3A_633, %mul3A_2] : memref<17x3x8x32768xf32, #tpu.memory_space<hbm>> -> memref<1x3x8x1024xf32, #tpu.memory_space<hbm>>
    %dma_wait3A_635 = tpu.memref_squeeze %dma_wait3A_634 : memref<1x3x8x1024xf32, #tpu.memory_space<hbm>> -> memref<3x8x1024xf32, #tpu.memory_space<hbm>>
    %dma_wait3A_636 = arith.constant 0 : i32
    %dma_wait3A_637 = arith.constant 0 : i32
    %dma_wait3A_638 = arith.constant 0 : i32
    %dma_wait3A_639 = tpu.memref_slice %arg4[%dma_wait3A_621, %dma_wait3A_636, %dma_wait3A_637, %dma_wait3A_638] : memref<5x3x8x1024xf32, #tpu.memory_space<vmem>> -> memref<1x3x8x1024xf32, #tpu.memory_space<vmem>>
    %dma_wait3A_640 = tpu.memref_squeeze %dma_wait3A_639 : memref<1x3x8x1024xf32, #tpu.memory_space<vmem>> -> memref<3x8x1024xf32, #tpu.memory_space<vmem>>
    tpu.wait_dma2 semaphore(%arg10 : memref<!tpu.dma_semaphore, #tpu.memory_space<semaphore_mem>>) src(%dma_wait3A_640 : memref<3x8x1024xf32, #tpu.memory_space<vmem>>) dst(%dma_wait3A_635 : memref<3x8x1024xf32, #tpu.memory_space<hbm>>)
    %dma_start3A_641 = arith.constant 4 : i32
    %dma_start3A_642 = arith.constant 0 : i32
    %dma_start3A_643 = arith.constant 0 : i32
    %dma_start3A_644 = arith.constant 0 : i32
    %dma_start3A_645 = arith.constant 0 : i32
    %dma_start3A_646 = tpu.memref_slice %arg4[%dma_start3A_642, %dma_start3A_643, %dma_start3A_644, %dma_start3A_645] : memref<5x3x8x1024xf32, #tpu.memory_space<vmem>> -> memref<1x3x8x1024xf32, #tpu.memory_space<vmem>>
    %dma_start3A_647 = tpu.memref_squeeze %dma_start3A_646 : memref<1x3x8x1024xf32, #tpu.memory_space<vmem>> -> memref<3x8x1024xf32, #tpu.memory_space<vmem>>
    %dma_start3A_648 = arith.constant 0 : i32
    %dma_start3A_649 = arith.constant 0 : i32
    %dma_start3A_650 = tpu.memref_slice %arg2[%dma_start3A_648, %dma_start3A_641, %dma_start3A_649, %mul3A_2] : memref<3x18x8x32768xf32, #tpu.memory_space<hbm>> -> memref<3x1x8x1024xf32, #tpu.memory_space<hbm>>
    %dma_start3A_651 = tpu.memref_squeeze %dma_start3A_650 : memref<3x1x8x1024xf32, #tpu.memory_space<hbm>> -> memref<3x8x1024xf32, #tpu.memory_space<hbm>>
    %dma_start3A_652 = arith.constant 0 : i32
    %dma_start3A_653 = arith.constant 0 : i32
    %dma_start3A_654 = arith.constant 0 : i32
    %dma_start3A_655 = tpu.memref_slice %arg4[%dma_start3A_642, %dma_start3A_652, %dma_start3A_653, %dma_start3A_654] : memref<5x3x8x1024xf32, #tpu.memory_space<vmem>> -> memref<1x3x8x1024xf32, #tpu.memory_space<vmem>>
    %dma_start3A_656 = tpu.memref_squeeze %dma_start3A_655 : memref<1x3x8x1024xf32, #tpu.memory_space<vmem>> -> memref<3x8x1024xf32, #tpu.memory_space<vmem>>
    %dma_start3A_657 = arith.constant 0 : i32
    %dma_start3A_658 = arith.constant 0 : i32
    %dma_start3A_659 = tpu.memref_slice %arg2[%dma_start3A_657, %dma_start3A_641, %dma_start3A_658, %mul3A_2] : memref<3x18x8x32768xf32, #tpu.memory_space<hbm>> -> memref<3x1x8x1024xf32, #tpu.memory_space<hbm>>
    %dma_start3A_660 = tpu.memref_squeeze %dma_start3A_659 : memref<3x1x8x1024xf32, #tpu.memory_space<hbm>> -> memref<3x8x1024xf32, #tpu.memory_space<hbm>>
    tpu.enqueue_dma source(%dma_start3A_660 : memref<3x8x1024xf32, #tpu.memory_space<hbm>>) target(%dma_start3A_656 : memref<3x8x1024xf32, #tpu.memory_space<vmem>>) target_semaphore(%arg5 : memref<!tpu.dma_semaphore, #tpu.memory_space<semaphore_mem>>)
    %dma_wait3A_661 = arith.constant 3 : i32
    %dma_wait3A_662 = arith.constant 3 : i32
    %dma_wait3A_663 = arith.constant 0 : i32
    %dma_wait3A_664 = arith.constant 0 : i32
    %dma_wait3A_665 = arith.constant 0 : i32
    %dma_wait3A_666 = tpu.memref_slice %arg4[%dma_wait3A_662, %dma_wait3A_663, %dma_wait3A_664, %dma_wait3A_665] : memref<5x3x8x1024xf32, #tpu.memory_space<vmem>> -> memref<1x3x8x1024xf32, #tpu.memory_space<vmem>>
    %dma_wait3A_667 = tpu.memref_squeeze %dma_wait3A_666 : memref<1x3x8x1024xf32, #tpu.memory_space<vmem>> -> memref<3x8x1024xf32, #tpu.memory_space<vmem>>
    %dma_wait3A_668 = arith.constant 0 : i32
    %dma_wait3A_669 = arith.constant 0 : i32
    %dma_wait3A_670 = tpu.memref_slice %arg2[%dma_wait3A_668, %dma_wait3A_661, %dma_wait3A_669, %mul3A_2] : memref<3x18x8x32768xf32, #tpu.memory_space<hbm>> -> memref<3x1x8x1024xf32, #tpu.memory_space<hbm>>
    %dma_wait3A_671 = tpu.memref_squeeze %dma_wait3A_670 : memref<3x1x8x1024xf32, #tpu.memory_space<hbm>> -> memref<3x8x1024xf32, #tpu.memory_space<hbm>>
    %dma_wait3A_672 = arith.constant 0 : i32
    %dma_wait3A_673 = arith.constant 0 : i32
    %dma_wait3A_674 = arith.constant 0 : i32
    %dma_wait3A_675 = tpu.memref_slice %arg4[%dma_wait3A_662, %dma_wait3A_672, %dma_wait3A_673, %dma_wait3A_674] : memref<5x3x8x1024xf32, #tpu.memory_space<vmem>> -> memref<1x3x8x1024xf32, #tpu.memory_space<vmem>>
    %dma_wait3A_676 = tpu.memref_squeeze %dma_wait3A_675 : memref<1x3x8x1024xf32, #tpu.memory_space<vmem>> -> memref<3x8x1024xf32, #tpu.memory_space<vmem>>
    %dma_wait3A_677 = arith.constant 0 : i32
    %dma_wait3A_678 = arith.constant 0 : i32
    %dma_wait3A_679 = tpu.memref_slice %arg2[%dma_wait3A_677, %dma_wait3A_661, %dma_wait3A_678, %mul3A_2] : memref<3x18x8x32768xf32, #tpu.memory_space<hbm>> -> memref<3x1x8x1024xf32, #tpu.memory_space<hbm>>
    %dma_wait3A_680 = tpu.memref_squeeze %dma_wait3A_679 : memref<3x1x8x1024xf32, #tpu.memory_space<hbm>> -> memref<3x8x1024xf32, #tpu.memory_space<hbm>>
    tpu.wait_dma2 semaphore(%arg8 : memref<!tpu.dma_semaphore, #tpu.memory_space<semaphore_mem>>) src(%dma_wait3A_680 : memref<3x8x1024xf32, #tpu.memory_space<hbm>>) dst(%dma_wait3A_676 : memref<3x8x1024xf32, #tpu.memory_space<vmem>>)
    %dma_start3A_681 = arith.constant 3 : i32
    %dma_start3A_682 = arith.constant 8 : i32
    %dma_start3A_683 = arith.constant 0 : i32
    %dma_start3A_684 = arith.constant 0 : i32
    %dma_start3A_685 = arith.constant 0 : i32
    %dma_start3A_686 = tpu.memref_slice %arg4[%dma_start3A_681, %dma_start3A_683, %dma_start3A_684, %dma_start3A_685] : memref<5x3x8x1024xf32, #tpu.memory_space<vmem>> -> memref<1x3x8x1024xf32, #tpu.memory_space<vmem>>
    %dma_start3A_687 = tpu.memref_squeeze %dma_start3A_686 : memref<1x3x8x1024xf32, #tpu.memory_space<vmem>> -> memref<3x8x1024xf32, #tpu.memory_space<vmem>>
    %dma_start3A_688 = arith.constant 0 : i32
    %dma_start3A_689 = arith.constant 0 : i32
    %dma_start3A_690 = tpu.memref_slice %arg3[%dma_start3A_682, %dma_start3A_688, %dma_start3A_689, %mul3A_2] : memref<17x3x8x32768xf32, #tpu.memory_space<hbm>> -> memref<1x3x8x1024xf32, #tpu.memory_space<hbm>>
    %dma_start3A_691 = tpu.memref_squeeze %dma_start3A_690 : memref<1x3x8x1024xf32, #tpu.memory_space<hbm>> -> memref<3x8x1024xf32, #tpu.memory_space<hbm>>
    %dma_start3A_692 = arith.constant 0 : i32
    %dma_start3A_693 = arith.constant 0 : i32
    %dma_start3A_694 = tpu.memref_slice %arg3[%dma_start3A_682, %dma_start3A_692, %dma_start3A_693, %mul3A_2] : memref<17x3x8x32768xf32, #tpu.memory_space<hbm>> -> memref<1x3x8x1024xf32, #tpu.memory_space<hbm>>
    %dma_start3A_695 = tpu.memref_squeeze %dma_start3A_694 : memref<1x3x8x1024xf32, #tpu.memory_space<hbm>> -> memref<3x8x1024xf32, #tpu.memory_space<hbm>>
    %dma_start3A_696 = arith.constant 0 : i32
    %dma_start3A_697 = arith.constant 0 : i32
    %dma_start3A_698 = arith.constant 0 : i32
    %dma_start3A_699 = tpu.memref_slice %arg4[%dma_start3A_681, %dma_start3A_696, %dma_start3A_697, %dma_start3A_698] : memref<5x3x8x1024xf32, #tpu.memory_space<vmem>> -> memref<1x3x8x1024xf32, #tpu.memory_space<vmem>>
    %dma_start3A_700 = tpu.memref_squeeze %dma_start3A_699 : memref<1x3x8x1024xf32, #tpu.memory_space<vmem>> -> memref<3x8x1024xf32, #tpu.memory_space<vmem>>
    tpu.enqueue_dma source(%dma_start3A_700 : memref<3x8x1024xf32, #tpu.memory_space<vmem>>) target(%dma_start3A_695 : memref<3x8x1024xf32, #tpu.memory_space<hbm>>) target_semaphore(%arg13 : memref<!tpu.dma_semaphore, #tpu.memory_space<semaphore_mem>>)
    %dma_wait3A_701 = arith.constant 1 : i32
    %dma_wait3A_702 = arith.constant 6 : i32
    %dma_wait3A_703 = arith.constant 0 : i32
    %dma_wait3A_704 = arith.constant 0 : i32
    %dma_wait3A_705 = arith.constant 0 : i32
    %dma_wait3A_706 = tpu.memref_slice %arg4[%dma_wait3A_701, %dma_wait3A_703, %dma_wait3A_704, %dma_wait3A_705] : memref<5x3x8x1024xf32, #tpu.memory_space<vmem>> -> memref<1x3x8x1024xf32, #tpu.memory_space<vmem>>
    %dma_wait3A_707 = tpu.memref_squeeze %dma_wait3A_706 : memref<1x3x8x1024xf32, #tpu.memory_space<vmem>> -> memref<3x8x1024xf32, #tpu.memory_space<vmem>>
    %dma_wait3A_708 = arith.constant 0 : i32
    %dma_wait3A_709 = arith.constant 0 : i32
    %dma_wait3A_710 = tpu.memref_slice %arg3[%dma_wait3A_702, %dma_wait3A_708, %dma_wait3A_709, %mul3A_2] : memref<17x3x8x32768xf32, #tpu.memory_space<hbm>> -> memref<1x3x8x1024xf32, #tpu.memory_space<hbm>>
    %dma_wait3A_711 = tpu.memref_squeeze %dma_wait3A_710 : memref<1x3x8x1024xf32, #tpu.memory_space<hbm>> -> memref<3x8x1024xf32, #tpu.memory_space<hbm>>
    %dma_wait3A_712 = arith.constant 0 : i32
    %dma_wait3A_713 = arith.constant 0 : i32
    %dma_wait3A_714 = tpu.memref_slice %arg3[%dma_wait3A_702, %dma_wait3A_712, %dma_wait3A_713, %mul3A_2] : memref<17x3x8x32768xf32, #tpu.memory_space<hbm>> -> memref<1x3x8x1024xf32, #tpu.memory_space<hbm>>
    %dma_wait3A_715 = tpu.memref_squeeze %dma_wait3A_714 : memref<1x3x8x1024xf32, #tpu.memory_space<hbm>> -> memref<3x8x1024xf32, #tpu.memory_space<hbm>>
    %dma_wait3A_716 = arith.constant 0 : i32
    %dma_wait3A_717 = arith.constant 0 : i32
    %dma_wait3A_718 = arith.constant 0 : i32
    %dma_wait3A_719 = tpu.memref_slice %arg4[%dma_wait3A_701, %dma_wait3A_716, %dma_wait3A_717, %dma_wait3A_718] : memref<5x3x8x1024xf32, #tpu.memory_space<vmem>> -> memref<1x3x8x1024xf32, #tpu.memory_space<vmem>>
    %dma_wait3A_720 = tpu.memref_squeeze %dma_wait3A_719 : memref<1x3x8x1024xf32, #tpu.memory_space<vmem>> -> memref<3x8x1024xf32, #tpu.memory_space<vmem>>
    tpu.wait_dma2 semaphore(%arg11 : memref<!tpu.dma_semaphore, #tpu.memory_space<semaphore_mem>>) src(%dma_wait3A_720 : memref<3x8x1024xf32, #tpu.memory_space<vmem>>) dst(%dma_wait3A_715 : memref<3x8x1024xf32, #tpu.memory_space<hbm>>)
    %dma_start3A_721 = arith.constant 11 : i32
    %dma_start3A_722 = arith.constant 1 : i32
    %dma_start3A_723 = arith.constant 0 : i32
    %dma_start3A_724 = arith.constant 0 : i32
    %dma_start3A_725 = arith.constant 0 : i32
    %dma_start3A_726 = tpu.memref_slice %arg4[%dma_start3A_722, %dma_start3A_723, %dma_start3A_724, %dma_start3A_725] : memref<5x3x8x1024xf32, #tpu.memory_space<vmem>> -> memref<1x3x8x1024xf32, #tpu.memory_space<vmem>>
    %dma_start3A_727 = tpu.memref_squeeze %dma_start3A_726 : memref<1x3x8x1024xf32, #tpu.memory_space<vmem>> -> memref<3x8x1024xf32, #tpu.memory_space<vmem>>
    %dma_start3A_728 = arith.constant 0 : i32
    %dma_start3A_729 = arith.constant 0 : i32
    %dma_start3A_730 = tpu.memref_slice %arg2[%dma_start3A_728, %dma_start3A_721, %dma_start3A_729, %mul3A_2] : memref<3x18x8x32768xf32, #tpu.memory_space<hbm>> -> memref<3x1x8x1024xf32, #tpu.memory_space<hbm>>
    %dma_start3A_731 = tpu.memref_squeeze %dma_start3A_730 : memref<3x1x8x1024xf32, #tpu.memory_space<hbm>> -> memref<3x8x1024xf32, #tpu.memory_space<hbm>>
    %dma_start3A_732 = arith.constant 0 : i32
    %dma_start3A_733 = arith.constant 0 : i32
    %dma_start3A_734 = arith.constant 0 : i32
    %dma_start3A_735 = tpu.memref_slice %arg4[%dma_start3A_722, %dma_start3A_732, %dma_start3A_733, %dma_start3A_734] : memref<5x3x8x1024xf32, #tpu.memory_space<vmem>> -> memref<1x3x8x1024xf32, #tpu.memory_space<vmem>>
    %dma_start3A_736 = tpu.memref_squeeze %dma_start3A_735 : memref<1x3x8x1024xf32, #tpu.memory_space<vmem>> -> memref<3x8x1024xf32, #tpu.memory_space<vmem>>
    %dma_start3A_737 = arith.constant 0 : i32
    %dma_start3A_738 = arith.constant 0 : i32
    %dma_start3A_739 = tpu.memref_slice %arg2[%dma_start3A_737, %dma_start3A_721, %dma_start3A_738, %mul3A_2] : memref<3x18x8x32768xf32, #tpu.memory_space<hbm>> -> memref<3x1x8x1024xf32, #tpu.memory_space<hbm>>
    %dma_start3A_740 = tpu.memref_squeeze %dma_start3A_739 : memref<3x1x8x1024xf32, #tpu.memory_space<hbm>> -> memref<3x8x1024xf32, #tpu.memory_space<hbm>>
    tpu.enqueue_dma source(%dma_start3A_740 : memref<3x8x1024xf32, #tpu.memory_space<hbm>>) target(%dma_start3A_736 : memref<3x8x1024xf32, #tpu.memory_space<vmem>>) target_semaphore(%arg6 : memref<!tpu.dma_semaphore, #tpu.memory_space<semaphore_mem>>)
    %dma_wait3A_741 = arith.constant 7 : i32
    %dma_wait3A_742 = arith.constant 4 : i32
    %dma_wait3A_743 = arith.constant 0 : i32
    %dma_wait3A_744 = arith.constant 0 : i32
    %dma_wait3A_745 = arith.constant 0 : i32
    %dma_wait3A_746 = tpu.memref_slice %arg4[%dma_wait3A_742, %dma_wait3A_743, %dma_wait3A_744, %dma_wait3A_745] : memref<5x3x8x1024xf32, #tpu.memory_space<vmem>> -> memref<1x3x8x1024xf32, #tpu.memory_space<vmem>>
    %dma_wait3A_747 = tpu.memref_squeeze %dma_wait3A_746 : memref<1x3x8x1024xf32, #tpu.memory_space<vmem>> -> memref<3x8x1024xf32, #tpu.memory_space<vmem>>
    %dma_wait3A_748 = arith.constant 0 : i32
    %dma_wait3A_749 = arith.constant 0 : i32
    %dma_wait3A_750 = tpu.memref_slice %arg2[%dma_wait3A_748, %dma_wait3A_741, %dma_wait3A_749, %mul3A_2] : memref<3x18x8x32768xf32, #tpu.memory_space<hbm>> -> memref<3x1x8x1024xf32, #tpu.memory_space<hbm>>
    %dma_wait3A_751 = tpu.memref_squeeze %dma_wait3A_750 : memref<3x1x8x1024xf32, #tpu.memory_space<hbm>> -> memref<3x8x1024xf32, #tpu.memory_space<hbm>>
    %dma_wait3A_752 = arith.constant 0 : i32
    %dma_wait3A_753 = arith.constant 0 : i32
    %dma_wait3A_754 = arith.constant 0 : i32
    %dma_wait3A_755 = tpu.memref_slice %arg4[%dma_wait3A_742, %dma_wait3A_752, %dma_wait3A_753, %dma_wait3A_754] : memref<5x3x8x1024xf32, #tpu.memory_space<vmem>> -> memref<1x3x8x1024xf32, #tpu.memory_space<vmem>>
    %dma_wait3A_756 = tpu.memref_squeeze %dma_wait3A_755 : memref<1x3x8x1024xf32, #tpu.memory_space<vmem>> -> memref<3x8x1024xf32, #tpu.memory_space<vmem>>
    %dma_wait3A_757 = arith.constant 0 : i32
    %dma_wait3A_758 = arith.constant 0 : i32
    %dma_wait3A_759 = tpu.memref_slice %arg2[%dma_wait3A_757, %dma_wait3A_741, %dma_wait3A_758, %mul3A_2] : memref<3x18x8x32768xf32, #tpu.memory_space<hbm>> -> memref<3x1x8x1024xf32, #tpu.memory_space<hbm>>
    %dma_wait3A_760 = tpu.memref_squeeze %dma_wait3A_759 : memref<3x1x8x1024xf32, #tpu.memory_space<hbm>> -> memref<3x8x1024xf32, #tpu.memory_space<hbm>>
    tpu.wait_dma2 semaphore(%arg9 : memref<!tpu.dma_semaphore, #tpu.memory_space<semaphore_mem>>) src(%dma_wait3A_760 : memref<3x8x1024xf32, #tpu.memory_space<hbm>>) dst(%dma_wait3A_756 : memref<3x8x1024xf32, #tpu.memory_space<vmem>>)
    %dma_start3A_761 = arith.constant 4 : i32
    %dma_start3A_762 = arith.constant 9 : i32
    %dma_start3A_763 = arith.constant 0 : i32
    %dma_start3A_764 = arith.constant 0 : i32
    %dma_start3A_765 = arith.constant 0 : i32
    %dma_start3A_766 = tpu.memref_slice %arg4[%dma_start3A_761, %dma_start3A_763, %dma_start3A_764, %dma_start3A_765] : memref<5x3x8x1024xf32, #tpu.memory_space<vmem>> -> memref<1x3x8x1024xf32, #tpu.memory_space<vmem>>
    %dma_start3A_767 = tpu.memref_squeeze %dma_start3A_766 : memref<1x3x8x1024xf32, #tpu.memory_space<vmem>> -> memref<3x8x1024xf32, #tpu.memory_space<vmem>>
    %dma_start3A_768 = arith.constant 0 : i32
    %dma_start3A_769 = arith.constant 0 : i32
    %dma_start3A_770 = tpu.memref_slice %arg3[%dma_start3A_762, %dma_start3A_768, %dma_start3A_769, %mul3A_2] : memref<17x3x8x32768xf32, #tpu.memory_space<hbm>> -> memref<1x3x8x1024xf32, #tpu.memory_space<hbm>>
    %dma_start3A_771 = tpu.memref_squeeze %dma_start3A_770 : memref<1x3x8x1024xf32, #tpu.memory_space<hbm>> -> memref<3x8x1024xf32, #tpu.memory_space<hbm>>
    %dma_start3A_772 = arith.constant 0 : i32
    %dma_start3A_773 = arith.constant 0 : i32
    %dma_start3A_774 = tpu.memref_slice %arg3[%dma_start3A_762, %dma_start3A_772, %dma_start3A_773, %mul3A_2] : memref<17x3x8x32768xf32, #tpu.memory_space<hbm>> -> memref<1x3x8x1024xf32, #tpu.memory_space<hbm>>
    %dma_start3A_775 = tpu.memref_squeeze %dma_start3A_774 : memref<1x3x8x1024xf32, #tpu.memory_space<hbm>> -> memref<3x8x1024xf32, #tpu.memory_space<hbm>>
    %dma_start3A_776 = arith.constant 0 : i32
    %dma_start3A_777 = arith.constant 0 : i32
    %dma_start3A_778 = arith.constant 0 : i32
    %dma_start3A_779 = tpu.memref_slice %arg4[%dma_start3A_761, %dma_start3A_776, %dma_start3A_777, %dma_start3A_778] : memref<5x3x8x1024xf32, #tpu.memory_space<vmem>> -> memref<1x3x8x1024xf32, #tpu.memory_space<vmem>>
    %dma_start3A_780 = tpu.memref_squeeze %dma_start3A_779 : memref<1x3x8x1024xf32, #tpu.memory_space<vmem>> -> memref<3x8x1024xf32, #tpu.memory_space<vmem>>
    tpu.enqueue_dma source(%dma_start3A_780 : memref<3x8x1024xf32, #tpu.memory_space<vmem>>) target(%dma_start3A_775 : memref<3x8x1024xf32, #tpu.memory_space<hbm>>) target_semaphore(%arg14 : memref<!tpu.dma_semaphore, #tpu.memory_space<semaphore_mem>>)
    %dma_wait3A_781 = arith.constant 2 : i32
    %dma_wait3A_782 = arith.constant 7 : i32
    %dma_wait3A_783 = arith.constant 0 : i32
    %dma_wait3A_784 = arith.constant 0 : i32
    %dma_wait3A_785 = arith.constant 0 : i32
    %dma_wait3A_786 = tpu.memref_slice %arg4[%dma_wait3A_781, %dma_wait3A_783, %dma_wait3A_784, %dma_wait3A_785] : memref<5x3x8x1024xf32, #tpu.memory_space<vmem>> -> memref<1x3x8x1024xf32, #tpu.memory_space<vmem>>
    %dma_wait3A_787 = tpu.memref_squeeze %dma_wait3A_786 : memref<1x3x8x1024xf32, #tpu.memory_space<vmem>> -> memref<3x8x1024xf32, #tpu.memory_space<vmem>>
    %dma_wait3A_788 = arith.constant 0 : i32
    %dma_wait3A_789 = arith.constant 0 : i32
    %dma_wait3A_790 = tpu.memref_slice %arg3[%dma_wait3A_782, %dma_wait3A_788, %dma_wait3A_789, %mul3A_2] : memref<17x3x8x32768xf32, #tpu.memory_space<hbm>> -> memref<1x3x8x1024xf32, #tpu.memory_space<hbm>>
    %dma_wait3A_791 = tpu.memref_squeeze %dma_wait3A_790 : memref<1x3x8x1024xf32, #tpu.memory_space<hbm>> -> memref<3x8x1024xf32, #tpu.memory_space<hbm>>
    %dma_wait3A_792 = arith.constant 0 : i32
    %dma_wait3A_793 = arith.constant 0 : i32
    %dma_wait3A_794 = tpu.memref_slice %arg3[%dma_wait3A_782, %dma_wait3A_792, %dma_wait3A_793, %mul3A_2] : memref<17x3x8x32768xf32, #tpu.memory_space<hbm>> -> memref<1x3x8x1024xf32, #tpu.memory_space<hbm>>
    %dma_wait3A_795 = tpu.memref_squeeze %dma_wait3A_794 : memref<1x3x8x1024xf32, #tpu.memory_space<hbm>> -> memref<3x8x1024xf32, #tpu.memory_space<hbm>>
    %dma_wait3A_796 = arith.constant 0 : i32
    %dma_wait3A_797 = arith.constant 0 : i32
    %dma_wait3A_798 = arith.constant 0 : i32
    %dma_wait3A_799 = tpu.memref_slice %arg4[%dma_wait3A_781, %dma_wait3A_796, %dma_wait3A_797, %dma_wait3A_798] : memref<5x3x8x1024xf32, #tpu.memory_space<vmem>> -> memref<1x3x8x1024xf32, #tpu.memory_space<vmem>>
    %dma_wait3A_800 = tpu.memref_squeeze %dma_wait3A_799 : memref<1x3x8x1024xf32, #tpu.memory_space<vmem>> -> memref<3x8x1024xf32, #tpu.memory_space<vmem>>
    tpu.wait_dma2 semaphore(%arg12 : memref<!tpu.dma_semaphore, #tpu.memory_space<semaphore_mem>>) src(%dma_wait3A_800 : memref<3x8x1024xf32, #tpu.memory_space<vmem>>) dst(%dma_wait3A_795 : memref<3x8x1024xf32, #tpu.memory_space<hbm>>)
    %dma_start3A_801 = arith.constant 8 : i32
    %dma_start3A_802 = arith.constant 2 : i32
    %dma_start3A_803 = arith.constant 0 : i32
    %dma_start3A_804 = arith.constant 0 : i32
    %dma_start3A_805 = arith.constant 0 : i32
    %dma_start3A_806 = tpu.memref_slice %arg4[%dma_start3A_802, %dma_start3A_803, %dma_start3A_804, %dma_start3A_805] : memref<5x3x8x1024xf32, #tpu.memory_space<vmem>> -> memref<1x3x8x1024xf32, #tpu.memory_space<vmem>>
    %dma_start3A_807 = tpu.memref_squeeze %dma_start3A_806 : memref<1x3x8x1024xf32, #tpu.memory_space<vmem>> -> memref<3x8x1024xf32, #tpu.memory_space<vmem>>
    %dma_start3A_808 = arith.constant 0 : i32
    %dma_start3A_809 = arith.constant 0 : i32
    %dma_start3A_810 = tpu.memref_slice %arg2[%dma_start3A_808, %dma_start3A_801, %dma_start3A_809, %mul3A_2] : memref<3x18x8x32768xf32, #tpu.memory_space<hbm>> -> memref<3x1x8x1024xf32, #tpu.memory_space<hbm>>
    %dma_start3A_811 = tpu.memref_squeeze %dma_start3A_810 : memref<3x1x8x1024xf32, #tpu.memory_space<hbm>> -> memref<3x8x1024xf32, #tpu.memory_space<hbm>>
    %dma_start3A_812 = arith.constant 0 : i32
    %dma_start3A_813 = arith.constant 0 : i32
    %dma_start3A_814 = arith.constant 0 : i32
    %dma_start3A_815 = tpu.memref_slice %arg4[%dma_start3A_802, %dma_start3A_812, %dma_start3A_813, %dma_start3A_814] : memref<5x3x8x1024xf32, #tpu.memory_space<vmem>> -> memref<1x3x8x1024xf32, #tpu.memory_space<vmem>>
    %dma_start3A_816 = tpu.memref_squeeze %dma_start3A_815 : memref<1x3x8x1024xf32, #tpu.memory_space<vmem>> -> memref<3x8x1024xf32, #tpu.memory_space<vmem>>
    %dma_start3A_817 = arith.constant 0 : i32
    %dma_start3A_818 = arith.constant 0 : i32
    %dma_start3A_819 = tpu.memref_slice %arg2[%dma_start3A_817, %dma_start3A_801, %dma_start3A_818, %mul3A_2] : memref<3x18x8x32768xf32, #tpu.memory_space<hbm>> -> memref<3x1x8x1024xf32, #tpu.memory_space<hbm>>
    %dma_start3A_820 = tpu.memref_squeeze %dma_start3A_819 : memref<3x1x8x1024xf32, #tpu.memory_space<hbm>> -> memref<3x8x1024xf32, #tpu.memory_space<hbm>>
    tpu.enqueue_dma source(%dma_start3A_820 : memref<3x8x1024xf32, #tpu.memory_space<hbm>>) target(%dma_start3A_816 : memref<3x8x1024xf32, #tpu.memory_space<vmem>>) target_semaphore(%arg7 : memref<!tpu.dma_semaphore, #tpu.memory_space<semaphore_mem>>)
    %dma_wait3A_821 = arith.constant 4 : i32
    %dma_wait3A_822 = arith.constant 0 : i32
    %dma_wait3A_823 = arith.constant 0 : i32
    %dma_wait3A_824 = arith.constant 0 : i32
    %dma_wait3A_825 = arith.constant 0 : i32
    %dma_wait3A_826 = tpu.memref_slice %arg4[%dma_wait3A_822, %dma_wait3A_823, %dma_wait3A_824, %dma_wait3A_825] : memref<5x3x8x1024xf32, #tpu.memory_space<vmem>> -> memref<1x3x8x1024xf32, #tpu.memory_space<vmem>>
    %dma_wait3A_827 = tpu.memref_squeeze %dma_wait3A_826 : memref<1x3x8x1024xf32, #tpu.memory_space<vmem>> -> memref<3x8x1024xf32, #tpu.memory_space<vmem>>
    %dma_wait3A_828 = arith.constant 0 : i32
    %dma_wait3A_829 = arith.constant 0 : i32
    %dma_wait3A_830 = tpu.memref_slice %arg2[%dma_wait3A_828, %dma_wait3A_821, %dma_wait3A_829, %mul3A_2] : memref<3x18x8x32768xf32, #tpu.memory_space<hbm>> -> memref<3x1x8x1024xf32, #tpu.memory_space<hbm>>
    %dma_wait3A_831 = tpu.memref_squeeze %dma_wait3A_830 : memref<3x1x8x1024xf32, #tpu.memory_space<hbm>> -> memref<3x8x1024xf32, #tpu.memory_space<hbm>>
    %dma_wait3A_832 = arith.constant 0 : i32
    %dma_wait3A_833 = arith.constant 0 : i32
    %dma_wait3A_834 = arith.constant 0 : i32
    %dma_wait3A_835 = tpu.memref_slice %arg4[%dma_wait3A_822, %dma_wait3A_832, %dma_wait3A_833, %dma_wait3A_834] : memref<5x3x8x1024xf32, #tpu.memory_space<vmem>> -> memref<1x3x8x1024xf32, #tpu.memory_space<vmem>>
    %dma_wait3A_836 = tpu.memref_squeeze %dma_wait3A_835 : memref<1x3x8x1024xf32, #tpu.memory_space<vmem>> -> memref<3x8x1024xf32, #tpu.memory_space<vmem>>
    %dma_wait3A_837 = arith.constant 0 : i32
    %dma_wait3A_838 = arith.constant 0 : i32
    %dma_wait3A_839 = tpu.memref_slice %arg2[%dma_wait3A_837, %dma_wait3A_821, %dma_wait3A_838, %mul3A_2] : memref<3x18x8x32768xf32, #tpu.memory_space<hbm>> -> memref<3x1x8x1024xf32, #tpu.memory_space<hbm>>
    %dma_wait3A_840 = tpu.memref_squeeze %dma_wait3A_839 : memref<3x1x8x1024xf32, #tpu.memory_space<hbm>> -> memref<3x8x1024xf32, #tpu.memory_space<hbm>>
    tpu.wait_dma2 semaphore(%arg5 : memref<!tpu.dma_semaphore, #tpu.memory_space<semaphore_mem>>) src(%dma_wait3A_840 : memref<3x8x1024xf32, #tpu.memory_space<hbm>>) dst(%dma_wait3A_836 : memref<3x8x1024xf32, #tpu.memory_space<vmem>>)
    %dma_start3A_841 = arith.constant 0 : i32
    %dma_start3A_842 = arith.constant 10 : i32
    %dma_start3A_843 = arith.constant 0 : i32
    %dma_start3A_844 = arith.constant 0 : i32
    %dma_start3A_845 = arith.constant 0 : i32
    %dma_start3A_846 = tpu.memref_slice %arg4[%dma_start3A_841, %dma_start3A_843, %dma_start3A_844, %dma_start3A_845] : memref<5x3x8x1024xf32, #tpu.memory_space<vmem>> -> memref<1x3x8x1024xf32, #tpu.memory_space<vmem>>
    %dma_start3A_847 = tpu.memref_squeeze %dma_start3A_846 : memref<1x3x8x1024xf32, #tpu.memory_space<vmem>> -> memref<3x8x1024xf32, #tpu.memory_space<vmem>>
    %dma_start3A_848 = arith.constant 0 : i32
    %dma_start3A_849 = arith.constant 0 : i32
    %dma_start3A_850 = tpu.memref_slice %arg3[%dma_start3A_842, %dma_start3A_848, %dma_start3A_849, %mul3A_2] : memref<17x3x8x32768xf32, #tpu.memory_space<hbm>> -> memref<1x3x8x1024xf32, #tpu.memory_space<hbm>>
    %dma_start3A_851 = tpu.memref_squeeze %dma_start3A_850 : memref<1x3x8x1024xf32, #tpu.memory_space<hbm>> -> memref<3x8x1024xf32, #tpu.memory_space<hbm>>
    %dma_start3A_852 = arith.constant 0 : i32
    %dma_start3A_853 = arith.constant 0 : i32
    %dma_start3A_854 = tpu.memref_slice %arg3[%dma_start3A_842, %dma_start3A_852, %dma_start3A_853, %mul3A_2] : memref<17x3x8x32768xf32, #tpu.memory_space<hbm>> -> memref<1x3x8x1024xf32, #tpu.memory_space<hbm>>
    %dma_start3A_855 = tpu.memref_squeeze %dma_start3A_854 : memref<1x3x8x1024xf32, #tpu.memory_space<hbm>> -> memref<3x8x1024xf32, #tpu.memory_space<hbm>>
    %dma_start3A_856 = arith.constant 0 : i32
    %dma_start3A_857 = arith.constant 0 : i32
    %dma_start3A_858 = arith.constant 0 : i32
    %dma_start3A_859 = tpu.memref_slice %arg4[%dma_start3A_841, %dma_start3A_856, %dma_start3A_857, %dma_start3A_858] : memref<5x3x8x1024xf32, #tpu.memory_space<vmem>> -> memref<1x3x8x1024xf32, #tpu.memory_space<vmem>>
    %dma_start3A_860 = tpu.memref_squeeze %dma_start3A_859 : memref<1x3x8x1024xf32, #tpu.memory_space<vmem>> -> memref<3x8x1024xf32, #tpu.memory_space<vmem>>
    tpu.enqueue_dma source(%dma_start3A_860 : memref<3x8x1024xf32, #tpu.memory_space<vmem>>) target(%dma_start3A_855 : memref<3x8x1024xf32, #tpu.memory_space<hbm>>) target_semaphore(%arg10 : memref<!tpu.dma_semaphore, #tpu.memory_space<semaphore_mem>>)
    %dma_wait3A_861 = arith.constant 3 : i32
    %dma_wait3A_862 = arith.constant 8 : i32
    %dma_wait3A_863 = arith.constant 0 : i32
    %dma_wait3A_864 = arith.constant 0 : i32
    %dma_wait3A_865 = arith.constant 0 : i32
    %dma_wait3A_866 = tpu.memref_slice %arg4[%dma_wait3A_861, %dma_wait3A_863, %dma_wait3A_864, %dma_wait3A_865] : memref<5x3x8x1024xf32, #tpu.memory_space<vmem>> -> memref<1x3x8x1024xf32, #tpu.memory_space<vmem>>
    %dma_wait3A_867 = tpu.memref_squeeze %dma_wait3A_866 : memref<1x3x8x1024xf32, #tpu.memory_space<vmem>> -> memref<3x8x1024xf32, #tpu.memory_space<vmem>>
    %dma_wait3A_868 = arith.constant 0 : i32
    %dma_wait3A_869 = arith.constant 0 : i32
    %dma_wait3A_870 = tpu.memref_slice %arg3[%dma_wait3A_862, %dma_wait3A_868, %dma_wait3A_869, %mul3A_2] : memref<17x3x8x32768xf32, #tpu.memory_space<hbm>> -> memref<1x3x8x1024xf32, #tpu.memory_space<hbm>>
    %dma_wait3A_871 = tpu.memref_squeeze %dma_wait3A_870 : memref<1x3x8x1024xf32, #tpu.memory_space<hbm>> -> memref<3x8x1024xf32, #tpu.memory_space<hbm>>
    %dma_wait3A_872 = arith.constant 0 : i32
    %dma_wait3A_873 = arith.constant 0 : i32
    %dma_wait3A_874 = tpu.memref_slice %arg3[%dma_wait3A_862, %dma_wait3A_872, %dma_wait3A_873, %mul3A_2] : memref<17x3x8x32768xf32, #tpu.memory_space<hbm>> -> memref<1x3x8x1024xf32, #tpu.memory_space<hbm>>
    %dma_wait3A_875 = tpu.memref_squeeze %dma_wait3A_874 : memref<1x3x8x1024xf32, #tpu.memory_space<hbm>> -> memref<3x8x1024xf32, #tpu.memory_space<hbm>>
    %dma_wait3A_876 = arith.constant 0 : i32
    %dma_wait3A_877 = arith.constant 0 : i32
    %dma_wait3A_878 = arith.constant 0 : i32
    %dma_wait3A_879 = tpu.memref_slice %arg4[%dma_wait3A_861, %dma_wait3A_876, %dma_wait3A_877, %dma_wait3A_878] : memref<5x3x8x1024xf32, #tpu.memory_space<vmem>> -> memref<1x3x8x1024xf32, #tpu.memory_space<vmem>>
    %dma_wait3A_880 = tpu.memref_squeeze %dma_wait3A_879 : memref<1x3x8x1024xf32, #tpu.memory_space<vmem>> -> memref<3x8x1024xf32, #tpu.memory_space<vmem>>
    tpu.wait_dma2 semaphore(%arg13 : memref<!tpu.dma_semaphore, #tpu.memory_space<semaphore_mem>>) src(%dma_wait3A_880 : memref<3x8x1024xf32, #tpu.memory_space<vmem>>) dst(%dma_wait3A_875 : memref<3x8x1024xf32, #tpu.memory_space<hbm>>)
    %dma_start3A_881 = arith.constant 12 : i32
    %dma_start3A_882 = arith.constant 3 : i32
    %dma_start3A_883 = arith.constant 0 : i32
    %dma_start3A_884 = arith.constant 0 : i32
    %dma_start3A_885 = arith.constant 0 : i32
    %dma_start3A_886 = tpu.memref_slice %arg4[%dma_start3A_882, %dma_start3A_883, %dma_start3A_884, %dma_start3A_885] : memref<5x3x8x1024xf32, #tpu.memory_space<vmem>> -> memref<1x3x8x1024xf32, #tpu.memory_space<vmem>>
    %dma_start3A_887 = tpu.memref_squeeze %dma_start3A_886 : memref<1x3x8x1024xf32, #tpu.memory_space<vmem>> -> memref<3x8x1024xf32, #tpu.memory_space<vmem>>
    %dma_start3A_888 = arith.constant 0 : i32
    %dma_start3A_889 = arith.constant 0 : i32
    %dma_start3A_890 = tpu.memref_slice %arg2[%dma_start3A_888, %dma_start3A_881, %dma_start3A_889, %mul3A_2] : memref<3x18x8x32768xf32, #tpu.memory_space<hbm>> -> memref<3x1x8x1024xf32, #tpu.memory_space<hbm>>
    %dma_start3A_891 = tpu.memref_squeeze %dma_start3A_890 : memref<3x1x8x1024xf32, #tpu.memory_space<hbm>> -> memref<3x8x1024xf32, #tpu.memory_space<hbm>>
    %dma_start3A_892 = arith.constant 0 : i32
    %dma_start3A_893 = arith.constant 0 : i32
    %dma_start3A_894 = arith.constant 0 : i32
    %dma_start3A_895 = tpu.memref_slice %arg4[%dma_start3A_882, %dma_start3A_892, %dma_start3A_893, %dma_start3A_894] : memref<5x3x8x1024xf32, #tpu.memory_space<vmem>> -> memref<1x3x8x1024xf32, #tpu.memory_space<vmem>>
    %dma_start3A_896 = tpu.memref_squeeze %dma_start3A_895 : memref<1x3x8x1024xf32, #tpu.memory_space<vmem>> -> memref<3x8x1024xf32, #tpu.memory_space<vmem>>
    %dma_start3A_897 = arith.constant 0 : i32
    %dma_start3A_898 = arith.constant 0 : i32
    %dma_start3A_899 = tpu.memref_slice %arg2[%dma_start3A_897, %dma_start3A_881, %dma_start3A_898, %mul3A_2] : memref<3x18x8x32768xf32, #tpu.memory_space<hbm>> -> memref<3x1x8x1024xf32, #tpu.memory_space<hbm>>
    %dma_start3A_900 = tpu.memref_squeeze %dma_start3A_899 : memref<3x1x8x1024xf32, #tpu.memory_space<hbm>> -> memref<3x8x1024xf32, #tpu.memory_space<hbm>>
    tpu.enqueue_dma source(%dma_start3A_900 : memref<3x8x1024xf32, #tpu.memory_space<hbm>>) target(%dma_start3A_896 : memref<3x8x1024xf32, #tpu.memory_space<vmem>>) target_semaphore(%arg8 : memref<!tpu.dma_semaphore, #tpu.memory_space<semaphore_mem>>)
    %dma_wait3A_901 = arith.constant 11 : i32
    %dma_wait3A_902 = arith.constant 1 : i32
    %dma_wait3A_903 = arith.constant 0 : i32
    %dma_wait3A_904 = arith.constant 0 : i32
    %dma_wait3A_905 = arith.constant 0 : i32
    %dma_wait3A_906 = tpu.memref_slice %arg4[%dma_wait3A_902, %dma_wait3A_903, %dma_wait3A_904, %dma_wait3A_905] : memref<5x3x8x1024xf32, #tpu.memory_space<vmem>> -> memref<1x3x8x1024xf32, #tpu.memory_space<vmem>>
    %dma_wait3A_907 = tpu.memref_squeeze %dma_wait3A_906 : memref<1x3x8x1024xf32, #tpu.memory_space<vmem>> -> memref<3x8x1024xf32, #tpu.memory_space<vmem>>
    %dma_wait3A_908 = arith.constant 0 : i32
    %dma_wait3A_909 = arith.constant 0 : i32
    %dma_wait3A_910 = tpu.memref_slice %arg2[%dma_wait3A_908, %dma_wait3A_901, %dma_wait3A_909, %mul3A_2] : memref<3x18x8x32768xf32, #tpu.memory_space<hbm>> -> memref<3x1x8x1024xf32, #tpu.memory_space<hbm>>
    %dma_wait3A_911 = tpu.memref_squeeze %dma_wait3A_910 : memref<3x1x8x1024xf32, #tpu.memory_space<hbm>> -> memref<3x8x1024xf32, #tpu.memory_space<hbm>>
    %dma_wait3A_912 = arith.constant 0 : i32
    %dma_wait3A_913 = arith.constant 0 : i32
    %dma_wait3A_914 = arith.constant 0 : i32
    %dma_wait3A_915 = tpu.memref_slice %arg4[%dma_wait3A_902, %dma_wait3A_912, %dma_wait3A_913, %dma_wait3A_914] : memref<5x3x8x1024xf32, #tpu.memory_space<vmem>> -> memref<1x3x8x1024xf32, #tpu.memory_space<vmem>>
    %dma_wait3A_916 = tpu.memref_squeeze %dma_wait3A_915 : memref<1x3x8x1024xf32, #tpu.memory_space<vmem>> -> memref<3x8x1024xf32, #tpu.memory_space<vmem>>
    %dma_wait3A_917 = arith.constant 0 : i32
    %dma_wait3A_918 = arith.constant 0 : i32
    %dma_wait3A_919 = tpu.memref_slice %arg2[%dma_wait3A_917, %dma_wait3A_901, %dma_wait3A_918, %mul3A_2] : memref<3x18x8x32768xf32, #tpu.memory_space<hbm>> -> memref<3x1x8x1024xf32, #tpu.memory_space<hbm>>
    %dma_wait3A_920 = tpu.memref_squeeze %dma_wait3A_919 : memref<3x1x8x1024xf32, #tpu.memory_space<hbm>> -> memref<3x8x1024xf32, #tpu.memory_space<hbm>>
    tpu.wait_dma2 semaphore(%arg6 : memref<!tpu.dma_semaphore, #tpu.memory_space<semaphore_mem>>) src(%dma_wait3A_920 : memref<3x8x1024xf32, #tpu.memory_space<hbm>>) dst(%dma_wait3A_916 : memref<3x8x1024xf32, #tpu.memory_space<vmem>>)
    %dma_start3A_921 = arith.constant 1 : i32
    %dma_start3A_922 = arith.constant 11 : i32
    %dma_start3A_923 = arith.constant 0 : i32
    %dma_start3A_924 = arith.constant 0 : i32
    %dma_start3A_925 = arith.constant 0 : i32
    %dma_start3A_926 = tpu.memref_slice %arg4[%dma_start3A_921, %dma_start3A_923, %dma_start3A_924, %dma_start3A_925] : memref<5x3x8x1024xf32, #tpu.memory_space<vmem>> -> memref<1x3x8x1024xf32, #tpu.memory_space<vmem>>
    %dma_start3A_927 = tpu.memref_squeeze %dma_start3A_926 : memref<1x3x8x1024xf32, #tpu.memory_space<vmem>> -> memref<3x8x1024xf32, #tpu.memory_space<vmem>>
    %dma_start3A_928 = arith.constant 0 : i32
    %dma_start3A_929 = arith.constant 0 : i32
    %dma_start3A_930 = tpu.memref_slice %arg3[%dma_start3A_922, %dma_start3A_928, %dma_start3A_929, %mul3A_2] : memref<17x3x8x32768xf32, #tpu.memory_space<hbm>> -> memref<1x3x8x1024xf32, #tpu.memory_space<hbm>>
    %dma_start3A_931 = tpu.memref_squeeze %dma_start3A_930 : memref<1x3x8x1024xf32, #tpu.memory_space<hbm>> -> memref<3x8x1024xf32, #tpu.memory_space<hbm>>
    %dma_start3A_932 = arith.constant 0 : i32
    %dma_start3A_933 = arith.constant 0 : i32
    %dma_start3A_934 = tpu.memref_slice %arg3[%dma_start3A_922, %dma_start3A_932, %dma_start3A_933, %mul3A_2] : memref<17x3x8x32768xf32, #tpu.memory_space<hbm>> -> memref<1x3x8x1024xf32, #tpu.memory_space<hbm>>
    %dma_start3A_935 = tpu.memref_squeeze %dma_start3A_934 : memref<1x3x8x1024xf32, #tpu.memory_space<hbm>> -> memref<3x8x1024xf32, #tpu.memory_space<hbm>>
    %dma_start3A_936 = arith.constant 0 : i32
    %dma_start3A_937 = arith.constant 0 : i32
    %dma_start3A_938 = arith.constant 0 : i32
    %dma_start3A_939 = tpu.memref_slice %arg4[%dma_start3A_921, %dma_start3A_936, %dma_start3A_937, %dma_start3A_938] : memref<5x3x8x1024xf32, #tpu.memory_space<vmem>> -> memref<1x3x8x1024xf32, #tpu.memory_space<vmem>>
    %dma_start3A_940 = tpu.memref_squeeze %dma_start3A_939 : memref<1x3x8x1024xf32, #tpu.memory_space<vmem>> -> memref<3x8x1024xf32, #tpu.memory_space<vmem>>
    tpu.enqueue_dma source(%dma_start3A_940 : memref<3x8x1024xf32, #tpu.memory_space<vmem>>) target(%dma_start3A_935 : memref<3x8x1024xf32, #tpu.memory_space<hbm>>) target_semaphore(%arg11 : memref<!tpu.dma_semaphore, #tpu.memory_space<semaphore_mem>>)
    %dma_wait3A_941 = arith.constant 4 : i32
    %dma_wait3A_942 = arith.constant 9 : i32
    %dma_wait3A_943 = arith.constant 0 : i32
    %dma_wait3A_944 = arith.constant 0 : i32
    %dma_wait3A_945 = arith.constant 0 : i32
    %dma_wait3A_946 = tpu.memref_slice %arg4[%dma_wait3A_941, %dma_wait3A_943, %dma_wait3A_944, %dma_wait3A_945] : memref<5x3x8x1024xf32, #tpu.memory_space<vmem>> -> memref<1x3x8x1024xf32, #tpu.memory_space<vmem>>
    %dma_wait3A_947 = tpu.memref_squeeze %dma_wait3A_946 : memref<1x3x8x1024xf32, #tpu.memory_space<vmem>> -> memref<3x8x1024xf32, #tpu.memory_space<vmem>>
    %dma_wait3A_948 = arith.constant 0 : i32
    %dma_wait3A_949 = arith.constant 0 : i32
    %dma_wait3A_950 = tpu.memref_slice %arg3[%dma_wait3A_942, %dma_wait3A_948, %dma_wait3A_949, %mul3A_2] : memref<17x3x8x32768xf32, #tpu.memory_space<hbm>> -> memref<1x3x8x1024xf32, #tpu.memory_space<hbm>>
    %dma_wait3A_951 = tpu.memref_squeeze %dma_wait3A_950 : memref<1x3x8x1024xf32, #tpu.memory_space<hbm>> -> memref<3x8x1024xf32, #tpu.memory_space<hbm>>
    %dma_wait3A_952 = arith.constant 0 : i32
    %dma_wait3A_953 = arith.constant 0 : i32
    %dma_wait3A_954 = tpu.memref_slice %arg3[%dma_wait3A_942, %dma_wait3A_952, %dma_wait3A_953, %mul3A_2] : memref<17x3x8x32768xf32, #tpu.memory_space<hbm>> -> memref<1x3x8x1024xf32, #tpu.memory_space<hbm>>
    %dma_wait3A_955 = tpu.memref_squeeze %dma_wait3A_954 : memref<1x3x8x1024xf32, #tpu.memory_space<hbm>> -> memref<3x8x1024xf32, #tpu.memory_space<hbm>>
    %dma_wait3A_956 = arith.constant 0 : i32
    %dma_wait3A_957 = arith.constant 0 : i32
    %dma_wait3A_958 = arith.constant 0 : i32
    %dma_wait3A_959 = tpu.memref_slice %arg4[%dma_wait3A_941, %dma_wait3A_956, %dma_wait3A_957, %dma_wait3A_958] : memref<5x3x8x1024xf32, #tpu.memory_space<vmem>> -> memref<1x3x8x1024xf32, #tpu.memory_space<vmem>>
    %dma_wait3A_960 = tpu.memref_squeeze %dma_wait3A_959 : memref<1x3x8x1024xf32, #tpu.memory_space<vmem>> -> memref<3x8x1024xf32, #tpu.memory_space<vmem>>
    tpu.wait_dma2 semaphore(%arg14 : memref<!tpu.dma_semaphore, #tpu.memory_space<semaphore_mem>>) src(%dma_wait3A_960 : memref<3x8x1024xf32, #tpu.memory_space<vmem>>) dst(%dma_wait3A_955 : memref<3x8x1024xf32, #tpu.memory_space<hbm>>)
    %dma_start3A_961 = arith.constant 9 : i32
    %dma_start3A_962 = arith.constant 4 : i32
    %dma_start3A_963 = arith.constant 0 : i32
    %dma_start3A_964 = arith.constant 0 : i32
    %dma_start3A_965 = arith.constant 0 : i32
    %dma_start3A_966 = tpu.memref_slice %arg4[%dma_start3A_962, %dma_start3A_963, %dma_start3A_964, %dma_start3A_965] : memref<5x3x8x1024xf32, #tpu.memory_space<vmem>> -> memref<1x3x8x1024xf32, #tpu.memory_space<vmem>>
    %dma_start3A_967 = tpu.memref_squeeze %dma_start3A_966 : memref<1x3x8x1024xf32, #tpu.memory_space<vmem>> -> memref<3x8x1024xf32, #tpu.memory_space<vmem>>
    %dma_start3A_968 = arith.constant 0 : i32
    %dma_start3A_969 = arith.constant 0 : i32
    %dma_start3A_970 = tpu.memref_slice %arg2[%dma_start3A_968, %dma_start3A_961, %dma_start3A_969, %mul3A_2] : memref<3x18x8x32768xf32, #tpu.memory_space<hbm>> -> memref<3x1x8x1024xf32, #tpu.memory_space<hbm>>
    %dma_start3A_971 = tpu.memref_squeeze %dma_start3A_970 : memref<3x1x8x1024xf32, #tpu.memory_space<hbm>> -> memref<3x8x1024xf32, #tpu.memory_space<hbm>>
    %dma_start3A_972 = arith.constant 0 : i32
    %dma_start3A_973 = arith.constant 0 : i32
    %dma_start3A_974 = arith.constant 0 : i32
    %dma_start3A_975 = tpu.memref_slice %arg4[%dma_start3A_962, %dma_start3A_972, %dma_start3A_973, %dma_start3A_974] : memref<5x3x8x1024xf32, #tpu.memory_space<vmem>> -> memref<1x3x8x1024xf32, #tpu.memory_space<vmem>>
    %dma_start3A_976 = tpu.memref_squeeze %dma_start3A_975 : memref<1x3x8x1024xf32, #tpu.memory_space<vmem>> -> memref<3x8x1024xf32, #tpu.memory_space<vmem>>
    %dma_start3A_977 = arith.constant 0 : i32
    %dma_start3A_978 = arith.constant 0 : i32
    %dma_start3A_979 = tpu.memref_slice %arg2[%dma_start3A_977, %dma_start3A_961, %dma_start3A_978, %mul3A_2] : memref<3x18x8x32768xf32, #tpu.memory_space<hbm>> -> memref<3x1x8x1024xf32, #tpu.memory_space<hbm>>
    %dma_start3A_980 = tpu.memref_squeeze %dma_start3A_979 : memref<3x1x8x1024xf32, #tpu.memory_space<hbm>> -> memref<3x8x1024xf32, #tpu.memory_space<hbm>>
    tpu.enqueue_dma source(%dma_start3A_980 : memref<3x8x1024xf32, #tpu.memory_space<hbm>>) target(%dma_start3A_976 : memref<3x8x1024xf32, #tpu.memory_space<vmem>>) target_semaphore(%arg9 : memref<!tpu.dma_semaphore, #tpu.memory_space<semaphore_mem>>)
    %dma_wait3A_981 = arith.constant 8 : i32
    %dma_wait3A_982 = arith.constant 2 : i32
    %dma_wait3A_983 = arith.constant 0 : i32
    %dma_wait3A_984 = arith.constant 0 : i32
    %dma_wait3A_985 = arith.constant 0 : i32
    %dma_wait3A_986 = tpu.memref_slice %arg4[%dma_wait3A_982, %dma_wait3A_983, %dma_wait3A_984, %dma_wait3A_985] : memref<5x3x8x1024xf32, #tpu.memory_space<vmem>> -> memref<1x3x8x1024xf32, #tpu.memory_space<vmem>>
    %dma_wait3A_987 = tpu.memref_squeeze %dma_wait3A_986 : memref<1x3x8x1024xf32, #tpu.memory_space<vmem>> -> memref<3x8x1024xf32, #tpu.memory_space<vmem>>
    %dma_wait3A_988 = arith.constant 0 : i32
    %dma_wait3A_989 = arith.constant 0 : i32
    %dma_wait3A_990 = tpu.memref_slice %arg2[%dma_wait3A_988, %dma_wait3A_981, %dma_wait3A_989, %mul3A_2] : memref<3x18x8x32768xf32, #tpu.memory_space<hbm>> -> memref<3x1x8x1024xf32, #tpu.memory_space<hbm>>
    %dma_wait3A_991 = tpu.memref_squeeze %dma_wait3A_990 : memref<3x1x8x1024xf32, #tpu.memory_space<hbm>> -> memref<3x8x1024xf32, #tpu.memory_space<hbm>>
    %dma_wait3A_992 = arith.constant 0 : i32
    %dma_wait3A_993 = arith.constant 0 : i32
    %dma_wait3A_994 = arith.constant 0 : i32
    %dma_wait3A_995 = tpu.memref_slice %arg4[%dma_wait3A_982, %dma_wait3A_992, %dma_wait3A_993, %dma_wait3A_994] : memref<5x3x8x1024xf32, #tpu.memory_space<vmem>> -> memref<1x3x8x1024xf32, #tpu.memory_space<vmem>>
    %dma_wait3A_996 = tpu.memref_squeeze %dma_wait3A_995 : memref<1x3x8x1024xf32, #tpu.memory_space<vmem>> -> memref<3x8x1024xf32, #tpu.memory_space<vmem>>
    %dma_wait3A_997 = arith.constant 0 : i32
    %dma_wait3A_998 = arith.constant 0 : i32
    %dma_wait3A_999 = tpu.memref_slice %arg2[%dma_wait3A_997, %dma_wait3A_981, %dma_wait3A_998, %mul3A_2] : memref<3x18x8x32768xf32, #tpu.memory_space<hbm>> -> memref<3x1x8x1024xf32, #tpu.memory_space<hbm>>
    %dma_wait3A_1000 = tpu.memref_squeeze %dma_wait3A_999 : memref<3x1x8x1024xf32, #tpu.memory_space<hbm>> -> memref<3x8x1024xf32, #tpu.memory_space<hbm>>
    tpu.wait_dma2 semaphore(%arg7 : memref<!tpu.dma_semaphore, #tpu.memory_space<semaphore_mem>>) src(%dma_wait3A_1000 : memref<3x8x1024xf32, #tpu.memory_space<hbm>>) dst(%dma_wait3A_996 : memref<3x8x1024xf32, #tpu.memory_space<vmem>>)
    %dma_start3A_1001 = arith.constant 2 : i32
    %dma_start3A_1002 = arith.constant 12 : i32
    %dma_start3A_1003 = arith.constant 0 : i32
    %dma_start3A_1004 = arith.constant 0 : i32
    %dma_start3A_1005 = arith.constant 0 : i32
    %dma_start3A_1006 = tpu.memref_slice %arg4[%dma_start3A_1001, %dma_start3A_1003, %dma_start3A_1004, %dma_start3A_1005] : memref<5x3x8x1024xf32, #tpu.memory_space<vmem>> -> memref<1x3x8x1024xf32, #tpu.memory_space<vmem>>
    %dma_start3A_1007 = tpu.memref_squeeze %dma_start3A_1006 : memref<1x3x8x1024xf32, #tpu.memory_space<vmem>> -> memref<3x8x1024xf32, #tpu.memory_space<vmem>>
    %dma_start3A_1008 = arith.constant 0 : i32
    %dma_start3A_1009 = arith.constant 0 : i32
    %dma_start3A_1010 = tpu.memref_slice %arg3[%dma_start3A_1002, %dma_start3A_1008, %dma_start3A_1009, %mul3A_2] : memref<17x3x8x32768xf32, #tpu.memory_space<hbm>> -> memref<1x3x8x1024xf32, #tpu.memory_space<hbm>>
    %dma_start3A_1011 = tpu.memref_squeeze %dma_start3A_1010 : memref<1x3x8x1024xf32, #tpu.memory_space<hbm>> -> memref<3x8x1024xf32, #tpu.memory_space<hbm>>
    %dma_start3A_1012 = arith.constant 0 : i32
    %dma_start3A_1013 = arith.constant 0 : i32
    %dma_start3A_1014 = tpu.memref_slice %arg3[%dma_start3A_1002, %dma_start3A_1012, %dma_start3A_1013, %mul3A_2] : memref<17x3x8x32768xf32, #tpu.memory_space<hbm>> -> memref<1x3x8x1024xf32, #tpu.memory_space<hbm>>
    %dma_start3A_1015 = tpu.memref_squeeze %dma_start3A_1014 : memref<1x3x8x1024xf32, #tpu.memory_space<hbm>> -> memref<3x8x1024xf32, #tpu.memory_space<hbm>>
    %dma_start3A_1016 = arith.constant 0 : i32
    %dma_start3A_1017 = arith.constant 0 : i32
    %dma_start3A_1018 = arith.constant 0 : i32
    %dma_start3A_1019 = tpu.memref_slice %arg4[%dma_start3A_1001, %dma_start3A_1016, %dma_start3A_1017, %dma_start3A_1018] : memref<5x3x8x1024xf32, #tpu.memory_space<vmem>> -> memref<1x3x8x1024xf32, #tpu.memory_space<vmem>>
    %dma_start3A_1020 = tpu.memref_squeeze %dma_start3A_1019 : memref<1x3x8x1024xf32, #tpu.memory_space<vmem>> -> memref<3x8x1024xf32, #tpu.memory_space<vmem>>
    tpu.enqueue_dma source(%dma_start3A_1020 : memref<3x8x1024xf32, #tpu.memory_space<vmem>>) target(%dma_start3A_1015 : memref<3x8x1024xf32, #tpu.memory_space<hbm>>) target_semaphore(%arg12 : memref<!tpu.dma_semaphore, #tpu.memory_space<semaphore_mem>>)
    %dma_wait3A_1021 = arith.constant 0 : i32
    %dma_wait3A_1022 = arith.constant 10 : i32
    %dma_wait3A_1023 = arith.constant 0 : i32
    %dma_wait3A_1024 = arith.constant 0 : i32
    %dma_wait3A_1025 = arith.constant 0 : i32
    %dma_wait3A_1026 = tpu.memref_slice %arg4[%dma_wait3A_1021, %dma_wait3A_1023, %dma_wait3A_1024, %dma_wait3A_1025] : memref<5x3x8x1024xf32, #tpu.memory_space<vmem>> -> memref<1x3x8x1024xf32, #tpu.memory_space<vmem>>
    %dma_wait3A_1027 = tpu.memref_squeeze %dma_wait3A_1026 : memref<1x3x8x1024xf32, #tpu.memory_space<vmem>> -> memref<3x8x1024xf32, #tpu.memory_space<vmem>>
    %dma_wait3A_1028 = arith.constant 0 : i32
    %dma_wait3A_1029 = arith.constant 0 : i32
    %dma_wait3A_1030 = tpu.memref_slice %arg3[%dma_wait3A_1022, %dma_wait3A_1028, %dma_wait3A_1029, %mul3A_2] : memref<17x3x8x32768xf32, #tpu.memory_space<hbm>> -> memref<1x3x8x1024xf32, #tpu.memory_space<hbm>>
    %dma_wait3A_1031 = tpu.memref_squeeze %dma_wait3A_1030 : memref<1x3x8x1024xf32, #tpu.memory_space<hbm>> -> memref<3x8x1024xf32, #tpu.memory_space<hbm>>
    %dma_wait3A_1032 = arith.constant 0 : i32
    %dma_wait3A_1033 = arith.constant 0 : i32
    %dma_wait3A_1034 = tpu.memref_slice %arg3[%dma_wait3A_1022, %dma_wait3A_1032, %dma_wait3A_1033, %mul3A_2] : memref<17x3x8x32768xf32, #tpu.memory_space<hbm>> -> memref<1x3x8x1024xf32, #tpu.memory_space<hbm>>
    %dma_wait3A_1035 = tpu.memref_squeeze %dma_wait3A_1034 : memref<1x3x8x1024xf32, #tpu.memory_space<hbm>> -> memref<3x8x1024xf32, #tpu.memory_space<hbm>>
    %dma_wait3A_1036 = arith.constant 0 : i32
    %dma_wait3A_1037 = arith.constant 0 : i32
    %dma_wait3A_1038 = arith.constant 0 : i32
    %dma_wait3A_1039 = tpu.memref_slice %arg4[%dma_wait3A_1021, %dma_wait3A_1036, %dma_wait3A_1037, %dma_wait3A_1038] : memref<5x3x8x1024xf32, #tpu.memory_space<vmem>> -> memref<1x3x8x1024xf32, #tpu.memory_space<vmem>>
    %dma_wait3A_1040 = tpu.memref_squeeze %dma_wait3A_1039 : memref<1x3x8x1024xf32, #tpu.memory_space<vmem>> -> memref<3x8x1024xf32, #tpu.memory_space<vmem>>
    tpu.wait_dma2 semaphore(%arg10 : memref<!tpu.dma_semaphore, #tpu.memory_space<semaphore_mem>>) src(%dma_wait3A_1040 : memref<3x8x1024xf32, #tpu.memory_space<vmem>>) dst(%dma_wait3A_1035 : memref<3x8x1024xf32, #tpu.memory_space<hbm>>)
    %dma_start3A_1041 = arith.constant 13 : i32
    %dma_start3A_1042 = arith.constant 0 : i32
    %dma_start3A_1043 = arith.constant 0 : i32
    %dma_start3A_1044 = arith.constant 0 : i32
    %dma_start3A_1045 = arith.constant 0 : i32
    %dma_start3A_1046 = tpu.memref_slice %arg4[%dma_start3A_1042, %dma_start3A_1043, %dma_start3A_1044, %dma_start3A_1045] : memref<5x3x8x1024xf32, #tpu.memory_space<vmem>> -> memref<1x3x8x1024xf32, #tpu.memory_space<vmem>>
    %dma_start3A_1047 = tpu.memref_squeeze %dma_start3A_1046 : memref<1x3x8x1024xf32, #tpu.memory_space<vmem>> -> memref<3x8x1024xf32, #tpu.memory_space<vmem>>
    %dma_start3A_1048 = arith.constant 0 : i32
    %dma_start3A_1049 = arith.constant 0 : i32
    %dma_start3A_1050 = tpu.memref_slice %arg2[%dma_start3A_1048, %dma_start3A_1041, %dma_start3A_1049, %mul3A_2] : memref<3x18x8x32768xf32, #tpu.memory_space<hbm>> -> memref<3x1x8x1024xf32, #tpu.memory_space<hbm>>
    %dma_start3A_1051 = tpu.memref_squeeze %dma_start3A_1050 : memref<3x1x8x1024xf32, #tpu.memory_space<hbm>> -> memref<3x8x1024xf32, #tpu.memory_space<hbm>>
    %dma_start3A_1052 = arith.constant 0 : i32
    %dma_start3A_1053 = arith.constant 0 : i32
    %dma_start3A_1054 = arith.constant 0 : i32
    %dma_start3A_1055 = tpu.memref_slice %arg4[%dma_start3A_1042, %dma_start3A_1052, %dma_start3A_1053, %dma_start3A_1054] : memref<5x3x8x1024xf32, #tpu.memory_space<vmem>> -> memref<1x3x8x1024xf32, #tpu.memory_space<vmem>>
    %dma_start3A_1056 = tpu.memref_squeeze %dma_start3A_1055 : memref<1x3x8x1024xf32, #tpu.memory_space<vmem>> -> memref<3x8x1024xf32, #tpu.memory_space<vmem>>
    %dma_start3A_1057 = arith.constant 0 : i32
    %dma_start3A_1058 = arith.constant 0 : i32
    %dma_start3A_1059 = tpu.memref_slice %arg2[%dma_start3A_1057, %dma_start3A_1041, %dma_start3A_1058, %mul3A_2] : memref<3x18x8x32768xf32, #tpu.memory_space<hbm>> -> memref<3x1x8x1024xf32, #tpu.memory_space<hbm>>
    %dma_start3A_1060 = tpu.memref_squeeze %dma_start3A_1059 : memref<3x1x8x1024xf32, #tpu.memory_space<hbm>> -> memref<3x8x1024xf32, #tpu.memory_space<hbm>>
    tpu.enqueue_dma source(%dma_start3A_1060 : memref<3x8x1024xf32, #tpu.memory_space<hbm>>) target(%dma_start3A_1056 : memref<3x8x1024xf32, #tpu.memory_space<vmem>>) target_semaphore(%arg5 : memref<!tpu.dma_semaphore, #tpu.memory_space<semaphore_mem>>)
    %dma_wait3A_1061 = arith.constant 12 : i32
    %dma_wait3A_1062 = arith.constant 3 : i32
    %dma_wait3A_1063 = arith.constant 0 : i32
    %dma_wait3A_1064 = arith.constant 0 : i32
    %dma_wait3A_1065 = arith.constant 0 : i32
    %dma_wait3A_1066 = tpu.memref_slice %arg4[%dma_wait3A_1062, %dma_wait3A_1063, %dma_wait3A_1064, %dma_wait3A_1065] : memref<5x3x8x1024xf32, #tpu.memory_space<vmem>> -> memref<1x3x8x1024xf32, #tpu.memory_space<vmem>>
    %dma_wait3A_1067 = tpu.memref_squeeze %dma_wait3A_1066 : memref<1x3x8x1024xf32, #tpu.memory_space<vmem>> -> memref<3x8x1024xf32, #tpu.memory_space<vmem>>
    %dma_wait3A_1068 = arith.constant 0 : i32
    %dma_wait3A_1069 = arith.constant 0 : i32
    %dma_wait3A_1070 = tpu.memref_slice %arg2[%dma_wait3A_1068, %dma_wait3A_1061, %dma_wait3A_1069, %mul3A_2] : memref<3x18x8x32768xf32, #tpu.memory_space<hbm>> -> memref<3x1x8x1024xf32, #tpu.memory_space<hbm>>
    %dma_wait3A_1071 = tpu.memref_squeeze %dma_wait3A_1070 : memref<3x1x8x1024xf32, #tpu.memory_space<hbm>> -> memref<3x8x1024xf32, #tpu.memory_space<hbm>>
    %dma_wait3A_1072 = arith.constant 0 : i32
    %dma_wait3A_1073 = arith.constant 0 : i32
    %dma_wait3A_1074 = arith.constant 0 : i32
    %dma_wait3A_1075 = tpu.memref_slice %arg4[%dma_wait3A_1062, %dma_wait3A_1072, %dma_wait3A_1073, %dma_wait3A_1074] : memref<5x3x8x1024xf32, #tpu.memory_space<vmem>> -> memref<1x3x8x1024xf32, #tpu.memory_space<vmem>>
    %dma_wait3A_1076 = tpu.memref_squeeze %dma_wait3A_1075 : memref<1x3x8x1024xf32, #tpu.memory_space<vmem>> -> memref<3x8x1024xf32, #tpu.memory_space<vmem>>
    %dma_wait3A_1077 = arith.constant 0 : i32
    %dma_wait3A_1078 = arith.constant 0 : i32
    %dma_wait3A_1079 = tpu.memref_slice %arg2[%dma_wait3A_1077, %dma_wait3A_1061, %dma_wait3A_1078, %mul3A_2] : memref<3x18x8x32768xf32, #tpu.memory_space<hbm>> -> memref<3x1x8x1024xf32, #tpu.memory_space<hbm>>
    %dma_wait3A_1080 = tpu.memref_squeeze %dma_wait3A_1079 : memref<3x1x8x1024xf32, #tpu.memory_space<hbm>> -> memref<3x8x1024xf32, #tpu.memory_space<hbm>>
    tpu.wait_dma2 semaphore(%arg8 : memref<!tpu.dma_semaphore, #tpu.memory_space<semaphore_mem>>) src(%dma_wait3A_1080 : memref<3x8x1024xf32, #tpu.memory_space<hbm>>) dst(%dma_wait3A_1076 : memref<3x8x1024xf32, #tpu.memory_space<vmem>>)
    %dma_start3A_1081 = arith.constant 3 : i32
    %dma_start3A_1082 = arith.constant 13 : i32
    %dma_start3A_1083 = arith.constant 0 : i32
    %dma_start3A_1084 = arith.constant 0 : i32
    %dma_start3A_1085 = arith.constant 0 : i32
    %dma_start3A_1086 = tpu.memref_slice %arg4[%dma_start3A_1081, %dma_start3A_1083, %dma_start3A_1084, %dma_start3A_1085] : memref<5x3x8x1024xf32, #tpu.memory_space<vmem>> -> memref<1x3x8x1024xf32, #tpu.memory_space<vmem>>
    %dma_start3A_1087 = tpu.memref_squeeze %dma_start3A_1086 : memref<1x3x8x1024xf32, #tpu.memory_space<vmem>> -> memref<3x8x1024xf32, #tpu.memory_space<vmem>>
    %dma_start3A_1088 = arith.constant 0 : i32
    %dma_start3A_1089 = arith.constant 0 : i32
    %dma_start3A_1090 = tpu.memref_slice %arg3[%dma_start3A_1082, %dma_start3A_1088, %dma_start3A_1089, %mul3A_2] : memref<17x3x8x32768xf32, #tpu.memory_space<hbm>> -> memref<1x3x8x1024xf32, #tpu.memory_space<hbm>>
    %dma_start3A_1091 = tpu.memref_squeeze %dma_start3A_1090 : memref<1x3x8x1024xf32, #tpu.memory_space<hbm>> -> memref<3x8x1024xf32, #tpu.memory_space<hbm>>
    %dma_start3A_1092 = arith.constant 0 : i32
    %dma_start3A_1093 = arith.constant 0 : i32
    %dma_start3A_1094 = tpu.memref_slice %arg3[%dma_start3A_1082, %dma_start3A_1092, %dma_start3A_1093, %mul3A_2] : memref<17x3x8x32768xf32, #tpu.memory_space<hbm>> -> memref<1x3x8x1024xf32, #tpu.memory_space<hbm>>
    %dma_start3A_1095 = tpu.memref_squeeze %dma_start3A_1094 : memref<1x3x8x1024xf32, #tpu.memory_space<hbm>> -> memref<3x8x1024xf32, #tpu.memory_space<hbm>>
    %dma_start3A_1096 = arith.constant 0 : i32
    %dma_start3A_1097 = arith.constant 0 : i32
    %dma_start3A_1098 = arith.constant 0 : i32
    %dma_start3A_1099 = tpu.memref_slice %arg4[%dma_start3A_1081, %dma_start3A_1096, %dma_start3A_1097, %dma_start3A_1098] : memref<5x3x8x1024xf32, #tpu.memory_space<vmem>> -> memref<1x3x8x1024xf32, #tpu.memory_space<vmem>>
    %dma_start3A_1100 = tpu.memref_squeeze %dma_start3A_1099 : memref<1x3x8x1024xf32, #tpu.memory_space<vmem>> -> memref<3x8x1024xf32, #tpu.memory_space<vmem>>
    tpu.enqueue_dma source(%dma_start3A_1100 : memref<3x8x1024xf32, #tpu.memory_space<vmem>>) target(%dma_start3A_1095 : memref<3x8x1024xf32, #tpu.memory_space<hbm>>) target_semaphore(%arg13 : memref<!tpu.dma_semaphore, #tpu.memory_space<semaphore_mem>>)
    %dma_wait3A_1101 = arith.constant 1 : i32
    %dma_wait3A_1102 = arith.constant 11 : i32
    %dma_wait3A_1103 = arith.constant 0 : i32
    %dma_wait3A_1104 = arith.constant 0 : i32
    %dma_wait3A_1105 = arith.constant 0 : i32
    %dma_wait3A_1106 = tpu.memref_slice %arg4[%dma_wait3A_1101, %dma_wait3A_1103, %dma_wait3A_1104, %dma_wait3A_1105] : memref<5x3x8x1024xf32, #tpu.memory_space<vmem>> -> memref<1x3x8x1024xf32, #tpu.memory_space<vmem>>
    %dma_wait3A_1107 = tpu.memref_squeeze %dma_wait3A_1106 : memref<1x3x8x1024xf32, #tpu.memory_space<vmem>> -> memref<3x8x1024xf32, #tpu.memory_space<vmem>>
    %dma_wait3A_1108 = arith.constant 0 : i32
    %dma_wait3A_1109 = arith.constant 0 : i32
    %dma_wait3A_1110 = tpu.memref_slice %arg3[%dma_wait3A_1102, %dma_wait3A_1108, %dma_wait3A_1109, %mul3A_2] : memref<17x3x8x32768xf32, #tpu.memory_space<hbm>> -> memref<1x3x8x1024xf32, #tpu.memory_space<hbm>>
    %dma_wait3A_1111 = tpu.memref_squeeze %dma_wait3A_1110 : memref<1x3x8x1024xf32, #tpu.memory_space<hbm>> -> memref<3x8x1024xf32, #tpu.memory_space<hbm>>
    %dma_wait3A_1112 = arith.constant 0 : i32
    %dma_wait3A_1113 = arith.constant 0 : i32
    %dma_wait3A_1114 = tpu.memref_slice %arg3[%dma_wait3A_1102, %dma_wait3A_1112, %dma_wait3A_1113, %mul3A_2] : memref<17x3x8x32768xf32, #tpu.memory_space<hbm>> -> memref<1x3x8x1024xf32, #tpu.memory_space<hbm>>
    %dma_wait3A_1115 = tpu.memref_squeeze %dma_wait3A_1114 : memref<1x3x8x1024xf32, #tpu.memory_space<hbm>> -> memref<3x8x1024xf32, #tpu.memory_space<hbm>>
    %dma_wait3A_1116 = arith.constant 0 : i32
    %dma_wait3A_1117 = arith.constant 0 : i32
    %dma_wait3A_1118 = arith.constant 0 : i32
    %dma_wait3A_1119 = tpu.memref_slice %arg4[%dma_wait3A_1101, %dma_wait3A_1116, %dma_wait3A_1117, %dma_wait3A_1118] : memref<5x3x8x1024xf32, #tpu.memory_space<vmem>> -> memref<1x3x8x1024xf32, #tpu.memory_space<vmem>>
    %dma_wait3A_1120 = tpu.memref_squeeze %dma_wait3A_1119 : memref<1x3x8x1024xf32, #tpu.memory_space<vmem>> -> memref<3x8x1024xf32, #tpu.memory_space<vmem>>
    tpu.wait_dma2 semaphore(%arg11 : memref<!tpu.dma_semaphore, #tpu.memory_space<semaphore_mem>>) src(%dma_wait3A_1120 : memref<3x8x1024xf32, #tpu.memory_space<vmem>>) dst(%dma_wait3A_1115 : memref<3x8x1024xf32, #tpu.memory_space<hbm>>)
    %dma_start3A_1121 = arith.constant 10 : i32
    %dma_start3A_1122 = arith.constant 1 : i32
    %dma_start3A_1123 = arith.constant 0 : i32
    %dma_start3A_1124 = arith.constant 0 : i32
    %dma_start3A_1125 = arith.constant 0 : i32
    %dma_start3A_1126 = tpu.memref_slice %arg4[%dma_start3A_1122, %dma_start3A_1123, %dma_start3A_1124, %dma_start3A_1125] : memref<5x3x8x1024xf32, #tpu.memory_space<vmem>> -> memref<1x3x8x1024xf32, #tpu.memory_space<vmem>>
    %dma_start3A_1127 = tpu.memref_squeeze %dma_start3A_1126 : memref<1x3x8x1024xf32, #tpu.memory_space<vmem>> -> memref<3x8x1024xf32, #tpu.memory_space<vmem>>
    %dma_start3A_1128 = arith.constant 0 : i32
    %dma_start3A_1129 = arith.constant 0 : i32
    %dma_start3A_1130 = tpu.memref_slice %arg2[%dma_start3A_1128, %dma_start3A_1121, %dma_start3A_1129, %mul3A_2] : memref<3x18x8x32768xf32, #tpu.memory_space<hbm>> -> memref<3x1x8x1024xf32, #tpu.memory_space<hbm>>
    %dma_start3A_1131 = tpu.memref_squeeze %dma_start3A_1130 : memref<3x1x8x1024xf32, #tpu.memory_space<hbm>> -> memref<3x8x1024xf32, #tpu.memory_space<hbm>>
    %dma_start3A_1132 = arith.constant 0 : i32
    %dma_start3A_1133 = arith.constant 0 : i32
    %dma_start3A_1134 = arith.constant 0 : i32
    %dma_start3A_1135 = tpu.memref_slice %arg4[%dma_start3A_1122, %dma_start3A_1132, %dma_start3A_1133, %dma_start3A_1134] : memref<5x3x8x1024xf32, #tpu.memory_space<vmem>> -> memref<1x3x8x1024xf32, #tpu.memory_space<vmem>>
    %dma_start3A_1136 = tpu.memref_squeeze %dma_start3A_1135 : memref<1x3x8x1024xf32, #tpu.memory_space<vmem>> -> memref<3x8x1024xf32, #tpu.memory_space<vmem>>
    %dma_start3A_1137 = arith.constant 0 : i32
    %dma_start3A_1138 = arith.constant 0 : i32
    %dma_start3A_1139 = tpu.memref_slice %arg2[%dma_start3A_1137, %dma_start3A_1121, %dma_start3A_1138, %mul3A_2] : memref<3x18x8x32768xf32, #tpu.memory_space<hbm>> -> memref<3x1x8x1024xf32, #tpu.memory_space<hbm>>
    %dma_start3A_1140 = tpu.memref_squeeze %dma_start3A_1139 : memref<3x1x8x1024xf32, #tpu.memory_space<hbm>> -> memref<3x8x1024xf32, #tpu.memory_space<hbm>>
    tpu.enqueue_dma source(%dma_start3A_1140 : memref<3x8x1024xf32, #tpu.memory_space<hbm>>) target(%dma_start3A_1136 : memref<3x8x1024xf32, #tpu.memory_space<vmem>>) target_semaphore(%arg6 : memref<!tpu.dma_semaphore, #tpu.memory_space<semaphore_mem>>)
    %dma_wait3A_1141 = arith.constant 9 : i32
    %dma_wait3A_1142 = arith.constant 4 : i32
    %dma_wait3A_1143 = arith.constant 0 : i32
    %dma_wait3A_1144 = arith.constant 0 : i32
    %dma_wait3A_1145 = arith.constant 0 : i32
    %dma_wait3A_1146 = tpu.memref_slice %arg4[%dma_wait3A_1142, %dma_wait3A_1143, %dma_wait3A_1144, %dma_wait3A_1145] : memref<5x3x8x1024xf32, #tpu.memory_space<vmem>> -> memref<1x3x8x1024xf32, #tpu.memory_space<vmem>>
    %dma_wait3A_1147 = tpu.memref_squeeze %dma_wait3A_1146 : memref<1x3x8x1024xf32, #tpu.memory_space<vmem>> -> memref<3x8x1024xf32, #tpu.memory_space<vmem>>
    %dma_wait3A_1148 = arith.constant 0 : i32
    %dma_wait3A_1149 = arith.constant 0 : i32
    %dma_wait3A_1150 = tpu.memref_slice %arg2[%dma_wait3A_1148, %dma_wait3A_1141, %dma_wait3A_1149, %mul3A_2] : memref<3x18x8x32768xf32, #tpu.memory_space<hbm>> -> memref<3x1x8x1024xf32, #tpu.memory_space<hbm>>
    %dma_wait3A_1151 = tpu.memref_squeeze %dma_wait3A_1150 : memref<3x1x8x1024xf32, #tpu.memory_space<hbm>> -> memref<3x8x1024xf32, #tpu.memory_space<hbm>>
    %dma_wait3A_1152 = arith.constant 0 : i32
    %dma_wait3A_1153 = arith.constant 0 : i32
    %dma_wait3A_1154 = arith.constant 0 : i32
    %dma_wait3A_1155 = tpu.memref_slice %arg4[%dma_wait3A_1142, %dma_wait3A_1152, %dma_wait3A_1153, %dma_wait3A_1154] : memref<5x3x8x1024xf32, #tpu.memory_space<vmem>> -> memref<1x3x8x1024xf32, #tpu.memory_space<vmem>>
    %dma_wait3A_1156 = tpu.memref_squeeze %dma_wait3A_1155 : memref<1x3x8x1024xf32, #tpu.memory_space<vmem>> -> memref<3x8x1024xf32, #tpu.memory_space<vmem>>
    %dma_wait3A_1157 = arith.constant 0 : i32
    %dma_wait3A_1158 = arith.constant 0 : i32
    %dma_wait3A_1159 = tpu.memref_slice %arg2[%dma_wait3A_1157, %dma_wait3A_1141, %dma_wait3A_1158, %mul3A_2] : memref<3x18x8x32768xf32, #tpu.memory_space<hbm>> -> memref<3x1x8x1024xf32, #tpu.memory_space<hbm>>
    %dma_wait3A_1160 = tpu.memref_squeeze %dma_wait3A_1159 : memref<3x1x8x1024xf32, #tpu.memory_space<hbm>> -> memref<3x8x1024xf32, #tpu.memory_space<hbm>>
    tpu.wait_dma2 semaphore(%arg9 : memref<!tpu.dma_semaphore, #tpu.memory_space<semaphore_mem>>) src(%dma_wait3A_1160 : memref<3x8x1024xf32, #tpu.memory_space<hbm>>) dst(%dma_wait3A_1156 : memref<3x8x1024xf32, #tpu.memory_space<vmem>>)
    %dma_start3A_1161 = arith.constant 4 : i32
    %dma_start3A_1162 = arith.constant 14 : i32
    %dma_start3A_1163 = arith.constant 0 : i32
    %dma_start3A_1164 = arith.constant 0 : i32
    %dma_start3A_1165 = arith.constant 0 : i32
    %dma_start3A_1166 = tpu.memref_slice %arg4[%dma_start3A_1161, %dma_start3A_1163, %dma_start3A_1164, %dma_start3A_1165] : memref<5x3x8x1024xf32, #tpu.memory_space<vmem>> -> memref<1x3x8x1024xf32, #tpu.memory_space<vmem>>
    %dma_start3A_1167 = tpu.memref_squeeze %dma_start3A_1166 : memref<1x3x8x1024xf32, #tpu.memory_space<vmem>> -> memref<3x8x1024xf32, #tpu.memory_space<vmem>>
    %dma_start3A_1168 = arith.constant 0 : i32
    %dma_start3A_1169 = arith.constant 0 : i32
    %dma_start3A_1170 = tpu.memref_slice %arg3[%dma_start3A_1162, %dma_start3A_1168, %dma_start3A_1169, %mul3A_2] : memref<17x3x8x32768xf32, #tpu.memory_space<hbm>> -> memref<1x3x8x1024xf32, #tpu.memory_space<hbm>>
    %dma_start3A_1171 = tpu.memref_squeeze %dma_start3A_1170 : memref<1x3x8x1024xf32, #tpu.memory_space<hbm>> -> memref<3x8x1024xf32, #tpu.memory_space<hbm>>
    %dma_start3A_1172 = arith.constant 0 : i32
    %dma_start3A_1173 = arith.constant 0 : i32
    %dma_start3A_1174 = tpu.memref_slice %arg3[%dma_start3A_1162, %dma_start3A_1172, %dma_start3A_1173, %mul3A_2] : memref<17x3x8x32768xf32, #tpu.memory_space<hbm>> -> memref<1x3x8x1024xf32, #tpu.memory_space<hbm>>
    %dma_start3A_1175 = tpu.memref_squeeze %dma_start3A_1174 : memref<1x3x8x1024xf32, #tpu.memory_space<hbm>> -> memref<3x8x1024xf32, #tpu.memory_space<hbm>>
    %dma_start3A_1176 = arith.constant 0 : i32
    %dma_start3A_1177 = arith.constant 0 : i32
    %dma_start3A_1178 = arith.constant 0 : i32
    %dma_start3A_1179 = tpu.memref_slice %arg4[%dma_start3A_1161, %dma_start3A_1176, %dma_start3A_1177, %dma_start3A_1178] : memref<5x3x8x1024xf32, #tpu.memory_space<vmem>> -> memref<1x3x8x1024xf32, #tpu.memory_space<vmem>>
    %dma_start3A_1180 = tpu.memref_squeeze %dma_start3A_1179 : memref<1x3x8x1024xf32, #tpu.memory_space<vmem>> -> memref<3x8x1024xf32, #tpu.memory_space<vmem>>
    tpu.enqueue_dma source(%dma_start3A_1180 : memref<3x8x1024xf32, #tpu.memory_space<vmem>>) target(%dma_start3A_1175 : memref<3x8x1024xf32, #tpu.memory_space<hbm>>) target_semaphore(%arg14 : memref<!tpu.dma_semaphore, #tpu.memory_space<semaphore_mem>>)
    %dma_wait3A_1181 = arith.constant 13 : i32
    %dma_wait3A_1182 = arith.constant 0 : i32
    %dma_wait3A_1183 = arith.constant 0 : i32
    %dma_wait3A_1184 = arith.constant 0 : i32
    %dma_wait3A_1185 = arith.constant 0 : i32
    %dma_wait3A_1186 = tpu.memref_slice %arg4[%dma_wait3A_1182, %dma_wait3A_1183, %dma_wait3A_1184, %dma_wait3A_1185] : memref<5x3x8x1024xf32, #tpu.memory_space<vmem>> -> memref<1x3x8x1024xf32, #tpu.memory_space<vmem>>
    %dma_wait3A_1187 = tpu.memref_squeeze %dma_wait3A_1186 : memref<1x3x8x1024xf32, #tpu.memory_space<vmem>> -> memref<3x8x1024xf32, #tpu.memory_space<vmem>>
    %dma_wait3A_1188 = arith.constant 0 : i32
    %dma_wait3A_1189 = arith.constant 0 : i32
    %dma_wait3A_1190 = tpu.memref_slice %arg2[%dma_wait3A_1188, %dma_wait3A_1181, %dma_wait3A_1189, %mul3A_2] : memref<3x18x8x32768xf32, #tpu.memory_space<hbm>> -> memref<3x1x8x1024xf32, #tpu.memory_space<hbm>>
    %dma_wait3A_1191 = tpu.memref_squeeze %dma_wait3A_1190 : memref<3x1x8x1024xf32, #tpu.memory_space<hbm>> -> memref<3x8x1024xf32, #tpu.memory_space<hbm>>
    %dma_wait3A_1192 = arith.constant 0 : i32
    %dma_wait3A_1193 = arith.constant 0 : i32
    %dma_wait3A_1194 = arith.constant 0 : i32
    %dma_wait3A_1195 = tpu.memref_slice %arg4[%dma_wait3A_1182, %dma_wait3A_1192, %dma_wait3A_1193, %dma_wait3A_1194] : memref<5x3x8x1024xf32, #tpu.memory_space<vmem>> -> memref<1x3x8x1024xf32, #tpu.memory_space<vmem>>
    %dma_wait3A_1196 = tpu.memref_squeeze %dma_wait3A_1195 : memref<1x3x8x1024xf32, #tpu.memory_space<vmem>> -> memref<3x8x1024xf32, #tpu.memory_space<vmem>>
    %dma_wait3A_1197 = arith.constant 0 : i32
    %dma_wait3A_1198 = arith.constant 0 : i32
    %dma_wait3A_1199 = tpu.memref_slice %arg2[%dma_wait3A_1197, %dma_wait3A_1181, %dma_wait3A_1198, %mul3A_2] : memref<3x18x8x32768xf32, #tpu.memory_space<hbm>> -> memref<3x1x8x1024xf32, #tpu.memory_space<hbm>>
    %dma_wait3A_1200 = tpu.memref_squeeze %dma_wait3A_1199 : memref<3x1x8x1024xf32, #tpu.memory_space<hbm>> -> memref<3x8x1024xf32, #tpu.memory_space<hbm>>
    tpu.wait_dma2 semaphore(%arg5 : memref<!tpu.dma_semaphore, #tpu.memory_space<semaphore_mem>>) src(%dma_wait3A_1200 : memref<3x8x1024xf32, #tpu.memory_space<hbm>>) dst(%dma_wait3A_1196 : memref<3x8x1024xf32, #tpu.memory_space<vmem>>)
    %dma_start3A_1201 = arith.constant 0 : i32
    %dma_start3A_1202 = arith.constant 15 : i32
    %dma_start3A_1203 = arith.constant 0 : i32
    %dma_start3A_1204 = arith.constant 0 : i32
    %dma_start3A_1205 = arith.constant 0 : i32
    %dma_start3A_1206 = tpu.memref_slice %arg4[%dma_start3A_1201, %dma_start3A_1203, %dma_start3A_1204, %dma_start3A_1205] : memref<5x3x8x1024xf32, #tpu.memory_space<vmem>> -> memref<1x3x8x1024xf32, #tpu.memory_space<vmem>>
    %dma_start3A_1207 = tpu.memref_squeeze %dma_start3A_1206 : memref<1x3x8x1024xf32, #tpu.memory_space<vmem>> -> memref<3x8x1024xf32, #tpu.memory_space<vmem>>
    %dma_start3A_1208 = arith.constant 0 : i32
    %dma_start3A_1209 = arith.constant 0 : i32
    %dma_start3A_1210 = tpu.memref_slice %arg3[%dma_start3A_1202, %dma_start3A_1208, %dma_start3A_1209, %mul3A_2] : memref<17x3x8x32768xf32, #tpu.memory_space<hbm>> -> memref<1x3x8x1024xf32, #tpu.memory_space<hbm>>
    %dma_start3A_1211 = tpu.memref_squeeze %dma_start3A_1210 : memref<1x3x8x1024xf32, #tpu.memory_space<hbm>> -> memref<3x8x1024xf32, #tpu.memory_space<hbm>>
    %dma_start3A_1212 = arith.constant 0 : i32
    %dma_start3A_1213 = arith.constant 0 : i32
    %dma_start3A_1214 = tpu.memref_slice %arg3[%dma_start3A_1202, %dma_start3A_1212, %dma_start3A_1213, %mul3A_2] : memref<17x3x8x32768xf32, #tpu.memory_space<hbm>> -> memref<1x3x8x1024xf32, #tpu.memory_space<hbm>>
    %dma_start3A_1215 = tpu.memref_squeeze %dma_start3A_1214 : memref<1x3x8x1024xf32, #tpu.memory_space<hbm>> -> memref<3x8x1024xf32, #tpu.memory_space<hbm>>
    %dma_start3A_1216 = arith.constant 0 : i32
    %dma_start3A_1217 = arith.constant 0 : i32
    %dma_start3A_1218 = arith.constant 0 : i32
    %dma_start3A_1219 = tpu.memref_slice %arg4[%dma_start3A_1201, %dma_start3A_1216, %dma_start3A_1217, %dma_start3A_1218] : memref<5x3x8x1024xf32, #tpu.memory_space<vmem>> -> memref<1x3x8x1024xf32, #tpu.memory_space<vmem>>
    %dma_start3A_1220 = tpu.memref_squeeze %dma_start3A_1219 : memref<1x3x8x1024xf32, #tpu.memory_space<vmem>> -> memref<3x8x1024xf32, #tpu.memory_space<vmem>>
    tpu.enqueue_dma source(%dma_start3A_1220 : memref<3x8x1024xf32, #tpu.memory_space<vmem>>) target(%dma_start3A_1215 : memref<3x8x1024xf32, #tpu.memory_space<hbm>>) target_semaphore(%arg10 : memref<!tpu.dma_semaphore, #tpu.memory_space<semaphore_mem>>)
    %dma_wait3A_1221 = arith.constant 10 : i32
    %dma_wait3A_1222 = arith.constant 1 : i32
    %dma_wait3A_1223 = arith.constant 0 : i32
    %dma_wait3A_1224 = arith.constant 0 : i32
    %dma_wait3A_1225 = arith.constant 0 : i32
    %dma_wait3A_1226 = tpu.memref_slice %arg4[%dma_wait3A_1222, %dma_wait3A_1223, %dma_wait3A_1224, %dma_wait3A_1225] : memref<5x3x8x1024xf32, #tpu.memory_space<vmem>> -> memref<1x3x8x1024xf32, #tpu.memory_space<vmem>>
    %dma_wait3A_1227 = tpu.memref_squeeze %dma_wait3A_1226 : memref<1x3x8x1024xf32, #tpu.memory_space<vmem>> -> memref<3x8x1024xf32, #tpu.memory_space<vmem>>
    %dma_wait3A_1228 = arith.constant 0 : i32
    %dma_wait3A_1229 = arith.constant 0 : i32
    %dma_wait3A_1230 = tpu.memref_slice %arg2[%dma_wait3A_1228, %dma_wait3A_1221, %dma_wait3A_1229, %mul3A_2] : memref<3x18x8x32768xf32, #tpu.memory_space<hbm>> -> memref<3x1x8x1024xf32, #tpu.memory_space<hbm>>
    %dma_wait3A_1231 = tpu.memref_squeeze %dma_wait3A_1230 : memref<3x1x8x1024xf32, #tpu.memory_space<hbm>> -> memref<3x8x1024xf32, #tpu.memory_space<hbm>>
    %dma_wait3A_1232 = arith.constant 0 : i32
    %dma_wait3A_1233 = arith.constant 0 : i32
    %dma_wait3A_1234 = arith.constant 0 : i32
    %dma_wait3A_1235 = tpu.memref_slice %arg4[%dma_wait3A_1222, %dma_wait3A_1232, %dma_wait3A_1233, %dma_wait3A_1234] : memref<5x3x8x1024xf32, #tpu.memory_space<vmem>> -> memref<1x3x8x1024xf32, #tpu.memory_space<vmem>>
    %dma_wait3A_1236 = tpu.memref_squeeze %dma_wait3A_1235 : memref<1x3x8x1024xf32, #tpu.memory_space<vmem>> -> memref<3x8x1024xf32, #tpu.memory_space<vmem>>
    %dma_wait3A_1237 = arith.constant 0 : i32
    %dma_wait3A_1238 = arith.constant 0 : i32
    %dma_wait3A_1239 = tpu.memref_slice %arg2[%dma_wait3A_1237, %dma_wait3A_1221, %dma_wait3A_1238, %mul3A_2] : memref<3x18x8x32768xf32, #tpu.memory_space<hbm>> -> memref<3x1x8x1024xf32, #tpu.memory_space<hbm>>
    %dma_wait3A_1240 = tpu.memref_squeeze %dma_wait3A_1239 : memref<3x1x8x1024xf32, #tpu.memory_space<hbm>> -> memref<3x8x1024xf32, #tpu.memory_space<hbm>>
    tpu.wait_dma2 semaphore(%arg6 : memref<!tpu.dma_semaphore, #tpu.memory_space<semaphore_mem>>) src(%dma_wait3A_1240 : memref<3x8x1024xf32, #tpu.memory_space<hbm>>) dst(%dma_wait3A_1236 : memref<3x8x1024xf32, #tpu.memory_space<vmem>>)
    %dma_start3A_1241 = arith.constant 1 : i32
    %dma_start3A_1242 = arith.constant 16 : i32
    %dma_start3A_1243 = arith.constant 0 : i32
    %dma_start3A_1244 = arith.constant 0 : i32
    %dma_start3A_1245 = arith.constant 0 : i32
    %dma_start3A_1246 = tpu.memref_slice %arg4[%dma_start3A_1241, %dma_start3A_1243, %dma_start3A_1244, %dma_start3A_1245] : memref<5x3x8x1024xf32, #tpu.memory_space<vmem>> -> memref<1x3x8x1024xf32, #tpu.memory_space<vmem>>
    %dma_start3A_1247 = tpu.memref_squeeze %dma_start3A_1246 : memref<1x3x8x1024xf32, #tpu.memory_space<vmem>> -> memref<3x8x1024xf32, #tpu.memory_space<vmem>>
    %dma_start3A_1248 = arith.constant 0 : i32
    %dma_start3A_1249 = arith.constant 0 : i32
    %dma_start3A_1250 = tpu.memref_slice %arg3[%dma_start3A_1242, %dma_start3A_1248, %dma_start3A_1249, %mul3A_2] : memref<17x3x8x32768xf32, #tpu.memory_space<hbm>> -> memref<1x3x8x1024xf32, #tpu.memory_space<hbm>>
    %dma_start3A_1251 = tpu.memref_squeeze %dma_start3A_1250 : memref<1x3x8x1024xf32, #tpu.memory_space<hbm>> -> memref<3x8x1024xf32, #tpu.memory_space<hbm>>
    %dma_start3A_1252 = arith.constant 0 : i32
    %dma_start3A_1253 = arith.constant 0 : i32
    %dma_start3A_1254 = tpu.memref_slice %arg3[%dma_start3A_1242, %dma_start3A_1252, %dma_start3A_1253, %mul3A_2] : memref<17x3x8x32768xf32, #tpu.memory_space<hbm>> -> memref<1x3x8x1024xf32, #tpu.memory_space<hbm>>
    %dma_start3A_1255 = tpu.memref_squeeze %dma_start3A_1254 : memref<1x3x8x1024xf32, #tpu.memory_space<hbm>> -> memref<3x8x1024xf32, #tpu.memory_space<hbm>>
    %dma_start3A_1256 = arith.constant 0 : i32
    %dma_start3A_1257 = arith.constant 0 : i32
    %dma_start3A_1258 = arith.constant 0 : i32
    %dma_start3A_1259 = tpu.memref_slice %arg4[%dma_start3A_1241, %dma_start3A_1256, %dma_start3A_1257, %dma_start3A_1258] : memref<5x3x8x1024xf32, #tpu.memory_space<vmem>> -> memref<1x3x8x1024xf32, #tpu.memory_space<vmem>>
    %dma_start3A_1260 = tpu.memref_squeeze %dma_start3A_1259 : memref<1x3x8x1024xf32, #tpu.memory_space<vmem>> -> memref<3x8x1024xf32, #tpu.memory_space<vmem>>
    tpu.enqueue_dma source(%dma_start3A_1260 : memref<3x8x1024xf32, #tpu.memory_space<vmem>>) target(%dma_start3A_1255 : memref<3x8x1024xf32, #tpu.memory_space<hbm>>) target_semaphore(%arg11 : memref<!tpu.dma_semaphore, #tpu.memory_space<semaphore_mem>>)
    %dma_wait3A_1261 = arith.constant 2 : i32
    %dma_wait3A_1262 = arith.constant 12 : i32
    %dma_wait3A_1263 = arith.constant 0 : i32
    %dma_wait3A_1264 = arith.constant 0 : i32
    %dma_wait3A_1265 = arith.constant 0 : i32
    %dma_wait3A_1266 = tpu.memref_slice %arg4[%dma_wait3A_1261, %dma_wait3A_1263, %dma_wait3A_1264, %dma_wait3A_1265] : memref<5x3x8x1024xf32, #tpu.memory_space<vmem>> -> memref<1x3x8x1024xf32, #tpu.memory_space<vmem>>
    %dma_wait3A_1267 = tpu.memref_squeeze %dma_wait3A_1266 : memref<1x3x8x1024xf32, #tpu.memory_space<vmem>> -> memref<3x8x1024xf32, #tpu.memory_space<vmem>>
    %dma_wait3A_1268 = arith.constant 0 : i32
    %dma_wait3A_1269 = arith.constant 0 : i32
    %dma_wait3A_1270 = tpu.memref_slice %arg3[%dma_wait3A_1262, %dma_wait3A_1268, %dma_wait3A_1269, %mul3A_2] : memref<17x3x8x32768xf32, #tpu.memory_space<hbm>> -> memref<1x3x8x1024xf32, #tpu.memory_space<hbm>>
    %dma_wait3A_1271 = tpu.memref_squeeze %dma_wait3A_1270 : memref<1x3x8x1024xf32, #tpu.memory_space<hbm>> -> memref<3x8x1024xf32, #tpu.memory_space<hbm>>
    %dma_wait3A_1272 = arith.constant 0 : i32
    %dma_wait3A_1273 = arith.constant 0 : i32
    %dma_wait3A_1274 = tpu.memref_slice %arg3[%dma_wait3A_1262, %dma_wait3A_1272, %dma_wait3A_1273, %mul3A_2] : memref<17x3x8x32768xf32, #tpu.memory_space<hbm>> -> memref<1x3x8x1024xf32, #tpu.memory_space<hbm>>
    %dma_wait3A_1275 = tpu.memref_squeeze %dma_wait3A_1274 : memref<1x3x8x1024xf32, #tpu.memory_space<hbm>> -> memref<3x8x1024xf32, #tpu.memory_space<hbm>>
    %dma_wait3A_1276 = arith.constant 0 : i32
    %dma_wait3A_1277 = arith.constant 0 : i32
    %dma_wait3A_1278 = arith.constant 0 : i32
    %dma_wait3A_1279 = tpu.memref_slice %arg4[%dma_wait3A_1261, %dma_wait3A_1276, %dma_wait3A_1277, %dma_wait3A_1278] : memref<5x3x8x1024xf32, #tpu.memory_space<vmem>> -> memref<1x3x8x1024xf32, #tpu.memory_space<vmem>>
    %dma_wait3A_1280 = tpu.memref_squeeze %dma_wait3A_1279 : memref<1x3x8x1024xf32, #tpu.memory_space<vmem>> -> memref<3x8x1024xf32, #tpu.memory_space<vmem>>
    tpu.wait_dma2 semaphore(%arg12 : memref<!tpu.dma_semaphore, #tpu.memory_space<semaphore_mem>>) src(%dma_wait3A_1280 : memref<3x8x1024xf32, #tpu.memory_space<vmem>>) dst(%dma_wait3A_1275 : memref<3x8x1024xf32, #tpu.memory_space<hbm>>)
    %dma_wait3A_1281 = arith.constant 3 : i32
    %dma_wait3A_1282 = arith.constant 13 : i32
    %dma_wait3A_1283 = arith.constant 0 : i32
    %dma_wait3A_1284 = arith.constant 0 : i32
    %dma_wait3A_1285 = arith.constant 0 : i32
    %dma_wait3A_1286 = tpu.memref_slice %arg4[%dma_wait3A_1281, %dma_wait3A_1283, %dma_wait3A_1284, %dma_wait3A_1285] : memref<5x3x8x1024xf32, #tpu.memory_space<vmem>> -> memref<1x3x8x1024xf32, #tpu.memory_space<vmem>>
    %dma_wait3A_1287 = tpu.memref_squeeze %dma_wait3A_1286 : memref<1x3x8x1024xf32, #tpu.memory_space<vmem>> -> memref<3x8x1024xf32, #tpu.memory_space<vmem>>
    %dma_wait3A_1288 = arith.constant 0 : i32
    %dma_wait3A_1289 = arith.constant 0 : i32
    %dma_wait3A_1290 = tpu.memref_slice %arg3[%dma_wait3A_1282, %dma_wait3A_1288, %dma_wait3A_1289, %mul3A_2] : memref<17x3x8x32768xf32, #tpu.memory_space<hbm>> -> memref<1x3x8x1024xf32, #tpu.memory_space<hbm>>
    %dma_wait3A_1291 = tpu.memref_squeeze %dma_wait3A_1290 : memref<1x3x8x1024xf32, #tpu.memory_space<hbm>> -> memref<3x8x1024xf32, #tpu.memory_space<hbm>>
    %dma_wait3A_1292 = arith.constant 0 : i32
    %dma_wait3A_1293 = arith.constant 0 : i32
    %dma_wait3A_1294 = tpu.memref_slice %arg3[%dma_wait3A_1282, %dma_wait3A_1292, %dma_wait3A_1293, %mul3A_2] : memref<17x3x8x32768xf32, #tpu.memory_space<hbm>> -> memref<1x3x8x1024xf32, #tpu.memory_space<hbm>>
    %dma_wait3A_1295 = tpu.memref_squeeze %dma_wait3A_1294 : memref<1x3x8x1024xf32, #tpu.memory_space<hbm>> -> memref<3x8x1024xf32, #tpu.memory_space<hbm>>
    %dma_wait3A_1296 = arith.constant 0 : i32
    %dma_wait3A_1297 = arith.constant 0 : i32
    %dma_wait3A_1298 = arith.constant 0 : i32
    %dma_wait3A_1299 = tpu.memref_slice %arg4[%dma_wait3A_1281, %dma_wait3A_1296, %dma_wait3A_1297, %dma_wait3A_1298] : memref<5x3x8x1024xf32, #tpu.memory_space<vmem>> -> memref<1x3x8x1024xf32, #tpu.memory_space<vmem>>
    %dma_wait3A_1300 = tpu.memref_squeeze %dma_wait3A_1299 : memref<1x3x8x1024xf32, #tpu.memory_space<vmem>> -> memref<3x8x1024xf32, #tpu.memory_space<vmem>>
    tpu.wait_dma2 semaphore(%arg13 : memref<!tpu.dma_semaphore, #tpu.memory_space<semaphore_mem>>) src(%dma_wait3A_1300 : memref<3x8x1024xf32, #tpu.memory_space<vmem>>) dst(%dma_wait3A_1295 : memref<3x8x1024xf32, #tpu.memory_space<hbm>>)
    %dma_wait3A_1301 = arith.constant 4 : i32
    %dma_wait3A_1302 = arith.constant 14 : i32
    %dma_wait3A_1303 = arith.constant 0 : i32
    %dma_wait3A_1304 = arith.constant 0 : i32
    %dma_wait3A_1305 = arith.constant 0 : i32
    %dma_wait3A_1306 = tpu.memref_slice %arg4[%dma_wait3A_1301, %dma_wait3A_1303, %dma_wait3A_1304, %dma_wait3A_1305] : memref<5x3x8x1024xf32, #tpu.memory_space<vmem>> -> memref<1x3x8x1024xf32, #tpu.memory_space<vmem>>
    %dma_wait3A_1307 = tpu.memref_squeeze %dma_wait3A_1306 : memref<1x3x8x1024xf32, #tpu.memory_space<vmem>> -> memref<3x8x1024xf32, #tpu.memory_space<vmem>>
    %dma_wait3A_1308 = arith.constant 0 : i32
    %dma_wait3A_1309 = arith.constant 0 : i32
    %dma_wait3A_1310 = tpu.memref_slice %arg3[%dma_wait3A_1302, %dma_wait3A_1308, %dma_wait3A_1309, %mul3A_2] : memref<17x3x8x32768xf32, #tpu.memory_space<hbm>> -> memref<1x3x8x1024xf32, #tpu.memory_space<hbm>>
    %dma_wait3A_1311 = tpu.memref_squeeze %dma_wait3A_1310 : memref<1x3x8x1024xf32, #tpu.memory_space<hbm>> -> memref<3x8x1024xf32, #tpu.memory_space<hbm>>
    %dma_wait3A_1312 = arith.constant 0 : i32
    %dma_wait3A_1313 = arith.constant 0 : i32
    %dma_wait3A_1314 = tpu.memref_slice %arg3[%dma_wait3A_1302, %dma_wait3A_1312, %dma_wait3A_1313, %mul3A_2] : memref<17x3x8x32768xf32, #tpu.memory_space<hbm>> -> memref<1x3x8x1024xf32, #tpu.memory_space<hbm>>
    %dma_wait3A_1315 = tpu.memref_squeeze %dma_wait3A_1314 : memref<1x3x8x1024xf32, #tpu.memory_space<hbm>> -> memref<3x8x1024xf32, #tpu.memory_space<hbm>>
    %dma_wait3A_1316 = arith.constant 0 : i32
    %dma_wait3A_1317 = arith.constant 0 : i32
    %dma_wait3A_1318 = arith.constant 0 : i32
    %dma_wait3A_1319 = tpu.memref_slice %arg4[%dma_wait3A_1301, %dma_wait3A_1316, %dma_wait3A_1317, %dma_wait3A_1318] : memref<5x3x8x1024xf32, #tpu.memory_space<vmem>> -> memref<1x3x8x1024xf32, #tpu.memory_space<vmem>>
    %dma_wait3A_1320 = tpu.memref_squeeze %dma_wait3A_1319 : memref<1x3x8x1024xf32, #tpu.memory_space<vmem>> -> memref<3x8x1024xf32, #tpu.memory_space<vmem>>
    tpu.wait_dma2 semaphore(%arg14 : memref<!tpu.dma_semaphore, #tpu.memory_space<semaphore_mem>>) src(%dma_wait3A_1320 : memref<3x8x1024xf32, #tpu.memory_space<vmem>>) dst(%dma_wait3A_1315 : memref<3x8x1024xf32, #tpu.memory_space<hbm>>)
    %dma_wait3A_1321 = arith.constant 0 : i32
    %dma_wait3A_1322 = arith.constant 15 : i32
    %dma_wait3A_1323 = arith.constant 0 : i32
    %dma_wait3A_1324 = arith.constant 0 : i32
    %dma_wait3A_1325 = arith.constant 0 : i32
    %dma_wait3A_1326 = tpu.memref_slice %arg4[%dma_wait3A_1321, %dma_wait3A_1323, %dma_wait3A_1324, %dma_wait3A_1325] : memref<5x3x8x1024xf32, #tpu.memory_space<vmem>> -> memref<1x3x8x1024xf32, #tpu.memory_space<vmem>>
    %dma_wait3A_1327 = tpu.memref_squeeze %dma_wait3A_1326 : memref<1x3x8x1024xf32, #tpu.memory_space<vmem>> -> memref<3x8x1024xf32, #tpu.memory_space<vmem>>
    %dma_wait3A_1328 = arith.constant 0 : i32
    %dma_wait3A_1329 = arith.constant 0 : i32
    %dma_wait3A_1330 = tpu.memref_slice %arg3[%dma_wait3A_1322, %dma_wait3A_1328, %dma_wait3A_1329, %mul3A_2] : memref<17x3x8x32768xf32, #tpu.memory_space<hbm>> -> memref<1x3x8x1024xf32, #tpu.memory_space<hbm>>
    %dma_wait3A_1331 = tpu.memref_squeeze %dma_wait3A_1330 : memref<1x3x8x1024xf32, #tpu.memory_space<hbm>> -> memref<3x8x1024xf32, #tpu.memory_space<hbm>>
    %dma_wait3A_1332 = arith.constant 0 : i32
    %dma_wait3A_1333 = arith.constant 0 : i32
    %dma_wait3A_1334 = tpu.memref_slice %arg3[%dma_wait3A_1322, %dma_wait3A_1332, %dma_wait3A_1333, %mul3A_2] : memref<17x3x8x32768xf32, #tpu.memory_space<hbm>> -> memref<1x3x8x1024xf32, #tpu.memory_space<hbm>>
    %dma_wait3A_1335 = tpu.memref_squeeze %dma_wait3A_1334 : memref<1x3x8x1024xf32, #tpu.memory_space<hbm>> -> memref<3x8x1024xf32, #tpu.memory_space<hbm>>
    %dma_wait3A_1336 = arith.constant 0 : i32
    %dma_wait3A_1337 = arith.constant 0 : i32
    %dma_wait3A_1338 = arith.constant 0 : i32
    %dma_wait3A_1339 = tpu.memref_slice %arg4[%dma_wait3A_1321, %dma_wait3A_1336, %dma_wait3A_1337, %dma_wait3A_1338] : memref<5x3x8x1024xf32, #tpu.memory_space<vmem>> -> memref<1x3x8x1024xf32, #tpu.memory_space<vmem>>
    %dma_wait3A_1340 = tpu.memref_squeeze %dma_wait3A_1339 : memref<1x3x8x1024xf32, #tpu.memory_space<vmem>> -> memref<3x8x1024xf32, #tpu.memory_space<vmem>>
    tpu.wait_dma2 semaphore(%arg10 : memref<!tpu.dma_semaphore, #tpu.memory_space<semaphore_mem>>) src(%dma_wait3A_1340 : memref<3x8x1024xf32, #tpu.memory_space<vmem>>) dst(%dma_wait3A_1335 : memref<3x8x1024xf32, #tpu.memory_space<hbm>>)
    %dma_wait3A_1341 = arith.constant 1 : i32
    %dma_wait3A_1342 = arith.constant 16 : i32
    %dma_wait3A_1343 = arith.constant 0 : i32
    %dma_wait3A_1344 = arith.constant 0 : i32
    %dma_wait3A_1345 = arith.constant 0 : i32
    %dma_wait3A_1346 = tpu.memref_slice %arg4[%dma_wait3A_1341, %dma_wait3A_1343, %dma_wait3A_1344, %dma_wait3A_1345] : memref<5x3x8x1024xf32, #tpu.memory_space<vmem>> -> memref<1x3x8x1024xf32, #tpu.memory_space<vmem>>
    %dma_wait3A_1347 = tpu.memref_squeeze %dma_wait3A_1346 : memref<1x3x8x1024xf32, #tpu.memory_space<vmem>> -> memref<3x8x1024xf32, #tpu.memory_space<vmem>>
    %dma_wait3A_1348 = arith.constant 0 : i32
    %dma_wait3A_1349 = arith.constant 0 : i32
    %dma_wait3A_1350 = tpu.memref_slice %arg3[%dma_wait3A_1342, %dma_wait3A_1348, %dma_wait3A_1349, %mul3A_2] : memref<17x3x8x32768xf32, #tpu.memory_space<hbm>> -> memref<1x3x8x1024xf32, #tpu.memory_space<hbm>>
    %dma_wait3A_1351 = tpu.memref_squeeze %dma_wait3A_1350 : memref<1x3x8x1024xf32, #tpu.memory_space<hbm>> -> memref<3x8x1024xf32, #tpu.memory_space<hbm>>
    %dma_wait3A_1352 = arith.constant 0 : i32
    %dma_wait3A_1353 = arith.constant 0 : i32
    %dma_wait3A_1354 = tpu.memref_slice %arg3[%dma_wait3A_1342, %dma_wait3A_1352, %dma_wait3A_1353, %mul3A_2] : memref<17x3x8x32768xf32, #tpu.memory_space<hbm>> -> memref<1x3x8x1024xf32, #tpu.memory_space<hbm>>
    %dma_wait3A_1355 = tpu.memref_squeeze %dma_wait3A_1354 : memref<1x3x8x1024xf32, #tpu.memory_space<hbm>> -> memref<3x8x1024xf32, #tpu.memory_space<hbm>>
    %dma_wait3A_1356 = arith.constant 0 : i32
    %dma_wait3A_1357 = arith.constant 0 : i32
    %dma_wait3A_1358 = arith.constant 0 : i32
    %dma_wait3A_1359 = tpu.memref_slice %arg4[%dma_wait3A_1341, %dma_wait3A_1356, %dma_wait3A_1357, %dma_wait3A_1358] : memref<5x3x8x1024xf32, #tpu.memory_space<vmem>> -> memref<1x3x8x1024xf32, #tpu.memory_space<vmem>>
    %dma_wait3A_1360 = tpu.memref_squeeze %dma_wait3A_1359 : memref<1x3x8x1024xf32, #tpu.memory_space<vmem>> -> memref<3x8x1024xf32, #tpu.memory_space<vmem>>
    tpu.wait_dma2 semaphore(%arg11 : memref<!tpu.dma_semaphore, #tpu.memory_space<semaphore_mem>>) src(%dma_wait3A_1360 : memref<3x8x1024xf32, #tpu.memory_space<vmem>>) dst(%dma_wait3A_1355 : memref<3x8x1024xf32, #tpu.memory_space<hbm>>)
    return
  }
}

</mosaic_0001>

<sc_bundles>
// kernel: kernel.3.cloned.1.call-start
scs
__scs_entry_jumppad:
0x0: {  	(pc) =	sbr.rel $0x88, $3  }
0x1: {  	(tag) =	ssettag $0x0;
	lr =	simm.s32 $0x1  }
0x2: {  	[smem:$0x3FA0] =	sst lr;
	_ =	strace $0xD0000000  }
0x3: {  	_ = 	snop  }
0x4: {  	_ = 	snop  }
0x5: {  	_ = 	snop  }
0x6: {  	_ = 	snop  }
0x7: {  	_ = 	snop  }
__scs_overlays_trampoline_lowered:
0x8: {  	[smem:$0x3FAF] =	sst s0  }
0x9: {  	[smem:$0x3FB0] =	sst s1  }
0xa: {  	[smem:$0x3FB1] =	sst s2  }
0xb: {  	[smem:$0x3FB2] =	sst s3  }
0xc: {  	[smem:$0x3FB3] =	sst s4  }
0xd: {  	[smem:$0x3FB4] =	sst s5  }
0xe: {  	[smem:$0x3FB5] =	sst s6  }
0xf: {  	[smem:$0x3FB6] =	sst s7  }
0x10: {  	[smem:$0x3FB7] =	sst s8  }
0x11: {  	[smem:$0x3FB8] =	sst s9;
	s0 =	simm.s32 @!p0 $0x0  }
0x12: {  	s1 =	sld [smem:$0x3F9E];
	s0 =	simm.s32 @p0 $0x1  }
0x13: {  	[smem:$0x3FB9] =	sst s0;
	s0 =	simm.s32 @!p1 $0x0  }
0x14: {  	s2 =	sld [smem:$0x3F9D];
	s0 =	simm.s32 @p1 $0x1  }
0x15: {  	[smem:$0x3FBA] =	sst s0;
	s0 =	simm.s32 @!p2 $0x0  }
0x16: {  	s3 =	sld [smem:$0x3FDB];
	s0 =	simm.s32 @p2 $0x1  }
0x17: {  	s4 =	simm.s32 $0x1BF5;
	[smem:$0x3FBC] =	sst s0  }
0x18: {  	s0 =	sld [smem:$0x3F9F];
	_ =	swait.ge [sflag:s4], $0x0  }
0x19: {  	s7 =	sld [smem:$0x3FA0]  }
0x1a: {  	s8 =	sadd.s32 $0xFFFFE003, lr  }
0x1b: {  	s9 =	sadd.s32 $0xFFFFFEF7, lr;
	s5 =	simm.s32 $0xFFFFFFFF;
	p2 =	slt.u32 s8, $0xFFFFF086  }
0x1c: {  	p1 =	slt.u32 s9, $0xF7A;
	s5 =	simm.s32 @!p2 $0x0  }
0x1d: {  	s5 =	simm.s32 @p1 $0x1;
	p0 =	seq.s32 s7, s2  }
0x1e: {  	s7 =	smul.u32 @!p0 $0xF7A, s2;
	p2 =	seq.s32 @!p0 s5, $0x0  }
0x1f: {  	s9 =	smul.u32 $0xF7A, s1;
	s8 =	simm.s32 @!p0 $0x1BF5;
	p2 =	por !p2, p0  }
0x20: {  	[sflag:s8] =	ssyncset.s32 @!p0 $0xFFFFF086;
	s6 =	sadd.s32 @!p0 s3, s7;
	s7 =	simm.s32 @!p0 $0x108  }
0x21: {  	s3 =	sadd.s32 s3, s9;
	s6 =	sadd.s32 @!p0 $0x88, s6;
	s7 =	simm.s32 @p2 $0x1082  }
0x22: {  	[simem:s7], [sflag:s8] =	dma.local @!p0 [hbm:s6], $0xF7A  }
0x23: {  	s9 =	sor.u32 $0xD0000000, s2;
	s6 =	simm.s32 $0x108;
	_ =	swait.ge @!p0 [sflag:s8], $0x0  }
0x24: {  	s3 =	sadd.s32 $0x88, s3;
	s6 =	simm.s32 @!p1 $0x1082;
	[sflag:s4] =	ssyncset.s32 $0xFFFFF086  }
0x25: {  	[simem:s6], [sflag:s4] =	dma.local [hbm:s3], $0xF7A  }
0x26: {  	[smem:$0x3FA0] =	sst s1;
	(tag) =	ssettag s2;
	_ =	strace s9  }
0x27: {  	s1 =	sld [smem:$0x3FB0]  }
0x28: {  	s2 =	sld [smem:$0x3FB1]  }
0x29: {  	s4 =	sld [smem:$0x3FB3]  }
0x2a: {  	p0 =	seq.s32 s5, $0x0;
	s5 =	sld [smem:$0x3FB4]  }
0x2b: {  	s6 =	sld [smem:$0x3FB5]  }
0x2c: {  	s7 =	sld [smem:$0x3FB6]  }
0x2d: {  	s3 =	simm.s32 $0x108;
	s8 =	sld [smem:$0x3FB7]  }
0x2e: {  	s3 =	simm.s32 @!p0 $0x1082;
	s9 =	sld [smem:$0x3FB8]  }
0x2f: {  	lr =	sadd.s32 s0, s3;
	s0 =	sld [smem:$0x3FAF]  }
0x30: {  	s3 =	sld [smem:$0x3FB2]  }
0x31: {  	[smem:$0x3FBB] =	sst s10  }
0x32: {  	s10 =	sld [smem:$0x3FB9];
	_ =	sdelay $0x3  }
0x33: {  	p0 =	seq.s32 s10, $0x1;
	s10 =	sld [smem:$0x3FBB];
	_ =	sdelay $0x3  }
0x34: {  	[smem:$0x3FBB] =	sst s10  }
0x35: {  	s10 =	sld [smem:$0x3FBA];
	_ =	sdelay $0x3  }
0x36: {  	p1 =	seq.s32 s10, $0x1;
	s10 =	sld [smem:$0x3FBB];
	_ =	sdelay $0x3  }
0x37: {  	[smem:$0x3FBB] =	sst s10  }
0x38: {  	s10 =	sld [smem:$0x3FBC]  }
0x39: {  	_ = 	snop;
	(pc) =	sbr.ind lr, $3  }
0x3a: {  	_ = 	snop  }
0x3b: {  	_ = 	snop  }
0x3c: {  	p2 =	seq.s32 s10, $0x1;
	s10 =	sld [smem:$0x3FBB]  }
0x3d: {  	_ =	shalt  }
0x3e: {  	_ =	shalt  }
0x3f: {  	_ =	shalt  }
0x40: {  	_ =	shalt  }
0x41: {  	_ =	shalt  }
0x42: {  	_ =	shalt  }
0x43: {  	_ =	shalt  }
0x44: {  	_ =	shalt  }
0x45: {  	_ =	shalt  }
0x46: {  	_ =	shalt  }
0x47: {  	_ =	shalt  }
0x48: {  	_ =	shalt  }
0x49: {  	_ =	shalt  }
0x4a: {  	_ =	shalt  }
0x4b: {  	_ =	shalt  }
0x4c: {  	_ =	shalt  }
0x4d: {  	_ =	shalt  }
0x4e: {  	_ =	shalt  }
0x4f: {  	_ =	shalt  }
0x50: {  	_ =	shalt  }
0x51: {  	_ =	shalt  }
0x52: {  	_ =	shalt  }
0x53: {  	_ =	shalt  }
0x54: {  	_ =	shalt  }
0x55: {  	_ =	shalt  }
0x56: {  	_ =	shalt  }
0x57: {  	_ =	shalt  }
0x58: {  	_ =	shalt  }
0x59: {  	_ =	shalt  }
0x5a: {  	_ =	shalt  }
0x5b: {  	_ =	shalt  }
0x5c: {  	_ =	shalt  }
0x5d: {  	_ =	shalt  }
0x5e: {  	_ =	shalt  }
0x5f: {  	_ =	shalt  }
0x60: {  	_ =	shalt  }
0x61: {  	_ =	shalt  }
0x62: {  	_ =	shalt  }
0x63: {  	_ =	shalt  }
0x64: {  	_ =	shalt  }
0x65: {  	_ =	shalt  }
0x66: {  	_ =	shalt  }
0x67: {  	_ =	shalt  }
0x68: {  	_ =	shalt  }
0x69: {  	_ =	shalt  }
0x6a: {  	_ =	shalt  }
0x6b: {  	_ =	shalt  }
0x6c: {  	_ =	shalt  }
0x6d: {  	_ =	shalt  }
0x6e: {  	_ =	shalt  }
0x6f: {  	_ =	shalt  }
0x70: {  	_ =	shalt  }
0x71: {  	_ =	shalt  }
0x72: {  	_ =	shalt  }
0x73: {  	_ =	shalt  }
0x74: {  	_ =	shalt  }
0x75: {  	_ =	shalt  }
0x76: {  	_ =	shalt  }
0x77: {  	_ =	shalt  }
0x78: {  	_ =	shalt  }
0x79: {  	_ =	shalt  }
0x7a: {  	_ =	shalt  }
0x7b: {  	_ =	shalt  }
0x7c: {  	_ =	shalt  }
0x7d: {  	_ =	shalt  }
0x7e: {  	_ =	shalt  }
0x7f: {  	_ =	shalt  }
0x80: {  	_ =	shalt  }
0x81: {  	_ =	shalt  }
0x82: {  	_ =	shalt  }
0x83: {  	_ =	shalt  }
0x84: {  	_ =	shalt  }
0x85: {  	_ =	shalt  }
0x86: {  	_ =	shalt  }
0x87: {  	_ =	shalt  }
.Lfunc_end0:
.L_simem_size_0:
called_computation_lowered:
.L_overlay_start_0:
0x88: {  	s2 =	sld [smem:$0x3FD9]  }
0x89: {  	s3 =	sld [smem:$0x3FFE];
	_ =	sdelay $0x1  }
0x8a: {  	s1 =	srdreg.scid  }
0x8b: {  	s0 =	sand.u32 $0x1, s1  }
0x8c: {  	s18 =	sshll.u32 s0, $0xA;
	s2 =	sadd.s32 s3, s2  }
0x8d: {  	s2 =	sadd.s32 s2, s18  }
0x8e: {  	[smem:$0x3FC7] =	sst s2  }
0x8f: {  	_ = 	snop  }
0x90: {  	s2 =	sld [smem:$0x3FC9]  }
0x91: {  	s19 =	sld [smem:$0x3FD0];
	(tm) =	ssettm $0x1  }
0x92: {  	s4 =	sld [smem:$0x3FFB];
	_ =	sdelay $0x3  }
0x93: {  	_ =	strace s4  }
0x94: {  	s4 =	sld [smem:$0x3FFC];
	_ =	sdelay $0x3  }
0x95: {  	_ =	strace s4  }
0x96: {  	s4 =	sld [smem:$0x3FFD];
	_ =	sdelay $0x3  }
0x97: {  	_ =	strace s4  }
0x98: {  	_ =	strace $0x8FFFFFFF  }
0x99: {  	s20 =	sld [smem:$0x3FDB];
	_ =	sdelay $0x1  }
0x9a: {  	s5 =	simm.s32 $_scs_section_size  }
0x9b: {  	s6 =	simm.s32 $_size__tile_overlayer_lowered;
	s7 =	simm.s32 $_tile_overlayer_lowered  }
0x9c: {  	s23 =	simm.s32 $0x1BFF;
	s22 =	sshll.u32 s7, $0x1;
	s4 =	sadd.s32 s5, s20  }
0x9d: {  	s8 =	simm.s32 $0x0;
	s21 =	sshll.u32 s6, $0x1;
	s6 =	sadd.s32 s22, s4  }
0x9e: {  	[timem:s8], [sflag:s23] =	dma.local [hbm:s6], s21  }
0x9f: {  	_ =	swait.ge [sflag:s23], s21  }
0xa0: {  	s5 =	ssub.s32 $0x0, s21;
	[sflag:s23] =	ssyncset.done $0x0  }
0xa1: {  	[sflag:s23] =	ssyncadd.s32 s5;
	_ =	sdelay $0x1  }
0xa2: {  	s24 =	simm.s32 $0x1B8B  }
0xa3: {  	_ =	swait.ge [sflag:s24], $0x1  }
0xa4: {  	[sflag:s24] =	ssyncset.done $0x0  }
0xa5: {  	s25 =	simm.s32 $0x1B8E;
	[sflag:s24] =	ssyncadd.s32 $0xFFFFFFFF  }
0xa6: {  	s26 =	simm.s32 $execute0_lowered;
	[smem:$0x3FD2] =	sst s25  }
0xa7: {  	s5 =	sshll.u32 s26, $0x1;
	_ =	strace $0x80000046;
	[dreg:$0x1] =	wrdreg $0xFFFFFFFF  }
0xa8: {  	s28 =	simm.s32 $_size_execute0_lowered;
	s4 =	sadd.s32 s4, s5;
	[dreg:$0x0] =	wrdreg $0x0  }
0xa9: {  	s5 =	sshll.u32 s28, $0x1;
	[dreg:$0x2] =	wrdreg s4  }
0xaa: {  	[dreg:$0x3] =	wrdreg s5  }
0xab: {  	[dreg:$0x4] =	wrdreg $0xC0  }
0xac: {  	_ =	task [dreg:s8], $0x5FFFF  }
0xad: {  	[dreg:$0x1] =	wrdreg $0xFFFFFFFF  }
0xae: {  	[dreg:$0x0] =	wrdreg $0x60  }
0xaf: {  	[dreg:$0x2] =	wrdreg s2  }
0xb0: {  	[dreg:$0x3] =	wrdreg s19  }
0xb1: {  	[dreg:$0x4] =	wrdreg $0x9  }
0xb2: {  	_ =	task.clear_ibuf [dreg:s8], $0x5FFFF;
	_ =	strace $0x90000046  }
0xb3: {  	s29 =	simm.s32 $0x9;
	_ =	strace $0x80000048  }
0xb4: {  	_ =	swait.ge [sflag:s29], $0x1  }
0xb5: {  	[sflag:s29] =	ssyncadd.s32 $0xFFFFFFFF  }
0xb6: {  	_ =	strace $0x90000048  }
0xb7: {  	_ =	sfence  }
0xb8: {  	s30 =	sld [smem:$0x0];
	_ =	sdelay $0x2  }
0xb9: {  	s31 =	sshll.u32 s1, $0xD;
	s1 =	sshrl.u32 s1, $0x2  }
0xba: {  	s3 =	sand.u32 $0x4000, s31;
	s1 =	sadd.s32 s1, s30  }
0xbb: {  	s0 =	sor.u32 s3, s0;
	s1 =	sshll.u32 s1, $0x11  }
0xbc: {  	s0 =	sor.u32 s1, s0  }
0xbd: {  	s0 =	sadd.s32 $0x8F2B, s0  }
0xbe: {  	[sflag:s0] =	ssyncadd.remote.s32 $0x1  }
0xbf: {  	_ =	sfence.sel $0xFFFF  }
0xc0: {  	[dreg:$0x0] =	wrdreg $0xFFFFFFFF;
	(pc) =	sbr.abs _section_cstart, $3  }
0xc1: {  	[dreg:$0x1] =	wrdreg $0xFFFFFFFF  }
0xc2: {  	_ =	task.clear_ibuf [dreg:s8], $0x2FFFF;
	_ =	strace $0x9FFFFFFF  }
0xc3: {  	(tm) =	ssettm $0x7FFFFFFF  }
tec
execute0_lowered:
.L_overlay_start_1:
0x0: {  	(tag) =	ssettag $0x1  }
0x1: {  	s2 =	srdreg.scid  }
0x2: {  	s0 =	stileid.u32;
	s3 =	sand.u32 $0x1, s2  }
0x3: {  	s5 =	sshll.u32 s0, $0xB;
	s6 =	sshll.u32 s3, $0xA  }
0x4: {  	s1 =	rddreg [dreg:$0x0];
	s5 =	sor.u32 s6, s5  }
0x5: {  	s4 =	rddreg [dreg:$0x1];
	s2 =	simm.s32 $0x0;
	s30 =	sadd.s32 s1, s5  }
0x6: {  	[smem:$0x7FF] =	sst s2;
	s7 =	sor.u32 $0x78000, s5;
	s18 =	sadd.s32 $0x70000, s30  }
0x7: {  	_ =	strace $0x80000047;
	s19 =	sadd.s32 s1, s7;
	[dreg:$0x3] =	wrdreg s18  }
0x8: {  	s8 =	sor.u32 $0x18000, s5;
	s20 =	sadd.s32 $0x80000, s30;
	[dreg:$0x4] =	wrdreg s19  }
0x9: {  	s21 =	sadd.s32 s4, s8;
	[dreg:$0x5] =	wrdreg s20  }
0xa: {  	s9 =	sor.u32 $0x30000, s5;
	s22 =	sadd.s32 $0x88000, s30;
	[dreg:$0x6] =	wrdreg s21  }
0xb: {  	s23 =	sadd.s32 s4, s9;
	[dreg:$0x7] =	wrdreg s22  }
0xc: {  	s10 =	sor.u32 $0x48000, s5;
	s24 =	sadd.s32 $0x28000, s30;
	[dreg:$0x8] =	wrdreg s23  }
0xd: {  	s29 =	simm.s32 $0x3;
	s25 =	sadd.s32 s4, s10;
	[dreg:$0x9] =	wrdreg s24  }
0xe: {  	s11 =	sor.u32 $0x60000, s5;
	s26 =	sadd.s32 $0x10000, s30;
	[dreg:$0xa] =	wrdreg s25  }
0xf: {  	p0 =	por $0x0, $0x0;
	s0 =	sadd.s32 s4, s11;
	[dreg:$0xb] =	wrdreg s26  }
0x10: {  	s28 =	simm.s32 $0x4;
	s9 =	sadd.s32 s1, s9;
	[dreg:$0xc] =	wrdreg s0  }
0x11: {  	s3 =	ssub.s32 $0x2, s3;
	s12 =	sadd.s32 s4, s7;
	[dreg:$0xd] =	wrdreg s9  }
0x12: {  	s31 =	sadd.s32 s4, s5;
	s13 =	sadd.s32 s1, s8;
	[dreg:$0xe] =	wrdreg s12  }
0x13: {  	s6 =	simm.s32 $0x7;
	s14 =	sadd.s32 $0x90000, s31;
	[dreg:$0xf] =	wrdreg s13  }
0x14: {  	s15 =	sadd.s32 $0x38000, s30;
	s16 =	sadd.s32 $0xA8000, s31;
	[dreg:$0x10] =	wrdreg s14  }
0x15: {  	s17 =	sadd.s32 $0x20000, s30;
	s7 =	sadd.s32 $0x168000, s31;
	[dreg:$0x11] =	wrdreg s15  }
0x16: {  	s8 =	simm.s32 $0x6000;
	s4 =	simm.s32 $0x6;
	[dreg:$0x12] =	wrdreg s16  }
0x17: {  	[dreg:$0x13] =	wrdreg s17;
	s18 =	sadd.s32 $0xC0000, s31;
	s19 =	sadd.s32 $0x58000, s30  }
0x18: {  	s20 =	sadd.s32 $0xD8000, s31;
	s21 =	sadd.s32 $0x40000, s30;
	s22 =	sadd.s32 $0xF0000, s31  }
0x19: {  	s23 =	sshrl.u32 s3, $0x1;
	s24 =	sadd.s32 s1, s11;
	s17 =	sadd.s32 $0x68000, s30  }
0x1a: {  	s14 =	sadd.s32 $0x138000, s31;
	s11 =	sadd.s32 $0x50000, s30;
	[dreg:$0x14] =	wrdreg s18  }
0x1b: {  	s9 =	sadd.s32 $0x150000, s31;
	s26 =	simm.s32 $0xC000;
	[dreg:$0x15] =	wrdreg s19  }
0x1c: {  	s13 =	simm.s32 $0x1;
	[dreg:$0x16] =	wrdreg s20;
	s5 =	ssub.s32 s3, s23  }
0x1d: {  	s12 =	simm.s32 $0x2;
	[dreg:$0x17] =	wrdreg s21;
	s25 =	smax.u32 s5, $0x1  }
0x1e: {  	s16 =	simm.s32 $0x9;
	[dreg:$0x18] =	wrdreg s22;
	p1 =	sne.s32 s25, $0x1  }
.Ltmp0:
0x1f: {  	s15 =	simm.s32 $0xA;
	[dreg:$0x19] =	wrdreg s24;
	(pc) =	sbr.rel @!p1 .LBB2_5-.Ltmp0, $4  }
0x20: {  	s23 =	sadd.s32 $0x108000, s31;
	s22 =	sadd.s32 s1, s10;
	s20 =	sadd.s32 $0x120000, s31  }
0x21: {  	s3 =	sadd.s32 $0x180000, s31;
	s18 =	simm.s32 $0x480000;
	s10 =	simm.s32 $0x40000  }
0x22: {  	s24 =	simm.s32 $0x12000;
	s21 =	simm.s32 $0x18000;
	s19 =	simm.s32 $0x8  }
0x23: {  	s5 =	simm.s32 $0x2000;
	s0 =	sadd.s32 $0xFFFFFFFF, s25;
	s25 =	simm.s32 $0x5  }
0x24: {  	[dreg:$0x1b] =	wrdreg s0  }
0x25: {  	[tilespmem:s2], [sflag:$0x1] =	stream.strided.gather [hbm4b:s30+s5], $0x6000, s18, s5, $0x38;
	[tilespmem:$0x1E000] =	vst v63  }
0x26: {  	s0 =	rddreg [dreg:$0x3]  }
0x27: {  	[tilespmem:s8], [sflag:$0x2] =	stream.strided.gather [hbm4b:s0+s5], $0x6000, s18, s5, $0x38;
	[tilespmem:$0x1E000] =	vst v63  }
0x28: {  	s1 =	rddreg [dreg:$0x4]  }
0x29: {  	[tilespmem:s26], [sflag:$0x3] =	stream.strided.gather [hbm4b:s1+s5], $0x6000, s18, s5, $0x38;
	[tilespmem:$0x1E000] =	vst v63  }
0x2a: {  	_ =	swait.ge [sflag:s13], $0x6000  }
0x2b: {  	[sflag:s13] =	ssyncset.done $0x0  }
0x2c: {  	[sflag:s13] =	ssyncadd.s32 $0xFFFFA000  }
0x2d: {  	[hbm4b:s31+s5] =	stream.strided.scatter [tilespmem:s2], [sflag:$0x6], $0x6000, s10, s5, $0x38;
	[tilespmem:$0x1E000] =	vst v63  }
0x2e: {  	s1 =	rddreg [dreg:$0x5]  }
0x2f: {  	[tilespmem:s24], [sflag:$0x4] =	stream.strided.gather [hbm4b:s1+s5], $0x6000, s18, s5, $0x38;
	[tilespmem:$0x1E000] =	vst v63  }
0x30: {  	_ =	swait.ge [sflag:s12], $0x6000  }
0x31: {  	[sflag:s12] =	ssyncset.done $0x0  }
0x32: {  	s0 =	rddreg [dreg:$0x6];
	[sflag:s12] =	ssyncadd.s32 $0xFFFFA000  }
0x33: {  	[hbm4b:s0+s5] =	stream.strided.scatter [tilespmem:s8], [sflag:$0x7], $0x6000, s10, s5, $0x38;
	[tilespmem:$0x1E000] =	vst v63  }
0x34: {  	s1 =	rddreg [dreg:$0x7]  }
0x35: {  	[tilespmem:s21], [sflag:$0x5] =	stream.strided.gather [hbm4b:s1+s5], $0x6000, s18, s5, $0x38;
	[tilespmem:$0x1E000] =	vst v63  }
0x36: {  	_ =	swait.ge [sflag:s29], $0x6000  }
0x37: {  	[sflag:s29] =	ssyncset.done $0x0  }
0x38: {  	s1 =	rddreg [dreg:$0x8];
	[sflag:s29] =	ssyncadd.s32 $0xFFFFA000  }
0x39: {  	[hbm4b:s1+s5] =	stream.strided.scatter [tilespmem:s26], [sflag:$0x8], $0x6000, s10, s5, $0x38;
	[tilespmem:$0x1E000] =	vst v63  }
0x3a: {  	_ =	swait.ge [sflag:s4], $0x6000  }
0x3b: {  	[sflag:s4] =	ssyncset.done $0x0  }
0x3c: {  	s1 =	rddreg [dreg:$0x9];
	[sflag:s4] =	ssyncadd.s32 $0xFFFFA000  }
0x3d: {  	[tilespmem:s2], [sflag:$0x1] =	stream.strided.gather [hbm4b:s1+s5], $0x6000, s18, s5, $0x38;
	[tilespmem:$0x1E000] =	vst v63  }
0x3e: {  	_ =	swait.ge [sflag:s28], $0x6000  }
0x3f: {  	[sflag:s28] =	ssyncset.done $0x0  }
0x40: {  	s1 =	rddreg [dreg:$0xa];
	[sflag:s28] =	ssyncadd.s32 $0xFFFFA000  }
0x41: {  	[hbm4b:s1+s5] =	stream.strided.scatter [tilespmem:s24], [sflag:$0x9], $0x6000, s10, s5, $0x38;
	[tilespmem:$0x1E000] =	vst v63  }
0x42: {  	_ =	swait.ge [sflag:s6], $0x6000  }
0x43: {  	[sflag:s6] =	ssyncset.done $0x0  }
0x44: {  	s1 =	rddreg [dreg:$0xb];
	[sflag:s6] =	ssyncadd.s32 $0xFFFFA000  }
0x45: {  	[tilespmem:s8], [sflag:$0x2] =	stream.strided.gather [hbm4b:s1+s5], $0x6000, s18, s5, $0x38;
	[tilespmem:$0x1E000] =	vst v63  }
0x46: {  	_ =	swait.ge [sflag:s25], $0x6000  }
0x47: {  	[sflag:s25] =	ssyncset.done $0x0  }
0x48: {  	s1 =	rddreg [dreg:$0xc];
	[sflag:s25] =	ssyncadd.s32 $0xFFFFA000  }
0x49: {  	[hbm4b:s1+s5] =	stream.strided.scatter [tilespmem:s21], [sflag:$0xA], $0x6000, s10, s5, $0x38;
	[tilespmem:$0x1E000] =	vst v63  }
0x4a: {  	_ =	swait.ge [sflag:s19], $0x6000  }
0x4b: {  	[sflag:s19] =	ssyncset.done $0x0  }
0x4c: {  	s1 =	rddreg [dreg:$0xd];
	[sflag:s19] =	ssyncadd.s32 $0xFFFFA000  }
0x4d: {  	[tilespmem:s26], [sflag:$0x3] =	stream.strided.gather [hbm4b:s1+s5], $0x6000, s18, s5, $0x38;
	[tilespmem:$0x1E000] =	vst v63  }
0x4e: {  	_ =	swait.ge [sflag:s13], $0x6000  }
0x4f: {  	[sflag:s13] =	ssyncset.done $0x0  }
0x50: {  	s1 =	rddreg [dreg:$0xe];
	[sflag:s13] =	ssyncadd.s32 $0xFFFFA000  }
0x51: {  	[hbm4b:s1+s5] =	stream.strided.scatter [tilespmem:s2], [sflag:$0x6], $0x6000, s10, s5, $0x38;
	[tilespmem:$0x1E000] =	vst v63  }
0x52: {  	_ =	swait.ge [sflag:s16], $0x6000  }
0x53: {  	[sflag:s16] =	ssyncset.done $0x0  }
0x54: {  	s1 =	rddreg [dreg:$0xf];
	[sflag:s16] =	ssyncadd.s32 $0xFFFFA000  }
0x55: {  	[tilespmem:s24], [sflag:$0x4] =	stream.strided.gather [hbm4b:s1+s5], $0x6000, s18, s5, $0x38;
	[tilespmem:$0x1E000] =	vst v63  }
0x56: {  	_ =	swait.ge [sflag:s12], $0x6000  }
0x57: {  	[sflag:s12] =	ssyncset.done $0x0  }
0x58: {  	s1 =	rddreg [dreg:$0x10];
	[sflag:s12] =	ssyncadd.s32 $0xFFFFA000  }
0x59: {  	[hbm4b:s1+s5] =	stream.strided.scatter [tilespmem:s8], [sflag:$0x7], $0x6000, s10, s5, $0x38;
	[tilespmem:$0x1E000] =	vst v63  }
0x5a: {  	_ =	swait.ge [sflag:s15], $0x6000  }
0x5b: {  	[sflag:s15] =	ssyncset.done $0x0  }
0x5c: {  	s1 =	rddreg [dreg:$0x11];
	[sflag:s15] =	ssyncadd.s32 $0xFFFFA000  }
0x5d: {  	[tilespmem:s21], [sflag:$0x5] =	stream.strided.gather [hbm4b:s1+s5], $0x6000, s18, s5, $0x38;
	[tilespmem:$0x1E000] =	vst v63  }
0x5e: {  	_ =	swait.ge [sflag:s29], $0x6000  }
0x5f: {  	[sflag:s29] =	ssyncset.done $0x0  }
0x60: {  	s1 =	rddreg [dreg:$0x12];
	[sflag:s29] =	ssyncadd.s32 $0xFFFFA000  }
0x61: {  	[hbm4b:s1+s5] =	stream.strided.scatter [tilespmem:s26], [sflag:$0x8], $0x6000, s10, s5, $0x38;
	[tilespmem:$0x1E000] =	vst v63  }
0x62: {  	_ =	swait.ge [sflag:s4], $0x6000  }
0x63: {  	[sflag:s4] =	ssyncset.done $0x0  }
0x64: {  	s1 =	rddreg [dreg:$0x13];
	[sflag:s4] =	ssyncadd.s32 $0xFFFFA000  }
0x65: {  	[tilespmem:s2], [sflag:$0x1] =	stream.strided.gather [hbm4b:s1+s5], $0x6000, s18, s5, $0x38;
	[tilespmem:$0x1E000] =	vst v63  }
0x66: {  	_ =	swait.ge [sflag:s28], $0x6000  }
0x67: {  	[sflag:s28] =	ssyncset.done $0x0  }
0x68: {  	s1 =	rddreg [dreg:$0x14];
	[sflag:s28] =	ssyncadd.s32 $0xFFFFA000  }
0x69: {  	[hbm4b:s1+s5] =	stream.strided.scatter [tilespmem:s24], [sflag:$0x9], $0x6000, s10, s5, $0x38;
	[tilespmem:$0x1E000] =	vst v63  }
0x6a: {  	_ =	swait.ge [sflag:s6], $0x6000  }
0x6b: {  	[sflag:s6] =	ssyncset.done $0x0  }
0x6c: {  	s1 =	rddreg [dreg:$0x15];
	[sflag:s6] =	ssyncadd.s32 $0xFFFFA000  }
0x6d: {  	[tilespmem:s8], [sflag:$0x2] =	stream.strided.gather [hbm4b:s1+s5], $0x6000, s18, s5, $0x38;
	[tilespmem:$0x1E000] =	vst v63  }
0x6e: {  	_ =	swait.ge [sflag:s25], $0x6000  }
0x6f: {  	[sflag:s25] =	ssyncset.done $0x0  }
0x70: {  	s1 =	rddreg [dreg:$0x16];
	[sflag:s25] =	ssyncadd.s32 $0xFFFFA000  }
0x71: {  	[hbm4b:s1+s5] =	stream.strided.scatter [tilespmem:s21], [sflag:$0xA], $0x6000, s10, s5, $0x38;
	[tilespmem:$0x1E000] =	vst v63  }
0x72: {  	_ =	swait.ge [sflag:s19], $0x6000  }
0x73: {  	[sflag:s19] =	ssyncset.done $0x0  }
0x74: {  	s1 =	rddreg [dreg:$0x17];
	[sflag:s19] =	ssyncadd.s32 $0xFFFFA000  }
0x75: {  	[tilespmem:s26], [sflag:$0x3] =	stream.strided.gather [hbm4b:s1+s5], $0x6000, s18, s5, $0x38;
	[tilespmem:$0x1E000] =	vst v63  }
0x76: {  	_ =	swait.ge [sflag:s13], $0x6000  }
0x77: {  	[sflag:s13] =	ssyncset.done $0x0  }
0x78: {  	s1 =	rddreg [dreg:$0x18];
	[sflag:s13] =	ssyncadd.s32 $0xFFFFA000  }
0x79: {  	[hbm4b:s1+s5] =	stream.strided.scatter [tilespmem:s2], [sflag:$0x6], $0x6000, s10, s5, $0x38;
	[tilespmem:$0x1E000] =	vst v63  }
0x7a: {  	_ =	swait.ge [sflag:s16], $0x6000  }
0x7b: {  	[sflag:s16] =	ssyncset.done $0x0  }
0x7c: {  	s1 =	rddreg [dreg:$0x19];
	[sflag:s16] =	ssyncadd.s32 $0xFFFFA000  }
0x7d: {  	[tilespmem:s24], [sflag:$0x4] =	stream.strided.gather [hbm4b:s1+s5], $0x6000, s18, s5, $0x38;
	[tilespmem:$0x1E000] =	vst v63  }
0x7e: {  	_ =	swait.ge [sflag:s12], $0x6000  }
0x7f: {  	[sflag:s12] =	ssyncset.done $0x0  }
0x80: {  	[sflag:s12] =	ssyncadd.s32 $0xFFFFA000  }
0x81: {  	[hbm4b:s23+s5] =	stream.strided.scatter [tilespmem:s8], [sflag:$0x7], $0x6000, s10, s5, $0x38;
	[tilespmem:$0x1E000] =	vst v63  }
0x82: {  	_ =	swait.ge [sflag:s15], $0x6000  }
0x83: {  	[sflag:s15] =	ssyncset.done $0x0  }
0x84: {  	[sflag:s15] =	ssyncadd.s32 $0xFFFFA000  }
0x85: {  	[tilespmem:s21], [sflag:$0x5] =	stream.strided.gather [hbm4b:s22+s5], $0x6000, s18, s5, $0x38;
	[tilespmem:$0x1E000] =	vst v63  }
0x86: {  	_ =	swait.ge [sflag:s29], $0x6000  }
0x87: {  	[sflag:s29] =	ssyncset.done $0x0  }
0x88: {  	[sflag:s29] =	ssyncadd.s32 $0xFFFFA000  }
0x89: {  	[hbm4b:s20+s5] =	stream.strided.scatter [tilespmem:s26], [sflag:$0x8], $0x6000, s10, s5, $0x38;
	[tilespmem:$0x1E000] =	vst v63  }
0x8a: {  	_ =	swait.ge [sflag:s4], $0x6000  }
0x8b: {  	[sflag:s4] =	ssyncset.done $0x0  }
0x8c: {  	[sflag:s4] =	ssyncadd.s32 $0xFFFFA000  }
0x8d: {  	[tilespmem:s2], [sflag:$0x1] =	stream.strided.gather [hbm4b:s17+s5], $0x6000, s18, s5, $0x38;
	[tilespmem:$0x1E000] =	vst v63  }
0x8e: {  	_ =	swait.ge [sflag:s28], $0x6000  }
0x8f: {  	[sflag:s28] =	ssyncset.done $0x0  }
0x90: {  	[sflag:s28] =	ssyncadd.s32 $0xFFFFA000  }
0x91: {  	[hbm4b:s14+s5] =	stream.strided.scatter [tilespmem:s24], [sflag:$0x9], $0x6000, s10, s5, $0x38;
	[tilespmem:$0x1E000] =	vst v63  }
0x92: {  	_ =	swait.ge [sflag:s6], $0x6000  }
0x93: {  	[sflag:s6] =	ssyncset.done $0x0  }
0x94: {  	[sflag:s6] =	ssyncadd.s32 $0xFFFFA000  }
0x95: {  	[tilespmem:s8], [sflag:$0x2] =	stream.strided.gather [hbm4b:s11+s5], $0x6000, s18, s5, $0x38;
	[tilespmem:$0x1E000] =	vst v63  }
0x96: {  	_ =	swait.ge [sflag:s25], $0x6000  }
0x97: {  	[sflag:s25] =	ssyncset.done $0x0  }
0x98: {  	[sflag:s25] =	ssyncadd.s32 $0xFFFFA000  }
0x99: {  	[hbm4b:s9+s5] =	stream.strided.scatter [tilespmem:s21], [sflag:$0xA], $0x6000, s10, s5, $0x38;
	[tilespmem:$0x1E000] =	vst v63  }
0x9a: {  	_ =	swait.ge [sflag:s13], $0x6000  }
0x9b: {  	[sflag:s13] =	ssyncset.done $0x0  }
0x9c: {  	[sflag:s13] =	ssyncadd.s32 $0xFFFFA000  }
0x9d: {  	[hbm4b:s7+s5] =	stream.strided.scatter [tilespmem:s2], [sflag:$0x6], $0x6000, s10, s5, $0x38;
	[tilespmem:$0x1E000] =	vst v63  }
0x9e: {  	_ =	swait.ge [sflag:s12], $0x6000  }
0x9f: {  	[sflag:s12] =	ssyncset.done $0x0  }
0xa0: {  	[sflag:s12] =	ssyncadd.s32 $0xFFFFA000  }
0xa1: {  	[hbm4b:s3+s5] =	stream.strided.scatter [tilespmem:s8], [sflag:$0x7], $0x6000, s10, s5, $0x38;
	[tilespmem:$0x1E000] =	vst v63  }
0xa2: {  	_ =	swait.ge [sflag:s19], $0x6000  }
0xa3: {  	[sflag:s19] =	ssyncset.done $0x0  }
0xa4: {  	[sflag:s19] =	ssyncadd.s32 $0xFFFFA000  }
0xa5: {  	_ =	swait.ge [sflag:s16], $0x6000  }
0xa6: {  	[sflag:s16] =	ssyncset.done $0x0  }
0xa7: {  	[sflag:s16] =	ssyncadd.s32 $0xFFFFA000  }
0xa8: {  	_ =	swait.ge [sflag:s15], $0x6000  }
0xa9: {  	[sflag:s15] =	ssyncset.done $0x0  }
0xaa: {  	[sflag:s15] =	ssyncadd.s32 $0xFFFFA000  }
0xab: {  	_ =	swait.ge [sflag:s4], $0x6000  }
0xac: {  	s1 =	rddreg [dreg:$0x1b]  }
0xad: {  	p1 =	sne.s32 s1, $0x1  }
.Ltmp1:
0xae: {  	_ = 	snop;
	(pc) =	sbr.rel @!p1 .LBB2_2-.Ltmp1, $4  }
0xaf: {  	[sflag:s4] =	ssyncset.done $0x0  }
0xb0: {  	[sflag:s4] =	ssyncadd.s32 $0xFFFFA000  }
0xb1: {  	p0 =	por $0x1, $0x1;
	_ =	swait.ge [sflag:s6], $0x6000  }
0xb2: {  	s1 =	sadd.s32 $0xFFFFFFFF, s1;
	[dreg:$0x1a] =	wrdreg s31;
	[sflag:s6] =	ssyncset.done $0x0  }
.LBB2_3:
0xb3: {  	[sflag:s6] =	ssyncadd.s32 $0xFFFFA000  }
0xb4: {  	[tilespmem:s2], [sflag:$0x1] =	stream.strided.gather [hbm4b:s30+s5], $0x6000, s18, s5, $0x38;
	[tilespmem:$0x1E000] =	vst v63  }
0xb5: {  	s0 =	rddreg [dreg:$0x3];
	s31 =	smov.u32 s30;
	s30 =	smov.u32 s23  }
0xb6: {  	s23 =	smov.u32 s22;
	s22 =	smov.u32 s20;
	s20 =	smov.u32 s17  }
0xb7: {  	s17 =	smov.u32 s14;
	s14 =	smov.u32 s11;
	s11 =	smov.u32 s9  }
0xb8: {  	[tilespmem:s8], [sflag:$0x2] =	stream.strided.gather [hbm4b:s0+s5], $0x6000, s18, s5, $0x38;
	[tilespmem:$0x1E000] =	vst v63  }
0xb9: {  	s9 =	smov.u32 s7;
	s7 =	smov.u32 s3;
	s3 =	rddreg [dreg:$0x4]  }
0xba: {  	[tilespmem:s26], [sflag:$0x3] =	stream.strided.gather [hbm4b:s3+s5], $0x6000, s18, s5, $0x38;
	[tilespmem:$0x1E000] =	vst v63  }
0xbb: {  	_ =	swait.ge [sflag:s13], $0x6000  }
0xbc: {  	[sflag:s13] =	ssyncset.done $0x0  }
0xbd: {  	s3 =	rddreg [dreg:$0x1a];
	[sflag:s13] =	ssyncadd.s32 $0xFFFFA000  }
0xbe: {  	[hbm4b:s3+s5] =	stream.strided.scatter [tilespmem:s2], [sflag:$0x6], $0x6000, s10, s5, $0x38;
	[tilespmem:$0x1E000] =	vst v63  }
0xbf: {  	s0 =	rddreg [dreg:$0x5]  }
0xc0: {  	[tilespmem:s24], [sflag:$0x4] =	stream.strided.gather [hbm4b:s0+s5], $0x6000, s18, s5, $0x38;
	[tilespmem:$0x1E000] =	vst v63  }
0xc1: {  	_ =	swait.ge [sflag:s12], $0x6000  }
0xc2: {  	[sflag:s12] =	ssyncset.done $0x0  }
0xc3: {  	s0 =	rddreg [dreg:$0x6];
	[sflag:s12] =	ssyncadd.s32 $0xFFFFA000  }
0xc4: {  	[hbm4b:s0+s5] =	stream.strided.scatter [tilespmem:s8], [sflag:$0x7], $0x6000, s10, s5, $0x38;
	[tilespmem:$0x1E000] =	vst v63  }
0xc5: {  	s3 =	rddreg [dreg:$0x7]  }
0xc6: {  	[tilespmem:s21], [sflag:$0x5] =	stream.strided.gather [hbm4b:s3+s5], $0x6000, s18, s5, $0x38;
	[tilespmem:$0x1E000] =	vst v63  }
0xc7: {  	s3 =	smov.u32 s7;
	s7 =	smov.u32 s9  }
0xc8: {  	s9 =	smov.u32 s11;
	s11 =	smov.u32 s14;
	s14 =	smov.u32 s17  }
0xc9: {  	s17 =	smov.u32 s20;
	s20 =	smov.u32 s22;
	_ =	swait.ge [sflag:s29], $0x6000  }
0xca: {  	s22 =	smov.u32 s23;
	s23 =	smov.u32 s30;
	[sflag:s29] =	ssyncset.done $0x0  }
0xcb: {  	s30 =	smov.u32 s31;
	s31 =	rddreg [dreg:$0x8];
	[sflag:s29] =	ssyncadd.s32 $0xFFFFA000  }
0xcc: {  	[hbm4b:s31+s5] =	stream.strided.scatter [tilespmem:s26], [sflag:$0x8], $0x6000, s10, s5, $0x38;
	[tilespmem:$0x1E000] =	vst v63  }
0xcd: {  	_ =	swait.ge [sflag:s4], $0x6000  }
0xce: {  	[sflag:s4] =	ssyncset.done $0x0  }
0xcf: {  	s31 =	rddreg [dreg:$0x9];
	[sflag:s4] =	ssyncadd.s32 $0xFFFFA000  }
0xd0: {  	[tilespmem:s2], [sflag:$0x1] =	stream.strided.gather [hbm4b:s31+s5], $0x6000, s18, s5, $0x38;
	[tilespmem:$0x1E000] =	vst v63  }
0xd1: {  	_ =	swait.ge [sflag:s28], $0x6000  }
0xd2: {  	[sflag:s28] =	ssyncset.done $0x0  }
0xd3: {  	s31 =	rddreg [dreg:$0xa];
	[sflag:s28] =	ssyncadd.s32 $0xFFFFA000  }
0xd4: {  	[hbm4b:s31+s5] =	stream.strided.scatter [tilespmem:s24], [sflag:$0x9], $0x6000, s10, s5, $0x38;
	[tilespmem:$0x1E000] =	vst v63  }
0xd5: {  	_ =	swait.ge [sflag:s6], $0x6000  }
0xd6: {  	[sflag:s6] =	ssyncset.done $0x0  }
0xd7: {  	s31 =	rddreg [dreg:$0xb];
	[sflag:s6] =	ssyncadd.s32 $0xFFFFA000  }
0xd8: {  	[tilespmem:s8], [sflag:$0x2] =	stream.strided.gather [hbm4b:s31+s5], $0x6000, s18, s5, $0x38;
	[tilespmem:$0x1E000] =	vst v63  }
0xd9: {  	_ =	swait.ge [sflag:s25], $0x6000  }
0xda: {  	[sflag:s25] =	ssyncset.done $0x0  }
0xdb: {  	s31 =	rddreg [dreg:$0xc];
	[sflag:s25] =	ssyncadd.s32 $0xFFFFA000  }
0xdc: {  	[hbm4b:s31+s5] =	stream.strided.scatter [tilespmem:s21], [sflag:$0xA], $0x6000, s10, s5, $0x38;
	[tilespmem:$0x1E000] =	vst v63  }
0xdd: {  	_ =	swait.ge [sflag:s19], $0x6000  }
0xde: {  	[sflag:s19] =	ssyncset.done $0x0  }
0xdf: {  	s31 =	rddreg [dreg:$0xd];
	[sflag:s19] =	ssyncadd.s32 $0xFFFFA000  }
0xe0: {  	[tilespmem:s26], [sflag:$0x3] =	stream.strided.gather [hbm4b:s31+s5], $0x6000, s18, s5, $0x38;
	[tilespmem:$0x1E000] =	vst v63  }
0xe1: {  	_ =	swait.ge [sflag:s13], $0x6000  }
0xe2: {  	[sflag:s13] =	ssyncset.done $0x0  }
0xe3: {  	s31 =	rddreg [dreg:$0xe];
	[sflag:s13] =	ssyncadd.s32 $0xFFFFA000  }
0xe4: {  	[hbm4b:s31+s5] =	stream.strided.scatter [tilespmem:s2], [sflag:$0x6], $0x6000, s10, s5, $0x38;
	[tilespmem:$0x1E000] =	vst v63  }
0xe5: {  	_ =	swait.ge [sflag:s16], $0x6000  }
0xe6: {  	[sflag:s16] =	ssyncset.done $0x0  }
0xe7: {  	s31 =	rddreg [dreg:$0xf];
	[sflag:s16] =	ssyncadd.s32 $0xFFFFA000  }
0xe8: {  	[tilespmem:s24], [sflag:$0x4] =	stream.strided.gather [hbm4b:s31+s5], $0x6000, s18, s5, $0x38;
	[tilespmem:$0x1E000] =	vst v63  }
0xe9: {  	_ =	swait.ge [sflag:s12], $0x6000  }
0xea: {  	[sflag:s12] =	ssyncset.done $0x0  }
0xeb: {  	s31 =	rddreg [dreg:$0x10];
	[sflag:s12] =	ssyncadd.s32 $0xFFFFA000  }
0xec: {  	[hbm4b:s31+s5] =	stream.strided.scatter [tilespmem:s8], [sflag:$0x7], $0x6000, s10, s5, $0x38;
	[tilespmem:$0x1E000] =	vst v63  }
0xed: {  	_ =	swait.ge [sflag:s15], $0x6000  }
0xee: {  	[sflag:s15] =	ssyncset.done $0x0  }
0xef: {  	s31 =	rddreg [dreg:$0x11];
	[sflag:s15] =	ssyncadd.s32 $0xFFFFA000  }
0xf0: {  	[tilespmem:s21], [sflag:$0x5] =	stream.strided.gather [hbm4b:s31+s5], $0x6000, s18, s5, $0x38;
	[tilespmem:$0x1E000] =	vst v63  }
0xf1: {  	_ =	swait.ge [sflag:s29], $0x6000  }
0xf2: {  	[sflag:s29] =	ssyncset.done $0x0  }
0xf3: {  	s31 =	rddreg [dreg:$0x12];
	[sflag:s29] =	ssyncadd.s32 $0xFFFFA000  }
0xf4: {  	[hbm4b:s31+s5] =	stream.strided.scatter [tilespmem:s26], [sflag:$0x8], $0x6000, s10, s5, $0x38;
	[tilespmem:$0x1E000] =	vst v63  }
0xf5: {  	_ =	swait.ge [sflag:s4], $0x6000  }
0xf6: {  	[sflag:s4] =	ssyncset.done $0x0  }
0xf7: {  	s31 =	rddreg [dreg:$0x13];
	[sflag:s4] =	ssyncadd.s32 $0xFFFFA000  }
0xf8: {  	[tilespmem:s2], [sflag:$0x1] =	stream.strided.gather [hbm4b:s31+s5], $0x6000, s18, s5, $0x38;
	[tilespmem:$0x1E000] =	vst v63  }
0xf9: {  	_ =	swait.ge [sflag:s28], $0x6000  }
0xfa: {  	[sflag:s28] =	ssyncset.done $0x0  }
0xfb: {  	s31 =	rddreg [dreg:$0x14];
	[sflag:s28] =	ssyncadd.s32 $0xFFFFA000  }
0xfc: {  	[hbm4b:s31+s5] =	stream.strided.scatter [tilespmem:s24], [sflag:$0x9], $0x6000, s10, s5, $0x38;
	[tilespmem:$0x1E000] =	vst v63  }
0xfd: {  	_ =	swait.ge [sflag:s6], $0x6000  }
0xfe: {  	[sflag:s6] =	ssyncset.done $0x0  }
0xff: {  	s31 =	rddreg [dreg:$0x15];
	[sflag:s6] =	ssyncadd.s32 $0xFFFFA000  }
0x100: {  	[tilespmem:s8], [sflag:$0x2] =	stream.strided.gather [hbm4b:s31+s5], $0x6000, s18, s5, $0x38;
	[tilespmem:$0x1E000] =	vst v63  }
0x101: {  	_ =	swait.ge [sflag:s25], $0x6000  }
0x102: {  	[sflag:s25] =	ssyncset.done $0x0  }
0x103: {  	s31 =	rddreg [dreg:$0x16];
	[sflag:s25] =	ssyncadd.s32 $0xFFFFA000  }
0x104: {  	[hbm4b:s31+s5] =	stream.strided.scatter [tilespmem:s21], [sflag:$0xA], $0x6000, s10, s5, $0x38;
	[tilespmem:$0x1E000] =	vst v63  }
0x105: {  	_ =	swait.ge [sflag:s19], $0x6000  }
0x106: {  	[sflag:s19] =	ssyncset.done $0x0  }
0x107: {  	s31 =	rddreg [dreg:$0x17];
	[sflag:s19] =	ssyncadd.s32 $0xFFFFA000  }
0x108: {  	[tilespmem:s26], [sflag:$0x3] =	stream.strided.gather [hbm4b:s31+s5], $0x6000, s18, s5, $0x38;
	[tilespmem:$0x1E000] =	vst v63  }
0x109: {  	_ =	swait.ge [sflag:s13], $0x6000  }
0x10a: {  	[sflag:s13] =	ssyncset.done $0x0  }
0x10b: {  	s31 =	rddreg [dreg:$0x18];
	[sflag:s13] =	ssyncadd.s32 $0xFFFFA000  }
0x10c: {  	[hbm4b:s31+s5] =	stream.strided.scatter [tilespmem:s2], [sflag:$0x6], $0x6000, s10, s5, $0x38;
	[tilespmem:$0x1E000] =	vst v63  }
0x10d: {  	_ =	swait.ge [sflag:s16], $0x6000  }
0x10e: {  	[sflag:s16] =	ssyncset.done $0x0  }
0x10f: {  	s31 =	rddreg [dreg:$0x19];
	[sflag:s16] =	ssyncadd.s32 $0xFFFFA000  }
0x110: {  	[tilespmem:s24], [sflag:$0x4] =	stream.strided.gather [hbm4b:s31+s5], $0x6000, s18, s5, $0x38;
	[tilespmem:$0x1E000] =	vst v63  }
0x111: {  	_ =	swait.ge [sflag:s12], $0x6000  }
0x112: {  	[sflag:s12] =	ssyncset.done $0x0  }
0x113: {  	[sflag:s12] =	ssyncadd.s32 $0xFFFFA000  }
0x114: {  	[hbm4b:s23+s5] =	stream.strided.scatter [tilespmem:s8], [sflag:$0x7], $0x6000, s10, s5, $0x38;
	[tilespmem:$0x1E000] =	vst v63  }
0x115: {  	_ =	swait.ge [sflag:s15], $0x6000  }
0x116: {  	[sflag:s15] =	ssyncset.done $0x0  }
0x117: {  	[sflag:s15] =	ssyncadd.s32 $0xFFFFA000  }
0x118: {  	[tilespmem:s21], [sflag:$0x5] =	stream.strided.gather [hbm4b:s22+s5], $0x6000, s18, s5, $0x38;
	[tilespmem:$0x1E000] =	vst v63  }
0x119: {  	_ =	swait.ge [sflag:s29], $0x6000  }
0x11a: {  	[sflag:s29] =	ssyncset.done $0x0  }
0x11b: {  	[sflag:s29] =	ssyncadd.s32 $0xFFFFA000  }
0x11c: {  	[hbm4b:s20+s5] =	stream.strided.scatter [tilespmem:s26], [sflag:$0x8], $0x6000, s10, s5, $0x38;
	[tilespmem:$0x1E000] =	vst v63  }
0x11d: {  	_ =	swait.ge [sflag:s4], $0x6000  }
0x11e: {  	[sflag:s4] =	ssyncset.done $0x0  }
0x11f: {  	[sflag:s4] =	ssyncadd.s32 $0xFFFFA000  }
0x120: {  	[tilespmem:s2], [sflag:$0x1] =	stream.strided.gather [hbm4b:s17+s5], $0x6000, s18, s5, $0x38;
	[tilespmem:$0x1E000] =	vst v63  }
0x121: {  	_ =	swait.ge [sflag:s28], $0x6000  }
0x122: {  	[sflag:s28] =	ssyncset.done $0x0  }
0x123: {  	[sflag:s28] =	ssyncadd.s32 $0xFFFFA000  }
0x124: {  	[hbm4b:s14+s5] =	stream.strided.scatter [tilespmem:s24], [sflag:$0x9], $0x6000, s10, s5, $0x38;
	[tilespmem:$0x1E000] =	vst v63  }
0x125: {  	_ =	swait.ge [sflag:s6], $0x6000  }
0x126: {  	[sflag:s6] =	ssyncset.done $0x0  }
0x127: {  	[sflag:s6] =	ssyncadd.s32 $0xFFFFA000  }
0x128: {  	[tilespmem:s8], [sflag:$0x2] =	stream.strided.gather [hbm4b:s11+s5], $0x6000, s18, s5, $0x38;
	[tilespmem:$0x1E000] =	vst v63  }
0x129: {  	_ =	swait.ge [sflag:s25], $0x6000  }
0x12a: {  	[sflag:s25] =	ssyncset.done $0x0  }
0x12b: {  	[sflag:s25] =	ssyncadd.s32 $0xFFFFA000  }
0x12c: {  	[hbm4b:s9+s5] =	stream.strided.scatter [tilespmem:s21], [sflag:$0xA], $0x6000, s10, s5, $0x38;
	[tilespmem:$0x1E000] =	vst v63  }
0x12d: {  	_ =	swait.ge [sflag:s13], $0x6000  }
0x12e: {  	[sflag:s13] =	ssyncset.done $0x0  }
0x12f: {  	[sflag:s13] =	ssyncadd.s32 $0xFFFFA000  }
0x130: {  	[hbm4b:s7+s5] =	stream.strided.scatter [tilespmem:s2], [sflag:$0x6], $0x6000, s10, s5, $0x38;
	[tilespmem:$0x1E000] =	vst v63  }
0x131: {  	_ =	swait.ge [sflag:s12], $0x6000  }
0x132: {  	[sflag:s12] =	ssyncset.done $0x0  }
0x133: {  	[sflag:s12] =	ssyncadd.s32 $0xFFFFA000  }
0x134: {  	[hbm4b:s3+s5] =	stream.strided.scatter [tilespmem:s8], [sflag:$0x7], $0x6000, s10, s5, $0x38;
	[tilespmem:$0x1E000] =	vst v63  }
0x135: {  	_ =	swait.ge [sflag:s19], $0x6000  }
0x136: {  	[sflag:s19] =	ssyncset.done $0x0  }
0x137: {  	[sflag:s19] =	ssyncadd.s32 $0xFFFFA000  }
0x138: {  	_ =	swait.ge [sflag:s16], $0x6000  }
0x139: {  	[sflag:s16] =	ssyncset.done $0x0  }
0x13a: {  	[sflag:s16] =	ssyncadd.s32 $0xFFFFA000  }
0x13b: {  	_ =	swait.ge [sflag:s15], $0x6000  }
0x13c: {  	[sflag:s15] =	ssyncset.done $0x0  }
0x13d: {  	p1 =	sne.s32 s1, $0x1;
	[sflag:s15] =	ssyncadd.s32 $0xFFFFA000  }
.Ltmp2:
0x13e: {  	_ =	swait.ge [sflag:s4], $0x6000;
	(pc) =	sbr.rel @p1 .LBB2_3-.Ltmp2, $4  }
0x13f: {  	[sflag:s4] =	ssyncset.done $0x0  }
0x140: {  	[sflag:s4] =	ssyncadd.s32 $0xFFFFA000  }
0x141: {  	_ =	swait.ge [sflag:s6], $0x6000  }
0x142: {  	s1 =	sadd.s32 $0xFFFFFFFF, s1;
	[sflag:s6] =	ssyncset.done $0x0  }
0x143: {  	s31 =	rddreg [dreg:$0x1a]  }
.LBB2_5:
0x144: {  	[sflag:s6] =	ssyncadd.s32 @p0 $0xFFFFA000  }
0x145: {  	[tilespmem:s2], [sflag:$0x1] =	stream.strided.gather [hbm4b:s30+s5], $0x6000, s18, s5, $0x38;
	[tilespmem:$0x1E000] =	vst v63  }
0x146: {  	s0 =	rddreg [dreg:$0x3]  }
0x147: {  	[tilespmem:s8], [sflag:$0x2] =	stream.strided.gather [hbm4b:s0+s5], $0x6000, s18, s5, $0x38;
	[tilespmem:$0x1E000] =	vst v63  }
0x148: {  	s1 =	rddreg [dreg:$0x4]  }
0x149: {  	[tilespmem:s26], [sflag:$0x3] =	stream.strided.gather [hbm4b:s1+s5], $0x6000, s18, s5, $0x38;
	[tilespmem:$0x1E000] =	vst v63  }
0x14a: {  	_ =	swait.ge [sflag:s13], $0x6000  }
0x14b: {  	[sflag:s13] =	ssyncset.done $0x0  }
0x14c: {  	[sflag:s13] =	ssyncadd.s32 $0xFFFFA000  }
0x14d: {  	[hbm4b:s31+s5] =	stream.strided.scatter [tilespmem:s2], [sflag:$0x6], $0x6000, s10, s5, $0x38;
	[tilespmem:$0x1E000] =	vst v63  }
0x14e: {  	s30 =	rddreg [dreg:$0x5]  }
0x14f: {  	[tilespmem:s24], [sflag:$0x4] =	stream.strided.gather [hbm4b:s30+s5], $0x6000, s18, s5, $0x38;
	[tilespmem:$0x1E000] =	vst v63  }
0x150: {  	_ =	swait.ge [sflag:s12], $0x6000  }
0x151: {  	[sflag:s12] =	ssyncset.done $0x0  }
0x152: {  	s1 =	rddreg [dreg:$0x6];
	[sflag:s12] =	ssyncadd.s32 $0xFFFFA000  }
0x153: {  	[hbm4b:s1+s5] =	stream.strided.scatter [tilespmem:s8], [sflag:$0x7], $0x6000, s10, s5, $0x38;
	[tilespmem:$0x1E000] =	vst v63  }
0x154: {  	s30 =	rddreg [dreg:$0x7]  }
0x155: {  	[tilespmem:s21], [sflag:$0x5] =	stream.strided.gather [hbm4b:s30+s5], $0x6000, s18, s5, $0x38;
	[tilespmem:$0x1E000] =	vst v63  }
0x156: {  	_ =	swait.ge [sflag:s29], $0x6000  }
0x157: {  	[sflag:s29] =	ssyncset.done $0x0  }
0x158: {  	s31 =	rddreg [dreg:$0x8];
	[sflag:s29] =	ssyncadd.s32 $0xFFFFA000  }
0x159: {  	[hbm4b:s31+s5] =	stream.strided.scatter [tilespmem:s26], [sflag:$0x8], $0x6000, s10, s5, $0x38;
	[tilespmem:$0x1E000] =	vst v63  }
0x15a: {  	_ =	swait.ge [sflag:s4], $0x6000  }
0x15b: {  	[sflag:s4] =	ssyncset.done $0x0  }
0x15c: {  	s1 =	rddreg [dreg:$0x9];
	[sflag:s4] =	ssyncadd.s32 $0xFFFFA000  }
0x15d: {  	[tilespmem:s2], [sflag:$0x1] =	stream.strided.gather [hbm4b:s1+s5], $0x6000, s18, s5, $0x38;
	[tilespmem:$0x1E000] =	vst v63  }
0x15e: {  	_ =	swait.ge [sflag:s28], $0x6000  }
0x15f: {  	[sflag:s28] =	ssyncset.done $0x0  }
0x160: {  	s30 =	rddreg [dreg:$0xa];
	[sflag:s28] =	ssyncadd.s32 $0xFFFFA000  }
0x161: {  	[hbm4b:s30+s5] =	stream.strided.scatter [tilespmem:s24], [sflag:$0x9], $0x6000, s10, s5, $0x38;
	[tilespmem:$0x1E000] =	vst v63  }
0x162: {  	_ =	swait.ge [sflag:s6], $0x6000  }
0x163: {  	[sflag:s6] =	ssyncset.done $0x0  }
0x164: {  	s31 =	rddreg [dreg:$0xb];
	[sflag:s6] =	ssyncadd.s32 $0xFFFFA000  }
0x165: {  	[tilespmem:s8], [sflag:$0x2] =	stream.strided.gather [hbm4b:s31+s5], $0x6000, s18, s5, $0x38;
	[tilespmem:$0x1E000] =	vst v63  }
0x166: {  	_ =	swait.ge [sflag:s25], $0x6000  }
0x167: {  	[sflag:s25] =	ssyncset.done $0x0  }
0x168: {  	s1 =	rddreg [dreg:$0xc];
	[sflag:s25] =	ssyncadd.s32 $0xFFFFA000  }
0x169: {  	[hbm4b:s1+s5] =	stream.strided.scatter [tilespmem:s21], [sflag:$0xA], $0x6000, s10, s5, $0x38;
	[tilespmem:$0x1E000] =	vst v63  }
0x16a: {  	_ =	swait.ge [sflag:s19], $0x6000  }
0x16b: {  	[sflag:s19] =	ssyncset.done $0x0  }
0x16c: {  	s30 =	rddreg [dreg:$0xd];
	[sflag:s19] =	ssyncadd.s32 $0xFFFFA000  }
0x16d: {  	[tilespmem:s26], [sflag:$0x3] =	stream.strided.gather [hbm4b:s30+s5], $0x6000, s18, s5, $0x38;
	[tilespmem:$0x1E000] =	vst v63  }
0x16e: {  	_ =	swait.ge [sflag:s13], $0x6000  }
0x16f: {  	[sflag:s13] =	ssyncset.done $0x0  }
0x170: {  	s31 =	rddreg [dreg:$0xe];
	[sflag:s13] =	ssyncadd.s32 $0xFFFFA000  }
0x171: {  	[hbm4b:s31+s5] =	stream.strided.scatter [tilespmem:s2], [sflag:$0x6], $0x6000, s10, s5, $0x38;
	[tilespmem:$0x1E000] =	vst v63  }
0x172: {  	_ =	swait.ge [sflag:s16], $0x6000  }
0x173: {  	[sflag:s16] =	ssyncset.done $0x0  }
0x174: {  	s1 =	rddreg [dreg:$0xf];
	[sflag:s16] =	ssyncadd.s32 $0xFFFFA000  }
0x175: {  	[tilespmem:s24], [sflag:$0x4] =	stream.strided.gather [hbm4b:s1+s5], $0x6000, s18, s5, $0x38;
	[tilespmem:$0x1E000] =	vst v63  }
0x176: {  	_ =	swait.ge [sflag:s12], $0x6000  }
0x177: {  	[sflag:s12] =	ssyncset.done $0x0  }
0x178: {  	s30 =	rddreg [dreg:$0x10];
	[sflag:s12] =	ssyncadd.s32 $0xFFFFA000  }
0x179: {  	[hbm4b:s30+s5] =	stream.strided.scatter [tilespmem:s8], [sflag:$0x7], $0x6000, s10, s5, $0x38;
	[tilespmem:$0x1E000] =	vst v63  }
0x17a: {  	_ =	swait.ge [sflag:s15], $0x6000  }
0x17b: {  	[sflag:s15] =	ssyncset.done $0x0  }
0x17c: {  	s31 =	rddreg [dreg:$0x11];
	[sflag:s15] =	ssyncadd.s32 $0xFFFFA000  }
0x17d: {  	[tilespmem:s21], [sflag:$0x5] =	stream.strided.gather [hbm4b:s31+s5], $0x6000, s18, s5, $0x38;
	[tilespmem:$0x1E000] =	vst v63  }
0x17e: {  	_ =	swait.ge [sflag:s29], $0x6000  }
0x17f: {  	[sflag:s29] =	ssyncset.done $0x0  }
0x180: {  	s1 =	rddreg [dreg:$0x12];
	[sflag:s29] =	ssyncadd.s32 $0xFFFFA000  }
0x181: {  	[hbm4b:s1+s5] =	stream.strided.scatter [tilespmem:s26], [sflag:$0x8], $0x6000, s10, s5, $0x38;
	[tilespmem:$0x1E000] =	vst v63  }
0x182: {  	_ =	swait.ge [sflag:s4], $0x6000  }
0x183: {  	[sflag:s4] =	ssyncset.done $0x0  }
0x184: {  	s30 =	rddreg [dreg:$0x13];
	[sflag:s4] =	ssyncadd.s32 $0xFFFFA000  }
0x185: {  	[tilespmem:s2], [sflag:$0x1] =	stream.strided.gather [hbm4b:s30+s5], $0x6000, s18, s5, $0x38;
	[tilespmem:$0x1E000] =	vst v63  }
0x186: {  	_ =	swait.ge [sflag:s28], $0x6000  }
0x187: {  	[sflag:s28] =	ssyncset.done $0x0  }
0x188: {  	s31 =	rddreg [dreg:$0x14];
	[sflag:s28] =	ssyncadd.s32 $0xFFFFA000  }
0x189: {  	[hbm4b:s31+s5] =	stream.strided.scatter [tilespmem:s24], [sflag:$0x9], $0x6000, s10, s5, $0x38;
	[tilespmem:$0x1E000] =	vst v63  }
0x18a: {  	_ =	swait.ge [sflag:s6], $0x6000  }
0x18b: {  	[sflag:s6] =	ssyncset.done $0x0  }
0x18c: {  	s1 =	rddreg [dreg:$0x15];
	[sflag:s6] =	ssyncadd.s32 $0xFFFFA000  }
0x18d: {  	[tilespmem:s8], [sflag:$0x2] =	stream.strided.gather [hbm4b:s1+s5], $0x6000, s18, s5, $0x38;
	[tilespmem:$0x1E000] =	vst v63  }
0x18e: {  	_ =	swait.ge [sflag:s25], $0x6000  }
0x18f: {  	[sflag:s25] =	ssyncset.done $0x0  }
0x190: {  	s30 =	rddreg [dreg:$0x16];
	[sflag:s25] =	ssyncadd.s32 $0xFFFFA000  }
0x191: {  	[hbm4b:s30+s5] =	stream.strided.scatter [tilespmem:s21], [sflag:$0xA], $0x6000, s10, s5, $0x38;
	[tilespmem:$0x1E000] =	vst v63  }
0x192: {  	_ =	swait.ge [sflag:s19], $0x6000  }
0x193: {  	[sflag:s19] =	ssyncset.done $0x0  }
0x194: {  	s31 =	rddreg [dreg:$0x17];
	[sflag:s19] =	ssyncadd.s32 $0xFFFFA000  }
0x195: {  	[tilespmem:s26], [sflag:$0x3] =	stream.strided.gather [hbm4b:s31+s5], $0x6000, s18, s5, $0x38;
	[tilespmem:$0x1E000] =	vst v63  }
0x196: {  	_ =	swait.ge [sflag:s13], $0x6000  }
0x197: {  	[sflag:s13] =	ssyncset.done $0x0  }
0x198: {  	s1 =	rddreg [dreg:$0x18];
	[sflag:s13] =	ssyncadd.s32 $0xFFFFA000  }
0x199: {  	[hbm4b:s1+s5] =	stream.strided.scatter [tilespmem:s2], [sflag:$0x6], $0x6000, s10, s5, $0x38;
	[tilespmem:$0x1E000] =	vst v63  }
0x19a: {  	_ =	swait.ge [sflag:s16], $0x6000  }
0x19b: {  	[sflag:s16] =	ssyncset.done $0x0  }
0x19c: {  	s30 =	rddreg [dreg:$0x19];
	[sflag:s16] =	ssyncadd.s32 $0xFFFFA000  }
0x19d: {  	[tilespmem:s24], [sflag:$0x4] =	stream.strided.gather [hbm4b:s30+s5], $0x6000, s18, s5, $0x38;
	[tilespmem:$0x1E000] =	vst v63  }
0x19e: {  	_ =	swait.ge [sflag:s12], $0x6000  }
0x19f: {  	[sflag:s12] =	ssyncset.done $0x0  }
0x1a0: {  	[sflag:s12] =	ssyncadd.s32 $0xFFFFA000  }
0x1a1: {  	[hbm4b:s23+s5] =	stream.strided.scatter [tilespmem:s8], [sflag:$0x7], $0x6000, s10, s5, $0x38;
	[tilespmem:$0x1E000] =	vst v63  }
0x1a2: {  	_ =	swait.ge [sflag:s15], $0x6000  }
0x1a3: {  	[sflag:s15] =	ssyncset.done $0x0  }
0x1a4: {  	[sflag:s15] =	ssyncadd.s32 $0xFFFFA000  }
0x1a5: {  	[tilespmem:s21], [sflag:$0x5] =	stream.strided.gather [hbm4b:s22+s5], $0x6000, s18, s5, $0x38;
	[tilespmem:$0x1E000] =	vst v63  }
0x1a6: {  	_ =	swait.ge [sflag:s29], $0x6000  }
0x1a7: {  	[sflag:s29] =	ssyncset.done $0x0  }
0x1a8: {  	[sflag:s29] =	ssyncadd.s32 $0xFFFFA000  }
0x1a9: {  	[hbm4b:s20+s5] =	stream.strided.scatter [tilespmem:s26], [sflag:$0x8], $0x6000, s10, s5, $0x38;
	[tilespmem:$0x1E000] =	vst v63  }
0x1aa: {  	_ =	swait.ge [sflag:s4], $0x6000  }
0x1ab: {  	[sflag:s4] =	ssyncset.done $0x0  }
0x1ac: {  	[sflag:s4] =	ssyncadd.s32 $0xFFFFA000  }
0x1ad: {  	[tilespmem:s2], [sflag:$0x1] =	stream.strided.gather [hbm4b:s17+s5], $0x6000, s18, s5, $0x38;
	[tilespmem:$0x1E000] =	vst v63  }
0x1ae: {  	_ =	swait.ge [sflag:s28], $0x6000  }
0x1af: {  	[sflag:s28] =	ssyncset.done $0x0  }
0x1b0: {  	[sflag:s28] =	ssyncadd.s32 $0xFFFFA000  }
0x1b1: {  	[hbm4b:s14+s5] =	stream.strided.scatter [tilespmem:s24], [sflag:$0x9], $0x6000, s10, s5, $0x38;
	[tilespmem:$0x1E000] =	vst v63  }
0x1b2: {  	_ =	swait.ge [sflag:s6], $0x6000  }
0x1b3: {  	[sflag:s6] =	ssyncset.done $0x0  }
0x1b4: {  	[sflag:s6] =	ssyncadd.s32 $0xFFFFA000  }
0x1b5: {  	[tilespmem:s8], [sflag:$0x2] =	stream.strided.gather [hbm4b:s11+s5], $0x6000, s18, s5, $0x38;
	[tilespmem:$0x1E000] =	vst v63  }
0x1b6: {  	_ =	swait.ge [sflag:s25], $0x6000  }
0x1b7: {  	[sflag:s25] =	ssyncset.done $0x0  }
0x1b8: {  	[sflag:s25] =	ssyncadd.s32 $0xFFFFA000  }
0x1b9: {  	[hbm4b:s9+s5] =	stream.strided.scatter [tilespmem:s21], [sflag:$0xA], $0x6000, s10, s5, $0x38;
	[tilespmem:$0x1E000] =	vst v63  }
0x1ba: {  	_ =	swait.ge [sflag:s13], $0x6000  }
0x1bb: {  	[sflag:s13] =	ssyncset.done $0x0  }
0x1bc: {  	[sflag:s13] =	ssyncadd.s32 $0xFFFFA000  }
0x1bd: {  	[hbm4b:s7+s5] =	stream.strided.scatter [tilespmem:s2], [sflag:$0x6], $0x6000, s10, s5, $0x38;
	[tilespmem:$0x1E000] =	vst v63  }
0x1be: {  	_ =	swait.ge [sflag:s12], $0x6000  }
0x1bf: {  	[sflag:s12] =	ssyncset.done $0x0  }
0x1c0: {  	[sflag:s12] =	ssyncadd.s32 $0xFFFFA000  }
0x1c1: {  	[hbm4b:s3+s5] =	stream.strided.scatter [tilespmem:s8], [sflag:$0x7], $0x6000, s10, s5, $0x38;
	[tilespmem:$0x1E000] =	vst v63  }
0x1c2: {  	_ =	swait.ge [sflag:s19], $0x6000  }
0x1c3: {  	[sflag:s19] =	ssyncset.done $0x0  }
0x1c4: {  	[sflag:s19] =	ssyncadd.s32 $0xFFFFA000  }
0x1c5: {  	_ =	swait.ge [sflag:s16], $0x6000  }
0x1c6: {  	[sflag:s16] =	ssyncset.done $0x0  }
0x1c7: {  	[sflag:s16] =	ssyncadd.s32 $0xFFFFA000  }
0x1c8: {  	_ =	swait.ge [sflag:s15], $0x6000  }
0x1c9: {  	[sflag:s15] =	ssyncset.done $0x0  }
0x1ca: {  	[sflag:s15] =	ssyncadd.s32 $0xFFFFA000  }
0x1cb: {  	_ =	swait.ge [sflag:s4], $0x6000  }
0x1cc: {  	[sflag:s4] =	ssyncset.done $0x0  }
0x1cd: {  	[sflag:s4] =	ssyncadd.s32 $0xFFFFA000  }
0x1ce: {  	_ =	swait.ge [sflag:s6], $0x6000  }
0x1cf: {  	[sflag:s6] =	ssyncset.done $0x0  }
0x1d0: {  	[sflag:s6] =	ssyncadd.s32 $0xFFFFA000  }
0x1d1: {  	_ =	sfence.sel $0x180000  }
0x1d2: {  	[bflag:$0x0] =	sbarrier.arrive $0xFFFF  }
0x1d3: {  	_ =	strace $0x90000047  }
0x1d4: {  	s31 =	stileid.u32;
	[bflag:$0x2] =	sbarrier.arrive $0xFFFF  }
0x1d5: {  	p0 =	sne.s32 s31, $0x0;
	s0 =	rddreg [dreg:$0x2]  }
0x1d6: {  	s0 =	sadd.s32 @!p0 $0x100000, s0  }
0x1d7: {  	[sflag:s0] =	ssyncadd.tile.s32 @!p0 $0x1;
	_ =	shalt  }
.LBB2_2:
.Ltmp3:
0x1d8: {  	(pc) =	sbr.rel .LBB2_5-.Ltmp3, $2  }
0x1d9: {  	_ =	sdelay $0x2  }
0x1da: {  	s31 =	rddreg [dreg:$0x1a]  }
.Lfunc_end2:
_tile_overlayer_lowered:
.L_overlay_start_2:
0x1db: {  	(tag) =	ssettag $0x2  }
0x1dc: {  	s0 =	rddreg [dreg:$0x0];
	s2 =	stileid.u32  }
0x1dd: {  	s1 =	rddreg [dreg:$0x1];
	p0 =	sne.s32 s2, $0x0  }
0x1de: {  	s3 =	rddreg [dreg:$0x2];
	[bflag:$0x3] =	sbarrier.arrive $0xFFFF;
	s2 =	simm.s32 @!p0 $0x1C0B  }
0x1df: {  	[timem:s3], [sflag:s2] =	dma.local @!p0 [hbm:s0], s1  }
0x1e0: {  	s0 =	simm.s32 @!p0 $0xB  }
0x1e1: {  	_ =	swait.ge @!p0 [sflag:s0], s1  }
0x1e2: {  	s1 =	ssub.s32 @!p0 $0x0, s1;
	[sflag:s0] =	ssyncset.done @!p0 $0x0  }
0x1e3: {  	[sflag:s0] =	ssyncadd.s32 @!p0 s1  }
0x1e4: {  	[bflag:$0x3] =	sbarrier.arrive $0xFFFF  }
0x1e5: {  	_ =	shalt  }

</sc_bundles>
